<compile_context>
chip_gen: v7x
topology: tpu7x:2x2x1
jax: 0.10.2.dev20260603
libtpu: 0.0.44.dev20260713+nightly
codegen_flags: <defaults>
</compile_context>

<pallas_src>
import jax
import jax.numpy as jnp
from jax import lax
from jax.experimental import pallas as pl
from jax.experimental.pallas import tpu as pltpu
from jax.experimental.pallas import tpu_sc as plsc

N = 10000
D = 256
H = 256
O = 128
E = 160000
HALF = D // 2
NC = 2
NS = 16
CH = 128
EPT = 10240
NK = EPT // CH
NKH = NK // NC
NKS = NK // 2
EP = NS * EPT
NP = 10240
RPT = NP // NS
CW = 16
DUMP = NP - CW


def _sum_body(xc_a, xc_b, xc_p, s_ab, d_ab, s_bp, d_bp, s_pa, d_pa, zf_h,
              sums, acc, isrc, idst, gbuf_a, gbuf_b, g_a, g_b, s_a, s_b):
    c = lax.axis_index("c")
    s = lax.axis_index("s")

    for r, (xc, srcs, dsts) in enumerate(((xc_a, s_ab, d_ab),
                                          (xc_b, s_bp, d_bp),
                                          (xc_p, s_pa, d_pa))):
        pltpu.sync_copy(zf_h, acc.at[pl.ds(s * RPT, RPT)])
        plsc.subcore_barrier()
        for h in range(NK // NKS):
            pltpu.sync_copy(srcs.at[c, s, pl.ds(h * NKS, NKS)], isrc)
            pltpu.sync_copy(dsts.at[s, pl.ds(h * NKS, NKS)], idst)
            pltpu.async_copy(xc.at[isrc.at[0]], gbuf_a, g_a)
            pltpu.async_copy(xc.at[isrc.at[1]], gbuf_b, g_b)

            def pair(kk, carry):
                k0 = 2 * kk
                k1 = 2 * kk + 1
                pltpu.make_async_copy(xc.at[isrc.at[k0]], gbuf_a, g_a).wait()
                pltpu.async_copy(gbuf_a, acc.at[idst.at[k0]], s_a, add=True)
                pltpu.make_async_copy(xc.at[isrc.at[k1]], gbuf_b, g_b).wait()
                pltpu.async_copy(gbuf_b, acc.at[idst.at[k1]], s_b, add=True)
                pltpu.make_async_copy(gbuf_a, acc.at[idst.at[k0]], s_a).wait()

                @pl.when(k0 + 2 < NKS)
                def _():
                    pltpu.async_copy(xc.at[isrc.at[k0 + 2]], gbuf_a, g_a)

                pltpu.make_async_copy(gbuf_b, acc.at[idst.at[k1]], s_b).wait()

                @pl.when(k1 + 2 < NKS)
                def _():
                    pltpu.async_copy(xc.at[isrc.at[k1 + 2]], gbuf_b, g_b)

                return carry

            lax.fori_loop(0, NKS // 2, pair, 0)
        plsc.subcore_barrier()
        pltpu.sync_copy(acc.at[pl.ds(s * RPT, RPT)],
                        sums.at[r, c, pl.ds(s * RPT, RPT)])


def _cnt_body(d_ab, d_bp, d_pa, zn_h, cnts, cnt1d, idst):
    c = lax.axis_index("c")
    s = lax.axis_index("s")
    for r, dsts in enumerate((d_ab, d_bp, d_pa)):
        pltpu.sync_copy(zn_h, cnt1d)
        pltpu.sync_copy(dsts.at[s, pl.ds(c * NKH, NKH)], idst)

        def ebody(e, carry):
            k = e // (CH // 16)
            i = e % (CH // 16)
            idx = idst[k, pl.ds(i * 16, 16)]
            plsc.addupdate_scatter(cnt1d, [idx],
                                   jnp.full((16,), 1.0, jnp.float32))
            return carry

        lax.fori_loop(0, NKH * (CH // 16), ebody, 0)
        pltpu.sync_copy(cnt1d, cnts.at[r, c, s])


def _sc_mesh():
    return plsc.VectorSubcoreMesh(core_axis_name="c", subcore_axis_name="s",
                                  num_cores=NC, num_subcores=NS)


def _make_sum_call():
    return pl.kernel(
        _sum_body,
        out_type=jax.ShapeDtypeStruct((3, NC, NP, HALF), jnp.float32),
        mesh=_sc_mesh(),
        scratch_types=[
            pltpu.VMEM_SHARED((NP, HALF), jnp.float32),
            pltpu.VMEM((NKS, CH), jnp.int32),
            pltpu.VMEM((NKS, CH), jnp.int32),
            pltpu.VMEM((CH, HALF), jnp.float32),
            pltpu.VMEM((CH, HALF), jnp.float32),
            pltpu.SemaphoreType.DMA,
            pltpu.SemaphoreType.DMA,
            pltpu.SemaphoreType.DMA,
            pltpu.SemaphoreType.DMA,
        ],
    )


def _make_cnt_call():
    return pl.kernel(
        _cnt_body,
        out_type=jax.ShapeDtypeStruct((3, NC, NS, NP), jnp.float32),
        mesh=_sc_mesh(),
        scratch_types=[
            pltpu.VMEM((NP,), jnp.float32),
            pltpu.VMEM((NKH, CH), jnp.int32),
        ],
        compiler_params=pltpu.CompilerParams(needs_layout_passes=False),
    )


BN = 2048
NB = NP // BN


def _tc_body(sums_ref, cnts_ref, x_ref, wl_ref, wr_ref, bl_ref, lw_ref,
             lb_ref, out_ref, p_scr, q_scr, r_scr):
    nb = pl.program_id(1)

    @pl.when(nb == 0)
    def _():
        lw = lw_ref[...]
        p_scr[...] = lax.dot_general(
            wl_ref[0], lw, (((0,), (1,)), ((), ())),
            preferred_element_type=jnp.float32)
        q_scr[...] = lax.dot_general(
            wr_ref[0], lw, (((0,), (1,)), ((), ())),
            preferred_element_type=jnp.float32)
        r_scr[...] = lax.dot_general(
            bl_ref[0], lw, (((1,), (1,)), ((), ())),
            preferred_element_type=jnp.float32) + lb_ref[...]

    sm = sums_ref[0]
    cnt = jnp.sum(cnts_ref[0], axis=(0, 1))[:, None]
    cl = jnp.maximum(cnt, 1.0)
    m0 = sm[0] / cl
    m1 = sm[1] / cl
    p = p_scr[...]
    h = (jnp.dot(m0, p[:HALF], preferred_element_type=jnp.float32)
         + jnp.dot(m1, p[HALF:], preferred_element_type=jnp.float32)
         + jnp.dot(x_ref[0], q_scr[...], preferred_element_type=jnp.float32)
         + r_scr[...])
    out_ref[0] = jnp.maximum(h, 0.0)


_tc_call = pl.pallas_call(
    _tc_body,
    grid=(3, NB),
    in_specs=[
        pl.BlockSpec((1, NC, BN, HALF), lambda t, b: (t, 0, b, 0)),
        pl.BlockSpec((1, NC, NS, BN), lambda t, b: (t, 0, 0, b)),
        pl.BlockSpec((1, BN, D), lambda t, b: (t, b, 0)),
        pl.BlockSpec((1, H, D), lambda t, b: (t, 0, 0)),
        pl.BlockSpec((1, H, D), lambda t, b: (t, 0, 0)),
        pl.BlockSpec((1, 1, H), lambda t, b: (t, 0, 0)),
        pl.BlockSpec((O, H), lambda t, b: (0, 0)),
        pl.BlockSpec((1, O), lambda t, b: (0, 0)),
    ],
    out_specs=pl.BlockSpec((1, BN, O), lambda t, b: (t, b, 0)),
    out_shape=jax.ShapeDtypeStruct((3, NP, O), jnp.float32),
    scratch_shapes=[pltpu.VMEM((D, O), jnp.float32),
                    pltpu.VMEM((D, O), jnp.float32),
                    pltpu.VMEM((1, O), jnp.float32)],
    compiler_params=pltpu.CompilerParams(
        dimension_semantics=("arbitrary", "arbitrary")),
)


def _prep(x, ei):
    xc = x.reshape(2 * N, HALF)
    pad = EP - E
    src = jnp.concatenate([2 * ei[0], jnp.zeros((pad,), jnp.int32)])
    dst = jnp.concatenate([ei[1], jnp.full((pad,), DUMP, jnp.int32)])
    src = src.reshape(NS, NK, CH)
    dst = dst.reshape(NS, NK, CH)
    srcs = jnp.stack([src, src + 1])
    return xc, srcs, dst


def kernel(x_adresse, x_batiment, x_parcelle, ei_ab, ei_bp, ei_pa,
           Wl_ab, bl_ab, Wr_ab, Wl_bp, bl_bp, Wr_bp, Wl_pa, bl_pa, Wr_pa,
           lin_W, lin_b):
    xc_a, s_ab, d_ab = _prep(x_adresse, ei_ab)
    xc_b, s_bp, d_bp = _prep(x_batiment, ei_bp)
    xc_p, s_pa, d_pa = _prep(x_parcelle, ei_pa)
    zf = jnp.zeros((RPT, HALF), jnp.float32)
    zn = jnp.zeros((NP,), jnp.float32)
    sums = _make_sum_call()(xc_a, xc_b, xc_p, s_ab, d_ab, s_bp, d_bp,
                            s_pa, d_pa, zf)
    cnts = _make_cnt_call()(d_ab, d_bp, d_pa, zn)
    x_all = jnp.pad(jnp.stack([x_batiment, x_parcelle, x_adresse]),
                    ((0, 0), (0, NP - N), (0, 0)))
    wl = jnp.stack([Wl_ab, Wl_bp, Wl_pa])
    wr = jnp.stack([Wr_ab, Wr_bp, Wr_pa])
    bl = jnp.stack([bl_ab, bl_bp, bl_pa]).reshape(3, 1, H)
    out = _tc_call(sums, cnts, x_all, wl, wr, bl, lin_W,
                   lin_b.reshape(1, O))
    return (out[2, :N], out[0, :N], out[1, :N])

# --- scband reference (transcript-rebuilt; emitter-appended) ---
"""Pipeline reference for scband-hetero-gnn-78572131713530 (READ-ONLY COPY).

The authoritative reference and input builder live on the scoring server;
editing this copy changes nothing except your own understanding.
"""

import jax, jax.numpy as jnp
import numpy as np

N = 10000
D = 256
H = 256
O = 128
E = 160000


def setup_inputs(seed: int = 0) -> dict:
    key = jax.random.key(seed)
    ks = jax.random.split(key, 20)
    inp = {}
    inp["x_adresse"] = jax.random.normal(ks[0], (N, D), dtype=jnp.float32)
    inp["x_batiment"] = jax.random.normal(ks[1], (N, D), dtype=jnp.float32)
    inp["x_parcelle"] = jax.random.normal(ks[2], (N, D), dtype=jnp.float32)
    inp["ei_ab"] = jax.random.randint(ks[3], (2, E), 0, N, dtype=jnp.int32)
    inp["ei_bp"] = jax.random.randint(ks[4], (2, E), 0, N, dtype=jnp.int32)
    inp["ei_pa"] = jax.random.randint(ks[5], (2, E), 0, N, dtype=jnp.int32)
    s_in = 1.0 / np.sqrt(D)
    s_h = 1.0 / np.sqrt(H)
    # per-relation SAGEConv params: lin_l (aggregated neighbors, with bias), lin_r (root, no bias)
    inp["Wl_ab"] = jax.random.uniform(ks[6], (H, D), dtype=jnp.float32, minval=-s_in, maxval=s_in)
    inp["bl_ab"] = jax.random.uniform(ks[7], (H,), dtype=jnp.float32, minval=-s_in, maxval=s_in)
    inp["Wr_ab"] = jax.random.uniform(ks[8], (H, D), dtype=jnp.float32, minval=-s_in, maxval=s_in)
    inp["Wl_bp"] = jax.random.uniform(ks[9], (H, D), dtype=jnp.float32, minval=-s_in, maxval=s_in)
    inp["bl_bp"] = jax.random.uniform(ks[10], (H,), dtype=jnp.float32, minval=-s_in, maxval=s_in)
    inp["Wr_bp"] = jax.random.uniform(ks[11], (H, D), dtype=jnp.float32, minval=-s_in, maxval=s_in)
    inp["Wl_pa"] = jax.random.uniform(ks[12], (H, D), dtype=jnp.float32, minval=-s_in, maxval=s_in)
    inp["bl_pa"] = jax.random.uniform(ks[13], (H,), dtype=jnp.float32, minval=-s_in, maxval=s_in)
    inp["Wr_pa"] = jax.random.uniform(ks[14], (H, D), dtype=jnp.float32, minval=-s_in, maxval=s_in)
    # shared output linear
    inp["lin_W"] = jax.random.uniform(ks[15], (O, H), dtype=jnp.float32, minval=-s_h, maxval=s_h)
    inp["lin_b"] = jax.random.uniform(ks[16], (O,), dtype=jnp.float32, minval=-s_h, maxval=s_h)
    return inp


def _sage(x_src, x_dst, ei, Wl, bl, Wr):
    src = ei[0]
    dst = ei[1]
    msgs = jnp.take(x_src, src, axis=0)
    summed = jax.ops.segment_sum(msgs, dst, num_segments=x_dst.shape[0])
    cnt = jax.ops.segment_sum(jnp.ones((ei.shape[1],), dtype=x_src.dtype), dst, num_segments=x_dst.shape[0])
    mean = summed / jnp.clip(cnt, 1.0)[:, None]
    return mean @ Wl.T + bl + x_dst @ Wr.T


def reference(x_adresse, x_batiment, x_parcelle, ei_ab, ei_bp, ei_pa,
              Wl_ab, bl_ab, Wr_ab, Wl_bp, bl_bp, Wr_bp, Wl_pa, bl_pa, Wr_pa,
              lin_W, lin_b):
    # hetero SAGE with aggr='sum' over incoming relations (one incoming relation per dst type here)
    h_b = _sage(x_adresse, x_batiment, ei_ab, Wl_ab, bl_ab, Wr_ab)
    h_p = _sage(x_batiment, x_parcelle, ei_bp, Wl_bp, bl_bp, Wr_bp)
    h_a = _sage(x_parcelle, x_adresse, ei_pa, Wl_pa, bl_pa, Wr_pa)
    out_a = jax.nn.relu(h_a @ lin_W.T + lin_b)
    out_b = jax.nn.relu(h_b @ lin_W.T + lin_b)
    out_p = jax.nn.relu(h_p @ lin_W.T + lin_b)
    return (out_a, out_b, out_p)

if __name__ == "__main__":
    import jax
    _d = setup_inputs()
    print(jax.jit(kernel)(*tuple(_d.values())))

</pallas_src>

<mosaic_0001>
#map = affine_map<(d0, d1) -> (0, 0)>
#map1 = affine_map<(d0, d1) -> (0, 0, 0, 0)>
#map2 = affine_map<(d0, d1) -> (0, 0, 0)>
module attributes {stable_mosaic.version = 14 : i64} {
  func.func @_sum_body(%arg0: i32, %arg1: i32, %arg2: memref<20000x128xf32, #tpu.memory_space<hbm>>, %arg3: memref<20000x128xf32, #tpu.memory_space<hbm>>, %arg4: memref<20000x128xf32, #tpu.memory_space<hbm>>, %arg5: memref<2x16x80x128xi32, #tpu.memory_space<hbm>>, %arg6: memref<16x80x128xi32, #tpu.memory_space<hbm>>, %arg7: memref<2x16x80x128xi32, #tpu.memory_space<hbm>>, %arg8: memref<16x80x128xi32, #tpu.memory_space<hbm>>, %arg9: memref<2x16x80x128xi32, #tpu.memory_space<hbm>>, %arg10: memref<16x80x128xi32, #tpu.memory_space<hbm>>, %arg11: memref<640x128xf32, #tpu.memory_space<hbm>>, %arg12: memref<3x2x10240x128xf32, #tpu.memory_space<hbm>>, %arg13: memref<10240x128xf32, #tpu.memory_space<vmem_shared>>, %arg14: memref<40x128xi32, #tpu.memory_space<vmem>>, %arg15: memref<40x128xi32, #tpu.memory_space<vmem>>, %arg16: memref<128x128xf32, #tpu.memory_space<vmem>>, %arg17: memref<128x128xf32, #tpu.memory_space<vmem>>, %arg18: memref<!tpu.dma_semaphore, #tpu.memory_space<semaphore_mem>>, %arg19: memref<!tpu.dma_semaphore, #tpu.memory_space<semaphore_mem>>, %arg20: memref<!tpu.dma_semaphore, #tpu.memory_space<semaphore_mem>>, %arg21: memref<!tpu.dma_semaphore, #tpu.memory_space<semaphore_mem>>) attributes {dimension_semantics = [#tpu.dimension_semantics<core_parallel>, #tpu.dimension_semantics<subcore_parallel>], iteration_bounds = array<i64: 2, 16>, scalar_prefetch = 0 : i64, scratch_operands = 9 : i64, tpu.core_type = #tpu.core_type<sc_vector_subcore>, window_params = [{transform_indices = #map}, {transform_indices = #map}, {transform_indices = #map}, {transform_indices = #map1}, {transform_indices = #map2}, {transform_indices = #map1}, {transform_indices = #map2}, {transform_indices = #map1}, {transform_indices = #map2}, {transform_indices = #map}, {transform_indices = #map1}]} {
    %mul3A = arith.constant 640 : i32
    %mul3A_0 = arith.muli %arg1, %mul3A : i32
    "tpu.region"() ({
      %run_scoped3A_142 = tpu.sem_alloc : memref<!tpu.dma_semaphore, #tpu.memory_space<semaphore_mem>>
      %dma_start3A_143 = arith.constant 0 : i32
      %dma_start3A_144 = tpu.memref_slice %arg13[%mul3A_0, %dma_start3A_143] : memref<10240x128xf32, #tpu.memory_space<vmem_shared>> -> memref<640x128xf32, #tpu.memory_space<vmem_shared>>
      tpu.enqueue_dma source(%arg11 : memref<640x128xf32, #tpu.memory_space<hbm>>) target(%dma_start3A_144 : memref<640x128xf32, #tpu.memory_space<vmem_shared>>) target_semaphore(%run_scoped3A_142 : memref<!tpu.dma_semaphore, #tpu.memory_space<semaphore_mem>>)
      %dma_wait3A = arith.constant 0 : i32
      %dma_wait3A_145 = tpu.memref_slice %arg13[%mul3A_0, %dma_wait3A] : memref<10240x128xf32, #tpu.memory_space<vmem_shared>> -> memref<640x128xf32, #tpu.memory_space<vmem_shared>>
      tpu.wait_dma2 semaphore(%run_scoped3A_142 : memref<!tpu.dma_semaphore, #tpu.memory_space<semaphore_mem>>) src(%arg11 : memref<640x128xf32, #tpu.memory_space<hbm>>) dst(%dma_wait3A_145 : memref<640x128xf32, #tpu.memory_space<vmem_shared>>)
      tpu.yield
    }) : () -> ()
    %barrier3A = arith.constant 0 : index
    tpu.barrier barrier_id(%barrier3A)
    "tpu.region"() ({
      %run_scoped3A_142 = tpu.sem_alloc : memref<!tpu.dma_semaphore, #tpu.memory_space<semaphore_mem>>
      %dma_start3A_143 = arith.constant 0 : i32
      %dma_start3A_144 = arith.constant 0 : i32
      %dma_start3A_145 = tpu.memref_slice %arg5[%arg0, %arg1, %dma_start3A_143, %dma_start3A_144] : memref<2x16x80x128xi32, #tpu.memory_space<hbm>> -> memref<1x1x40x128xi32, #tpu.memory_space<hbm>>
      %dma_start3A_146 = tpu.memref_squeeze %dma_start3A_145 : memref<1x1x40x128xi32, #tpu.memory_space<hbm>> -> memref<40x128xi32, #tpu.memory_space<hbm>>
      %dma_start3A_147 = arith.constant 0 : i32
      %dma_start3A_148 = arith.constant 0 : i32
      %dma_start3A_149 = tpu.memref_slice %arg5[%arg0, %arg1, %dma_start3A_147, %dma_start3A_148] : memref<2x16x80x128xi32, #tpu.memory_space<hbm>> -> memref<1x1x40x128xi32, #tpu.memory_space<hbm>>
      %dma_start3A_150 = tpu.memref_squeeze %dma_start3A_149 : memref<1x1x40x128xi32, #tpu.memory_space<hbm>> -> memref<40x128xi32, #tpu.memory_space<hbm>>
      tpu.enqueue_dma source(%dma_start3A_150 : memref<40x128xi32, #tpu.memory_space<hbm>>) target(%arg14 : memref<40x128xi32, #tpu.memory_space<vmem>>) target_semaphore(%run_scoped3A_142 : memref<!tpu.dma_semaphore, #tpu.memory_space<semaphore_mem>>)
      %dma_wait3A = arith.constant 0 : i32
      %dma_wait3A_151 = arith.constant 0 : i32
      %dma_wait3A_152 = tpu.memref_slice %arg5[%arg0, %arg1, %dma_wait3A, %dma_wait3A_151] : memref<2x16x80x128xi32, #tpu.memory_space<hbm>> -> memref<1x1x40x128xi32, #tpu.memory_space<hbm>>
      %dma_wait3A_153 = tpu.memref_squeeze %dma_wait3A_152 : memref<1x1x40x128xi32, #tpu.memory_space<hbm>> -> memref<40x128xi32, #tpu.memory_space<hbm>>
      %dma_wait3A_154 = arith.constant 0 : i32
      %dma_wait3A_155 = arith.constant 0 : i32
      %dma_wait3A_156 = tpu.memref_slice %arg5[%arg0, %arg1, %dma_wait3A_154, %dma_wait3A_155] : memref<2x16x80x128xi32, #tpu.memory_space<hbm>> -> memref<1x1x40x128xi32, #tpu.memory_space<hbm>>
      %dma_wait3A_157 = tpu.memref_squeeze %dma_wait3A_156 : memref<1x1x40x128xi32, #tpu.memory_space<hbm>> -> memref<40x128xi32, #tpu.memory_space<hbm>>
      tpu.wait_dma2 semaphore(%run_scoped3A_142 : memref<!tpu.dma_semaphore, #tpu.memory_space<semaphore_mem>>) src(%dma_wait3A_157 : memref<40x128xi32, #tpu.memory_space<hbm>>) dst(%arg14 : memref<40x128xi32, #tpu.memory_space<vmem>>)
      tpu.yield
    }) : () -> ()
    "tpu.region"() ({
      %run_scoped3A_142 = tpu.sem_alloc : memref<!tpu.dma_semaphore, #tpu.memory_space<semaphore_mem>>
      %dma_start3A_143 = arith.constant 0 : i32
      %dma_start3A_144 = arith.constant 0 : i32
      %dma_start3A_145 = tpu.memref_slice %arg6[%arg1, %dma_start3A_143, %dma_start3A_144] : memref<16x80x128xi32, #tpu.memory_space<hbm>> -> memref<1x40x128xi32, #tpu.memory_space<hbm>>
      %dma_start3A_146 = tpu.memref_squeeze %dma_start3A_145 : memref<1x40x128xi32, #tpu.memory_space<hbm>> -> memref<40x128xi32, #tpu.memory_space<hbm>>
      %dma_start3A_147 = arith.constant 0 : i32
      %dma_start3A_148 = arith.constant 0 : i32
      %dma_start3A_149 = tpu.memref_slice %arg6[%arg1, %dma_start3A_147, %dma_start3A_148] : memref<16x80x128xi32, #tpu.memory_space<hbm>> -> memref<1x40x128xi32, #tpu.memory_space<hbm>>
      %dma_start3A_150 = tpu.memref_squeeze %dma_start3A_149 : memref<1x40x128xi32, #tpu.memory_space<hbm>> -> memref<40x128xi32, #tpu.memory_space<hbm>>
      tpu.enqueue_dma source(%dma_start3A_150 : memref<40x128xi32, #tpu.memory_space<hbm>>) target(%arg15 : memref<40x128xi32, #tpu.memory_space<vmem>>) target_semaphore(%run_scoped3A_142 : memref<!tpu.dma_semaphore, #tpu.memory_space<semaphore_mem>>)
      %dma_wait3A = arith.constant 0 : i32
      %dma_wait3A_151 = arith.constant 0 : i32
      %dma_wait3A_152 = tpu.memref_slice %arg6[%arg1, %dma_wait3A, %dma_wait3A_151] : memref<16x80x128xi32, #tpu.memory_space<hbm>> -> memref<1x40x128xi32, #tpu.memory_space<hbm>>
      %dma_wait3A_153 = tpu.memref_squeeze %dma_wait3A_152 : memref<1x40x128xi32, #tpu.memory_space<hbm>> -> memref<40x128xi32, #tpu.memory_space<hbm>>
      %dma_wait3A_154 = arith.constant 0 : i32
      %dma_wait3A_155 = arith.constant 0 : i32
      %dma_wait3A_156 = tpu.memref_slice %arg6[%arg1, %dma_wait3A_154, %dma_wait3A_155] : memref<16x80x128xi32, #tpu.memory_space<hbm>> -> memref<1x40x128xi32, #tpu.memory_space<hbm>>
      %dma_wait3A_157 = tpu.memref_squeeze %dma_wait3A_156 : memref<1x40x128xi32, #tpu.memory_space<hbm>> -> memref<40x128xi32, #tpu.memory_space<hbm>>
      tpu.wait_dma2 semaphore(%run_scoped3A_142 : memref<!tpu.dma_semaphore, #tpu.memory_space<semaphore_mem>>) src(%dma_wait3A_157 : memref<40x128xi32, #tpu.memory_space<hbm>>) dst(%arg15 : memref<40x128xi32, #tpu.memory_space<vmem>>)
      tpu.yield
    }) : () -> ()
    %dma_start3A = arith.constant 0 : i32
    %dma_start3A_1 = arith.constant 0 : i32
    %dma_start3A_2 = tpu.memref_slice %arg14[%dma_start3A, %dma_start3A_1] : memref<40x128xi32, #tpu.memory_space<vmem>> -> memref<1x128xi32, #tpu.memory_space<vmem>>
    %dma_start3A_3 = tpu.memref_squeeze %dma_start3A_2 : memref<1x128xi32, #tpu.memory_space<vmem>> -> memref<128xi32, #tpu.memory_space<vmem>>
    %dma_start3A_4 = arith.constant 0 : i32
    %dma_start3A_5 = arith.constant 0 : i32
    %dma_start3A_6 = tpu.memref_slice %arg2[%dma_start3A_4, %dma_start3A_5] : memref<20000x128xf32, #tpu.memory_space<hbm>> -> memref<20000x128xf32, #tpu.memory_space<hbm>>
    tpu.enqueue_indirect_dma source(%dma_start3A_6 : memref<20000x128xf32, #tpu.memory_space<hbm>>) target(%arg16 : memref<128x128xf32, #tpu.memory_space<vmem>>) offsets(%dma_start3A_3 : memref<128xi32, #tpu.memory_space<vmem>>) semaphore(%arg18 : memref<!tpu.dma_semaphore, #tpu.memory_space<semaphore_mem>>)
    %dma_start3A_7 = arith.constant 1 : i32
    %dma_start3A_8 = arith.constant 0 : i32
    %dma_start3A_9 = tpu.memref_slice %arg14[%dma_start3A_7, %dma_start3A_8] : memref<40x128xi32, #tpu.memory_space<vmem>> -> memref<1x128xi32, #tpu.memory_space<vmem>>
    %dma_start3A_10 = tpu.memref_squeeze %dma_start3A_9 : memref<1x128xi32, #tpu.memory_space<vmem>> -> memref<128xi32, #tpu.memory_space<vmem>>
    %dma_start3A_11 = arith.constant 0 : i32
    %dma_start3A_12 = arith.constant 0 : i32
    %dma_start3A_13 = tpu.memref_slice %arg2[%dma_start3A_11, %dma_start3A_12] : memref<20000x128xf32, #tpu.memory_space<hbm>> -> memref<20000x128xf32, #tpu.memory_space<hbm>>
    tpu.enqueue_indirect_dma source(%dma_start3A_13 : memref<20000x128xf32, #tpu.memory_space<hbm>>) target(%arg17 : memref<128x128xf32, #tpu.memory_space<vmem>>) offsets(%dma_start3A_10 : memref<128xi32, #tpu.memory_space<vmem>>) semaphore(%arg19 : memref<!tpu.dma_semaphore, #tpu.memory_space<semaphore_mem>>)
    %scan3A = arith.constant 0 : i32
    %scan3A_14 = arith.constant 0 : i32
    %scan3A_15 = arith.constant 20 : i32
    %scan3A_16 = arith.addi %scan3A_14, %scan3A_15 : i32
    %scan3A_17 = arith.constant 1 : i32
    scf.for %scan3A_142 = %scan3A_14 to %scan3A_16 step %scan3A_17  : i32 {
      %mul3A_143 = arith.constant 2 : i32
      %mul3A_144 = arith.muli %mul3A_143, %scan3A_142 : i32
      %mul3A_145 = arith.constant 2 : i32
      %mul3A_146 = arith.muli %mul3A_145, %scan3A_142 : i32
      %add3A = arith.constant 1 : i32
      %add3A_147 = arith.addi %mul3A_146, %add3A : i32
      %dma_wait3A = arith.constant 0 : i32
      %dma_wait3A_148 = tpu.memref_slice %arg14[%mul3A_144, %dma_wait3A] : memref<40x128xi32, #tpu.memory_space<vmem>> -> memref<1x128xi32, #tpu.memory_space<vmem>>
      %dma_wait3A_149 = tpu.memref_squeeze %dma_wait3A_148 : memref<1x128xi32, #tpu.memory_space<vmem>> -> memref<128xi32, #tpu.memory_space<vmem>>
      %dma_wait3A_150 = arith.constant 0 : i32
      %dma_wait3A_151 = arith.constant 0 : i32
      %dma_wait3A_152 = tpu.memref_slice %arg2[%dma_wait3A_150, %dma_wait3A_151] : memref<20000x128xf32, #tpu.memory_space<hbm>> -> memref<20000x128xf32, #tpu.memory_space<hbm>>
      tpu.wait_indirect_dma semaphore(%arg18 : memref<!tpu.dma_semaphore, #tpu.memory_space<semaphore_mem>>) src(%dma_wait3A_152 : memref<20000x128xf32, #tpu.memory_space<hbm>>) dst(%arg16 : memref<128x128xf32, #tpu.memory_space<vmem>>)
      %dma_start3A_153 = arith.constant 0 : i32
      %dma_start3A_154 = tpu.memref_slice %arg15[%mul3A_144, %dma_start3A_153] : memref<40x128xi32, #tpu.memory_space<vmem>> -> memref<1x128xi32, #tpu.memory_space<vmem>>
      %dma_start3A_155 = tpu.memref_squeeze %dma_start3A_154 : memref<1x128xi32, #tpu.memory_space<vmem>> -> memref<128xi32, #tpu.memory_space<vmem>>
      %dma_start3A_156 = arith.constant 0 : i32
      %dma_start3A_157 = arith.constant 0 : i32
      %dma_start3A_158 = tpu.memref_slice %arg13[%dma_start3A_156, %dma_start3A_157] : memref<10240x128xf32, #tpu.memory_space<vmem_shared>> -> memref<10240x128xf32, #tpu.memory_space<vmem_shared>>
      tpu.enqueue_indirect_dma source(%arg16 : memref<128x128xf32, #tpu.memory_space<vmem>>) target(%dma_start3A_158 : memref<10240x128xf32, #tpu.memory_space<vmem_shared>>) offsets(%dma_start3A_155 : memref<128xi32, #tpu.memory_space<vmem>>) semaphore(%arg20 : memref<!tpu.dma_semaphore, #tpu.memory_space<semaphore_mem>>) {add = true}
      %dma_wait3A_159 = arith.constant 0 : i32
      %dma_wait3A_160 = tpu.memref_slice %arg14[%add3A_147, %dma_wait3A_159] : memref<40x128xi32, #tpu.memory_space<vmem>> -> memref<1x128xi32, #tpu.memory_space<vmem>>
      %dma_wait3A_161 = tpu.memref_squeeze %dma_wait3A_160 : memref<1x128xi32, #tpu.memory_space<vmem>> -> memref<128xi32, #tpu.memory_space<vmem>>
      %dma_wait3A_162 = arith.constant 0 : i32
      %dma_wait3A_163 = arith.constant 0 : i32
      %dma_wait3A_164 = tpu.memref_slice %arg2[%dma_wait3A_162, %dma_wait3A_163] : memref<20000x128xf32, #tpu.memory_space<hbm>> -> memref<20000x128xf32, #tpu.memory_space<hbm>>
      tpu.wait_indirect_dma semaphore(%arg19 : memref<!tpu.dma_semaphore, #tpu.memory_space<semaphore_mem>>) src(%dma_wait3A_164 : memref<20000x128xf32, #tpu.memory_space<hbm>>) dst(%arg17 : memref<128x128xf32, #tpu.memory_space<vmem>>)
      %dma_start3A_165 = arith.constant 0 : i32
      %dma_start3A_166 = tpu.memref_slice %arg15[%add3A_147, %dma_start3A_165] : memref<40x128xi32, #tpu.memory_space<vmem>> -> memref<1x128xi32, #tpu.memory_space<vmem>>
      %dma_start3A_167 = tpu.memref_squeeze %dma_start3A_166 : memref<1x128xi32, #tpu.memory_space<vmem>> -> memref<128xi32, #tpu.memory_space<vmem>>
      %dma_start3A_168 = arith.constant 0 : i32
      %dma_start3A_169 = arith.constant 0 : i32
      %dma_start3A_170 = tpu.memref_slice %arg13[%dma_start3A_168, %dma_start3A_169] : memref<10240x128xf32, #tpu.memory_space<vmem_shared>> -> memref<10240x128xf32, #tpu.memory_space<vmem_shared>>
      tpu.enqueue_indirect_dma source(%arg17 : memref<128x128xf32, #tpu.memory_space<vmem>>) target(%dma_start3A_170 : memref<10240x128xf32, #tpu.memory_space<vmem_shared>>) offsets(%dma_start3A_167 : memref<128xi32, #tpu.memory_space<vmem>>) semaphore(%arg21 : memref<!tpu.dma_semaphore, #tpu.memory_space<semaphore_mem>>) {add = true}
      %dma_wait3A_171 = arith.constant 0 : i32
      %dma_wait3A_172 = tpu.memref_slice %arg15[%mul3A_144, %dma_wait3A_171] : memref<40x128xi32, #tpu.memory_space<vmem>> -> memref<1x128xi32, #tpu.memory_space<vmem>>
      %dma_wait3A_173 = tpu.memref_squeeze %dma_wait3A_172 : memref<1x128xi32, #tpu.memory_space<vmem>> -> memref<128xi32, #tpu.memory_space<vmem>>
      %dma_wait3A_174 = arith.constant 0 : i32
      %dma_wait3A_175 = arith.constant 0 : i32
      %dma_wait3A_176 = tpu.memref_slice %arg13[%dma_wait3A_174, %dma_wait3A_175] : memref<10240x128xf32, #tpu.memory_space<vmem_shared>> -> memref<10240x128xf32, #tpu.memory_space<vmem_shared>>
      tpu.wait_indirect_dma semaphore(%arg20 : memref<!tpu.dma_semaphore, #tpu.memory_space<semaphore_mem>>) src(%arg16 : memref<128x128xf32, #tpu.memory_space<vmem>>) dst(%dma_wait3A_176 : memref<10240x128xf32, #tpu.memory_space<vmem_shared>>)
      %add3A_177 = arith.constant 2 : i32
      %add3A_178 = arith.addi %mul3A_144, %add3A_177 : i32
      %lt3A = arith.constant 40 : i32
      %lt3A_179 = arith.cmpi slt, %add3A_178, %lt3A : i32
      %convert_element_type3A = arith.extui %lt3A_179 : i1 to i32
      %cond3A = arith.constant 0 : i32
      %cond3A_180 = arith.cmpi ne, %convert_element_type3A, %cond3A : i32
      scf.if %cond3A_180 {
        %add3A_194 = arith.constant 2 : i32
        %add3A_195 = arith.addi %mul3A_144, %add3A_194 : i32
        %dma_start3A_196 = arith.constant 0 : i32
        %dma_start3A_197 = tpu.memref_slice %arg14[%add3A_195, %dma_start3A_196] : memref<40x128xi32, #tpu.memory_space<vmem>> -> memref<1x128xi32, #tpu.memory_space<vmem>>
        %dma_start3A_198 = tpu.memref_squeeze %dma_start3A_197 : memref<1x128xi32, #tpu.memory_space<vmem>> -> memref<128xi32, #tpu.memory_space<vmem>>
        %dma_start3A_199 = arith.constant 0 : i32
        %dma_start3A_200 = arith.constant 0 : i32
        %dma_start3A_201 = tpu.memref_slice %arg2[%dma_start3A_199, %dma_start3A_200] : memref<20000x128xf32, #tpu.memory_space<hbm>> -> memref<20000x128xf32, #tpu.memory_space<hbm>>
        tpu.enqueue_indirect_dma source(%dma_start3A_201 : memref<20000x128xf32, #tpu.memory_space<hbm>>) target(%arg16 : memref<128x128xf32, #tpu.memory_space<vmem>>) offsets(%dma_start3A_198 : memref<128xi32, #tpu.memory_space<vmem>>) semaphore(%arg18 : memref<!tpu.dma_semaphore, #tpu.memory_space<semaphore_mem>>)
      } else {
      }
      %dma_wait3A_181 = arith.constant 0 : i32
      %dma_wait3A_182 = tpu.memref_slice %arg15[%add3A_147, %dma_wait3A_181] : memref<40x128xi32, #tpu.memory_space<vmem>> -> memref<1x128xi32, #tpu.memory_space<vmem>>
      %dma_wait3A_183 = tpu.memref_squeeze %dma_wait3A_182 : memref<1x128xi32, #tpu.memory_space<vmem>> -> memref<128xi32, #tpu.memory_space<vmem>>
      %dma_wait3A_184 = arith.constant 0 : i32
      %dma_wait3A_185 = arith.constant 0 : i32
      %dma_wait3A_186 = tpu.memref_slice %arg13[%dma_wait3A_184, %dma_wait3A_185] : memref<10240x128xf32, #tpu.memory_space<vmem_shared>> -> memref<10240x128xf32, #tpu.memory_space<vmem_shared>>
      tpu.wait_indirect_dma semaphore(%arg21 : memref<!tpu.dma_semaphore, #tpu.memory_space<semaphore_mem>>) src(%arg17 : memref<128x128xf32, #tpu.memory_space<vmem>>) dst(%dma_wait3A_186 : memref<10240x128xf32, #tpu.memory_space<vmem_shared>>)
      %add3A_187 = arith.constant 2 : i32
      %add3A_188 = arith.addi %add3A_147, %add3A_187 : i32
      %lt3A_189 = arith.constant 40 : i32
      %lt3A_190 = arith.cmpi slt, %add3A_188, %lt3A_189 : i32
      %convert_element_type3A_191 = arith.extui %lt3A_190 : i1 to i32
      %cond3A_192 = arith.constant 0 : i32
      %cond3A_193 = arith.cmpi ne, %convert_element_type3A_191, %cond3A_192 : i32
      scf.if %cond3A_193 {
        %add3A_194 = arith.constant 2 : i32
        %add3A_195 = arith.addi %add3A_147, %add3A_194 : i32
        %dma_start3A_196 = arith.constant 0 : i32
        %dma_start3A_197 = tpu.memref_slice %arg14[%add3A_195, %dma_start3A_196] : memref<40x128xi32, #tpu.memory_space<vmem>> -> memref<1x128xi32, #tpu.memory_space<vmem>>
        %dma_start3A_198 = tpu.memref_squeeze %dma_start3A_197 : memref<1x128xi32, #tpu.memory_space<vmem>> -> memref<128xi32, #tpu.memory_space<vmem>>
        %dma_start3A_199 = arith.constant 0 : i32
        %dma_start3A_200 = arith.constant 0 : i32
        %dma_start3A_201 = tpu.memref_slice %arg2[%dma_start3A_199, %dma_start3A_200] : memref<20000x128xf32, #tpu.memory_space<hbm>> -> memref<20000x128xf32, #tpu.memory_space<hbm>>
        tpu.enqueue_indirect_dma source(%dma_start3A_201 : memref<20000x128xf32, #tpu.memory_space<hbm>>) target(%arg17 : memref<128x128xf32, #tpu.memory_space<vmem>>) offsets(%dma_start3A_198 : memref<128xi32, #tpu.memory_space<vmem>>) semaphore(%arg19 : memref<!tpu.dma_semaphore, #tpu.memory_space<semaphore_mem>>)
      } else {
      }
    }
    %scan3A_18 = arith.constant 20 : i32
    "tpu.region"() ({
      %run_scoped3A_142 = tpu.sem_alloc : memref<!tpu.dma_semaphore, #tpu.memory_space<semaphore_mem>>
      %dma_start3A_143 = arith.constant 40 : i32
      %dma_start3A_144 = arith.constant 0 : i32
      %dma_start3A_145 = tpu.memref_slice %arg5[%arg0, %arg1, %dma_start3A_143, %dma_start3A_144] : memref<2x16x80x128xi32, #tpu.memory_space<hbm>> -> memref<1x1x40x128xi32, #tpu.memory_space<hbm>>
      %dma_start3A_146 = tpu.memref_squeeze %dma_start3A_145 : memref<1x1x40x128xi32, #tpu.memory_space<hbm>> -> memref<40x128xi32, #tpu.memory_space<hbm>>
      %dma_start3A_147 = arith.constant 40 : i32
      %dma_start3A_148 = arith.constant 0 : i32
      %dma_start3A_149 = tpu.memref_slice %arg5[%arg0, %arg1, %dma_start3A_147, %dma_start3A_148] : memref<2x16x80x128xi32, #tpu.memory_space<hbm>> -> memref<1x1x40x128xi32, #tpu.memory_space<hbm>>
      %dma_start3A_150 = tpu.memref_squeeze %dma_start3A_149 : memref<1x1x40x128xi32, #tpu.memory_space<hbm>> -> memref<40x128xi32, #tpu.memory_space<hbm>>
      tpu.enqueue_dma source(%dma_start3A_150 : memref<40x128xi32, #tpu.memory_space<hbm>>) target(%arg14 : memref<40x128xi32, #tpu.memory_space<vmem>>) target_semaphore(%run_scoped3A_142 : memref<!tpu.dma_semaphore, #tpu.memory_space<semaphore_mem>>)
      %dma_wait3A = arith.constant 40 : i32
      %dma_wait3A_151 = arith.constant 0 : i32
      %dma_wait3A_152 = tpu.memref_slice %arg5[%arg0, %arg1, %dma_wait3A, %dma_wait3A_151] : memref<2x16x80x128xi32, #tpu.memory_space<hbm>> -> memref<1x1x40x128xi32, #tpu.memory_space<hbm>>
      %dma_wait3A_153 = tpu.memref_squeeze %dma_wait3A_152 : memref<1x1x40x128xi32, #tpu.memory_space<hbm>> -> memref<40x128xi32, #tpu.memory_space<hbm>>
      %dma_wait3A_154 = arith.constant 40 : i32
      %dma_wait3A_155 = arith.constant 0 : i32
      %dma_wait3A_156 = tpu.memref_slice %arg5[%arg0, %arg1, %dma_wait3A_154, %dma_wait3A_155] : memref<2x16x80x128xi32, #tpu.memory_space<hbm>> -> memref<1x1x40x128xi32, #tpu.memory_space<hbm>>
      %dma_wait3A_157 = tpu.memref_squeeze %dma_wait3A_156 : memref<1x1x40x128xi32, #tpu.memory_space<hbm>> -> memref<40x128xi32, #tpu.memory_space<hbm>>
      tpu.wait_dma2 semaphore(%run_scoped3A_142 : memref<!tpu.dma_semaphore, #tpu.memory_space<semaphore_mem>>) src(%dma_wait3A_157 : memref<40x128xi32, #tpu.memory_space<hbm>>) dst(%arg14 : memref<40x128xi32, #tpu.memory_space<vmem>>)
      tpu.yield
    }) : () -> ()
    "tpu.region"() ({
      %run_scoped3A_142 = tpu.sem_alloc : memref<!tpu.dma_semaphore, #tpu.memory_space<semaphore_mem>>
      %dma_start3A_143 = arith.constant 40 : i32
      %dma_start3A_144 = arith.constant 0 : i32
      %dma_start3A_145 = tpu.memref_slice %arg6[%arg1, %dma_start3A_143, %dma_start3A_144] : memref<16x80x128xi32, #tpu.memory_space<hbm>> -> memref<1x40x128xi32, #tpu.memory_space<hbm>>
      %dma_start3A_146 = tpu.memref_squeeze %dma_start3A_145 : memref<1x40x128xi32, #tpu.memory_space<hbm>> -> memref<40x128xi32, #tpu.memory_space<hbm>>
      %dma_start3A_147 = arith.constant 40 : i32
      %dma_start3A_148 = arith.constant 0 : i32
      %dma_start3A_149 = tpu.memref_slice %arg6[%arg1, %dma_start3A_147, %dma_start3A_148] : memref<16x80x128xi32, #tpu.memory_space<hbm>> -> memref<1x40x128xi32, #tpu.memory_space<hbm>>
      %dma_start3A_150 = tpu.memref_squeeze %dma_start3A_149 : memref<1x40x128xi32, #tpu.memory_space<hbm>> -> memref<40x128xi32, #tpu.memory_space<hbm>>
      tpu.enqueue_dma source(%dma_start3A_150 : memref<40x128xi32, #tpu.memory_space<hbm>>) target(%arg15 : memref<40x128xi32, #tpu.memory_space<vmem>>) target_semaphore(%run_scoped3A_142 : memref<!tpu.dma_semaphore, #tpu.memory_space<semaphore_mem>>)
      %dma_wait3A = arith.constant 40 : i32
      %dma_wait3A_151 = arith.constant 0 : i32
      %dma_wait3A_152 = tpu.memref_slice %arg6[%arg1, %dma_wait3A, %dma_wait3A_151] : memref<16x80x128xi32, #tpu.memory_space<hbm>> -> memref<1x40x128xi32, #tpu.memory_space<hbm>>
      %dma_wait3A_153 = tpu.memref_squeeze %dma_wait3A_152 : memref<1x40x128xi32, #tpu.memory_space<hbm>> -> memref<40x128xi32, #tpu.memory_space<hbm>>
      %dma_wait3A_154 = arith.constant 40 : i32
      %dma_wait3A_155 = arith.constant 0 : i32
      %dma_wait3A_156 = tpu.memref_slice %arg6[%arg1, %dma_wait3A_154, %dma_wait3A_155] : memref<16x80x128xi32, #tpu.memory_space<hbm>> -> memref<1x40x128xi32, #tpu.memory_space<hbm>>
      %dma_wait3A_157 = tpu.memref_squeeze %dma_wait3A_156 : memref<1x40x128xi32, #tpu.memory_space<hbm>> -> memref<40x128xi32, #tpu.memory_space<hbm>>
      tpu.wait_dma2 semaphore(%run_scoped3A_142 : memref<!tpu.dma_semaphore, #tpu.memory_space<semaphore_mem>>) src(%dma_wait3A_157 : memref<40x128xi32, #tpu.memory_space<hbm>>) dst(%arg15 : memref<40x128xi32, #tpu.memory_space<vmem>>)
      tpu.yield
    }) : () -> ()
    %dma_start3A_19 = arith.constant 0 : i32
    %dma_start3A_20 = arith.constant 0 : i32
    %dma_start3A_21 = tpu.memref_slice %arg14[%dma_start3A_19, %dma_start3A_20] : memref<40x128xi32, #tpu.memory_space<vmem>> -> memref<1x128xi32, #tpu.memory_space<vmem>>
    %dma_start3A_22 = tpu.memref_squeeze %dma_start3A_21 : memref<1x128xi32, #tpu.memory_space<vmem>> -> memref<128xi32, #tpu.memory_space<vmem>>
    %dma_start3A_23 = arith.constant 0 : i32
    %dma_start3A_24 = arith.constant 0 : i32
    %dma_start3A_25 = tpu.memref_slice %arg2[%dma_start3A_23, %dma_start3A_24] : memref<20000x128xf32, #tpu.memory_space<hbm>> -> memref<20000x128xf32, #tpu.memory_space<hbm>>
    tpu.enqueue_indirect_dma source(%dma_start3A_25 : memref<20000x128xf32, #tpu.memory_space<hbm>>) target(%arg16 : memref<128x128xf32, #tpu.memory_space<vmem>>) offsets(%dma_start3A_22 : memref<128xi32, #tpu.memory_space<vmem>>) semaphore(%arg18 : memref<!tpu.dma_semaphore, #tpu.memory_space<semaphore_mem>>)
    %dma_start3A_26 = arith.constant 1 : i32
    %dma_start3A_27 = arith.constant 0 : i32
    %dma_start3A_28 = tpu.memref_slice %arg14[%dma_start3A_26, %dma_start3A_27] : memref<40x128xi32, #tpu.memory_space<vmem>> -> memref<1x128xi32, #tpu.memory_space<vmem>>
    %dma_start3A_29 = tpu.memref_squeeze %dma_start3A_28 : memref<1x128xi32, #tpu.memory_space<vmem>> -> memref<128xi32, #tpu.memory_space<vmem>>
    %dma_start3A_30 = arith.constant 0 : i32
    %dma_start3A_31 = arith.constant 0 : i32
    %dma_start3A_32 = tpu.memref_slice %arg2[%dma_start3A_30, %dma_start3A_31] : memref<20000x128xf32, #tpu.memory_space<hbm>> -> memref<20000x128xf32, #tpu.memory_space<hbm>>
    tpu.enqueue_indirect_dma source(%dma_start3A_32 : memref<20000x128xf32, #tpu.memory_space<hbm>>) target(%arg17 : memref<128x128xf32, #tpu.memory_space<vmem>>) offsets(%dma_start3A_29 : memref<128xi32, #tpu.memory_space<vmem>>) semaphore(%arg19 : memref<!tpu.dma_semaphore, #tpu.memory_space<semaphore_mem>>)
    %scan3A_33 = arith.constant 0 : i32
    %scan3A_34 = arith.constant 0 : i32
    %scan3A_35 = arith.constant 20 : i32
    %scan3A_36 = arith.addi %scan3A_34, %scan3A_35 : i32
    %scan3A_37 = arith.constant 1 : i32
    scf.for %scan3A_142 = %scan3A_34 to %scan3A_36 step %scan3A_37  : i32 {
      %mul3A_143 = arith.constant 2 : i32
      %mul3A_144 = arith.muli %mul3A_143, %scan3A_142 : i32
      %mul3A_145 = arith.constant 2 : i32
      %mul3A_146 = arith.muli %mul3A_145, %scan3A_142 : i32
      %add3A = arith.constant 1 : i32
      %add3A_147 = arith.addi %mul3A_146, %add3A : i32
      %dma_wait3A = arith.constant 0 : i32
      %dma_wait3A_148 = tpu.memref_slice %arg14[%mul3A_144, %dma_wait3A] : memref<40x128xi32, #tpu.memory_space<vmem>> -> memref<1x128xi32, #tpu.memory_space<vmem>>
      %dma_wait3A_149 = tpu.memref_squeeze %dma_wait3A_148 : memref<1x128xi32, #tpu.memory_space<vmem>> -> memref<128xi32, #tpu.memory_space<vmem>>
      %dma_wait3A_150 = arith.constant 0 : i32
      %dma_wait3A_151 = arith.constant 0 : i32
      %dma_wait3A_152 = tpu.memref_slice %arg2[%dma_wait3A_150, %dma_wait3A_151] : memref<20000x128xf32, #tpu.memory_space<hbm>> -> memref<20000x128xf32, #tpu.memory_space<hbm>>
      tpu.wait_indirect_dma semaphore(%arg18 : memref<!tpu.dma_semaphore, #tpu.memory_space<semaphore_mem>>) src(%dma_wait3A_152 : memref<20000x128xf32, #tpu.memory_space<hbm>>) dst(%arg16 : memref<128x128xf32, #tpu.memory_space<vmem>>)
      %dma_start3A_153 = arith.constant 0 : i32
      %dma_start3A_154 = tpu.memref_slice %arg15[%mul3A_144, %dma_start3A_153] : memref<40x128xi32, #tpu.memory_space<vmem>> -> memref<1x128xi32, #tpu.memory_space<vmem>>
      %dma_start3A_155 = tpu.memref_squeeze %dma_start3A_154 : memref<1x128xi32, #tpu.memory_space<vmem>> -> memref<128xi32, #tpu.memory_space<vmem>>
      %dma_start3A_156 = arith.constant 0 : i32
      %dma_start3A_157 = arith.constant 0 : i32
      %dma_start3A_158 = tpu.memref_slice %arg13[%dma_start3A_156, %dma_start3A_157] : memref<10240x128xf32, #tpu.memory_space<vmem_shared>> -> memref<10240x128xf32, #tpu.memory_space<vmem_shared>>
      tpu.enqueue_indirect_dma source(%arg16 : memref<128x128xf32, #tpu.memory_space<vmem>>) target(%dma_start3A_158 : memref<10240x128xf32, #tpu.memory_space<vmem_shared>>) offsets(%dma_start3A_155 : memref<128xi32, #tpu.memory_space<vmem>>) semaphore(%arg20 : memref<!tpu.dma_semaphore, #tpu.memory_space<semaphore_mem>>) {add = true}
      %dma_wait3A_159 = arith.constant 0 : i32
      %dma_wait3A_160 = tpu.memref_slice %arg14[%add3A_147, %dma_wait3A_159] : memref<40x128xi32, #tpu.memory_space<vmem>> -> memref<1x128xi32, #tpu.memory_space<vmem>>
      %dma_wait3A_161 = tpu.memref_squeeze %dma_wait3A_160 : memref<1x128xi32, #tpu.memory_space<vmem>> -> memref<128xi32, #tpu.memory_space<vmem>>
      %dma_wait3A_162 = arith.constant 0 : i32
      %dma_wait3A_163 = arith.constant 0 : i32
      %dma_wait3A_164 = tpu.memref_slice %arg2[%dma_wait3A_162, %dma_wait3A_163] : memref<20000x128xf32, #tpu.memory_space<hbm>> -> memref<20000x128xf32, #tpu.memory_space<hbm>>
      tpu.wait_indirect_dma semaphore(%arg19 : memref<!tpu.dma_semaphore, #tpu.memory_space<semaphore_mem>>) src(%dma_wait3A_164 : memref<20000x128xf32, #tpu.memory_space<hbm>>) dst(%arg17 : memref<128x128xf32, #tpu.memory_space<vmem>>)
      %dma_start3A_165 = arith.constant 0 : i32
      %dma_start3A_166 = tpu.memref_slice %arg15[%add3A_147, %dma_start3A_165] : memref<40x128xi32, #tpu.memory_space<vmem>> -> memref<1x128xi32, #tpu.memory_space<vmem>>
      %dma_start3A_167 = tpu.memref_squeeze %dma_start3A_166 : memref<1x128xi32, #tpu.memory_space<vmem>> -> memref<128xi32, #tpu.memory_space<vmem>>
      %dma_start3A_168 = arith.constant 0 : i32
      %dma_start3A_169 = arith.constant 0 : i32
      %dma_start3A_170 = tpu.memref_slice %arg13[%dma_start3A_168, %dma_start3A_169] : memref<10240x128xf32, #tpu.memory_space<vmem_shared>> -> memref<10240x128xf32, #tpu.memory_space<vmem_shared>>
      tpu.enqueue_indirect_dma source(%arg17 : memref<128x128xf32, #tpu.memory_space<vmem>>) target(%dma_start3A_170 : memref<10240x128xf32, #tpu.memory_space<vmem_shared>>) offsets(%dma_start3A_167 : memref<128xi32, #tpu.memory_space<vmem>>) semaphore(%arg21 : memref<!tpu.dma_semaphore, #tpu.memory_space<semaphore_mem>>) {add = true}
      %dma_wait3A_171 = arith.constant 0 : i32
      %dma_wait3A_172 = tpu.memref_slice %arg15[%mul3A_144, %dma_wait3A_171] : memref<40x128xi32, #tpu.memory_space<vmem>> -> memref<1x128xi32, #tpu.memory_space<vmem>>
      %dma_wait3A_173 = tpu.memref_squeeze %dma_wait3A_172 : memref<1x128xi32, #tpu.memory_space<vmem>> -> memref<128xi32, #tpu.memory_space<vmem>>
      %dma_wait3A_174 = arith.constant 0 : i32
      %dma_wait3A_175 = arith.constant 0 : i32
      %dma_wait3A_176 = tpu.memref_slice %arg13[%dma_wait3A_174, %dma_wait3A_175] : memref<10240x128xf32, #tpu.memory_space<vmem_shared>> -> memref<10240x128xf32, #tpu.memory_space<vmem_shared>>
      tpu.wait_indirect_dma semaphore(%arg20 : memref<!tpu.dma_semaphore, #tpu.memory_space<semaphore_mem>>) src(%arg16 : memref<128x128xf32, #tpu.memory_space<vmem>>) dst(%dma_wait3A_176 : memref<10240x128xf32, #tpu.memory_space<vmem_shared>>)
      %add3A_177 = arith.constant 2 : i32
      %add3A_178 = arith.addi %mul3A_144, %add3A_177 : i32
      %lt3A = arith.constant 40 : i32
      %lt3A_179 = arith.cmpi slt, %add3A_178, %lt3A : i32
      %convert_element_type3A = arith.extui %lt3A_179 : i1 to i32
      %cond3A = arith.constant 0 : i32
      %cond3A_180 = arith.cmpi ne, %convert_element_type3A, %cond3A : i32
      scf.if %cond3A_180 {
        %add3A_194 = arith.constant 2 : i32
        %add3A_195 = arith.addi %mul3A_144, %add3A_194 : i32
        %dma_start3A_196 = arith.constant 0 : i32
        %dma_start3A_197 = tpu.memref_slice %arg14[%add3A_195, %dma_start3A_196] : memref<40x128xi32, #tpu.memory_space<vmem>> -> memref<1x128xi32, #tpu.memory_space<vmem>>
        %dma_start3A_198 = tpu.memref_squeeze %dma_start3A_197 : memref<1x128xi32, #tpu.memory_space<vmem>> -> memref<128xi32, #tpu.memory_space<vmem>>
        %dma_start3A_199 = arith.constant 0 : i32
        %dma_start3A_200 = arith.constant 0 : i32
        %dma_start3A_201 = tpu.memref_slice %arg2[%dma_start3A_199, %dma_start3A_200] : memref<20000x128xf32, #tpu.memory_space<hbm>> -> memref<20000x128xf32, #tpu.memory_space<hbm>>
        tpu.enqueue_indirect_dma source(%dma_start3A_201 : memref<20000x128xf32, #tpu.memory_space<hbm>>) target(%arg16 : memref<128x128xf32, #tpu.memory_space<vmem>>) offsets(%dma_start3A_198 : memref<128xi32, #tpu.memory_space<vmem>>) semaphore(%arg18 : memref<!tpu.dma_semaphore, #tpu.memory_space<semaphore_mem>>)
      } else {
      }
      %dma_wait3A_181 = arith.constant 0 : i32
      %dma_wait3A_182 = tpu.memref_slice %arg15[%add3A_147, %dma_wait3A_181] : memref<40x128xi32, #tpu.memory_space<vmem>> -> memref<1x128xi32, #tpu.memory_space<vmem>>
      %dma_wait3A_183 = tpu.memref_squeeze %dma_wait3A_182 : memref<1x128xi32, #tpu.memory_space<vmem>> -> memref<128xi32, #tpu.memory_space<vmem>>
      %dma_wait3A_184 = arith.constant 0 : i32
      %dma_wait3A_185 = arith.constant 0 : i32
      %dma_wait3A_186 = tpu.memref_slice %arg13[%dma_wait3A_184, %dma_wait3A_185] : memref<10240x128xf32, #tpu.memory_space<vmem_shared>> -> memref<10240x128xf32, #tpu.memory_space<vmem_shared>>
      tpu.wait_indirect_dma semaphore(%arg21 : memref<!tpu.dma_semaphore, #tpu.memory_space<semaphore_mem>>) src(%arg17 : memref<128x128xf32, #tpu.memory_space<vmem>>) dst(%dma_wait3A_186 : memref<10240x128xf32, #tpu.memory_space<vmem_shared>>)
      %add3A_187 = arith.constant 2 : i32
      %add3A_188 = arith.addi %add3A_147, %add3A_187 : i32
      %lt3A_189 = arith.constant 40 : i32
      %lt3A_190 = arith.cmpi slt, %add3A_188, %lt3A_189 : i32
      %convert_element_type3A_191 = arith.extui %lt3A_190 : i1 to i32
      %cond3A_192 = arith.constant 0 : i32
      %cond3A_193 = arith.cmpi ne, %convert_element_type3A_191, %cond3A_192 : i32
      scf.if %cond3A_193 {
        %add3A_194 = arith.constant 2 : i32
        %add3A_195 = arith.addi %add3A_147, %add3A_194 : i32
        %dma_start3A_196 = arith.constant 0 : i32
        %dma_start3A_197 = tpu.memref_slice %arg14[%add3A_195, %dma_start3A_196] : memref<40x128xi32, #tpu.memory_space<vmem>> -> memref<1x128xi32, #tpu.memory_space<vmem>>
        %dma_start3A_198 = tpu.memref_squeeze %dma_start3A_197 : memref<1x128xi32, #tpu.memory_space<vmem>> -> memref<128xi32, #tpu.memory_space<vmem>>
        %dma_start3A_199 = arith.constant 0 : i32
        %dma_start3A_200 = arith.constant 0 : i32
        %dma_start3A_201 = tpu.memref_slice %arg2[%dma_start3A_199, %dma_start3A_200] : memref<20000x128xf32, #tpu.memory_space<hbm>> -> memref<20000x128xf32, #tpu.memory_space<hbm>>
        tpu.enqueue_indirect_dma source(%dma_start3A_201 : memref<20000x128xf32, #tpu.memory_space<hbm>>) target(%arg17 : memref<128x128xf32, #tpu.memory_space<vmem>>) offsets(%dma_start3A_198 : memref<128xi32, #tpu.memory_space<vmem>>) semaphore(%arg19 : memref<!tpu.dma_semaphore, #tpu.memory_space<semaphore_mem>>)
      } else {
      }
    }
    %scan3A_38 = arith.constant 20 : i32
    %barrier3A_39 = arith.constant 0 : index
    tpu.barrier barrier_id(%barrier3A_39)
    %mul3A_40 = arith.constant 640 : i32
    %mul3A_41 = arith.muli %arg1, %mul3A_40 : i32
    %mul3A_42 = arith.constant 640 : i32
    %mul3A_43 = arith.muli %arg1, %mul3A_42 : i32
    %run_scoped3A = arith.constant 0 : i32
    "tpu.region"() ({
      %run_scoped3A_142 = tpu.sem_alloc : memref<!tpu.dma_semaphore, #tpu.memory_space<semaphore_mem>>
      %dma_start3A_143 = arith.constant 0 : i32
      %dma_start3A_144 = tpu.memref_slice %arg12[%run_scoped3A, %arg0, %mul3A_43, %dma_start3A_143] : memref<3x2x10240x128xf32, #tpu.memory_space<hbm>> -> memref<1x1x640x128xf32, #tpu.memory_space<hbm>>
      %dma_start3A_145 = tpu.memref_squeeze %dma_start3A_144 : memref<1x1x640x128xf32, #tpu.memory_space<hbm>> -> memref<640x128xf32, #tpu.memory_space<hbm>>
      %dma_start3A_146 = arith.constant 0 : i32
      %dma_start3A_147 = tpu.memref_slice %arg13[%mul3A_41, %dma_start3A_146] : memref<10240x128xf32, #tpu.memory_space<vmem_shared>> -> memref<640x128xf32, #tpu.memory_space<vmem_shared>>
      tpu.enqueue_dma source(%dma_start3A_147 : memref<640x128xf32, #tpu.memory_space<vmem_shared>>) target(%dma_start3A_145 : memref<640x128xf32, #tpu.memory_space<hbm>>) target_semaphore(%run_scoped3A_142 : memref<!tpu.dma_semaphore, #tpu.memory_space<semaphore_mem>>)
      %dma_wait3A = arith.constant 0 : i32
      %dma_wait3A_148 = tpu.memref_slice %arg12[%run_scoped3A, %arg0, %mul3A_43, %dma_wait3A] : memref<3x2x10240x128xf32, #tpu.memory_space<hbm>> -> memref<1x1x640x128xf32, #tpu.memory_space<hbm>>
      %dma_wait3A_149 = tpu.memref_squeeze %dma_wait3A_148 : memref<1x1x640x128xf32, #tpu.memory_space<hbm>> -> memref<640x128xf32, #tpu.memory_space<hbm>>
      %dma_wait3A_150 = arith.constant 0 : i32
      %dma_wait3A_151 = tpu.memref_slice %arg13[%mul3A_41, %dma_wait3A_150] : memref<10240x128xf32, #tpu.memory_space<vmem_shared>> -> memref<640x128xf32, #tpu.memory_space<vmem_shared>>
      tpu.wait_dma2 semaphore(%run_scoped3A_142 : memref<!tpu.dma_semaphore, #tpu.memory_space<semaphore_mem>>) src(%dma_wait3A_151 : memref<640x128xf32, #tpu.memory_space<vmem_shared>>) dst(%dma_wait3A_149 : memref<640x128xf32, #tpu.memory_space<hbm>>)
      tpu.yield
    }) : () -> ()
    %mul3A_44 = arith.constant 640 : i32
    %mul3A_45 = arith.muli %arg1, %mul3A_44 : i32
    "tpu.region"() ({
      %run_scoped3A_142 = tpu.sem_alloc : memref<!tpu.dma_semaphore, #tpu.memory_space<semaphore_mem>>
      %dma_start3A_143 = arith.constant 0 : i32
      %dma_start3A_144 = tpu.memref_slice %arg13[%mul3A_45, %dma_start3A_143] : memref<10240x128xf32, #tpu.memory_space<vmem_shared>> -> memref<640x128xf32, #tpu.memory_space<vmem_shared>>
      tpu.enqueue_dma source(%arg11 : memref<640x128xf32, #tpu.memory_space<hbm>>) target(%dma_start3A_144 : memref<640x128xf32, #tpu.memory_space<vmem_shared>>) target_semaphore(%run_scoped3A_142 : memref<!tpu.dma_semaphore, #tpu.memory_space<semaphore_mem>>)
      %dma_wait3A = arith.constant 0 : i32
      %dma_wait3A_145 = tpu.memref_slice %arg13[%mul3A_45, %dma_wait3A] : memref<10240x128xf32, #tpu.memory_space<vmem_shared>> -> memref<640x128xf32, #tpu.memory_space<vmem_shared>>
      tpu.wait_dma2 semaphore(%run_scoped3A_142 : memref<!tpu.dma_semaphore, #tpu.memory_space<semaphore_mem>>) src(%arg11 : memref<640x128xf32, #tpu.memory_space<hbm>>) dst(%dma_wait3A_145 : memref<640x128xf32, #tpu.memory_space<vmem_shared>>)
      tpu.yield
    }) : () -> ()
    %barrier3A_46 = arith.constant 0 : index
    tpu.barrier barrier_id(%barrier3A_46)
    "tpu.region"() ({
      %run_scoped3A_142 = tpu.sem_alloc : memref<!tpu.dma_semaphore, #tpu.memory_space<semaphore_mem>>
      %dma_start3A_143 = arith.constant 0 : i32
      %dma_start3A_144 = arith.constant 0 : i32
      %dma_start3A_145 = tpu.memref_slice %arg7[%arg0, %arg1, %dma_start3A_143, %dma_start3A_144] : memref<2x16x80x128xi32, #tpu.memory_space<hbm>> -> memref<1x1x40x128xi32, #tpu.memory_space<hbm>>
      %dma_start3A_146 = tpu.memref_squeeze %dma_start3A_145 : memref<1x1x40x128xi32, #tpu.memory_space<hbm>> -> memref<40x128xi32, #tpu.memory_space<hbm>>
      %dma_start3A_147 = arith.constant 0 : i32
      %dma_start3A_148 = arith.constant 0 : i32
      %dma_start3A_149 = tpu.memref_slice %arg7[%arg0, %arg1, %dma_start3A_147, %dma_start3A_148] : memref<2x16x80x128xi32, #tpu.memory_space<hbm>> -> memref<1x1x40x128xi32, #tpu.memory_space<hbm>>
      %dma_start3A_150 = tpu.memref_squeeze %dma_start3A_149 : memref<1x1x40x128xi32, #tpu.memory_space<hbm>> -> memref<40x128xi32, #tpu.memory_space<hbm>>
      tpu.enqueue_dma source(%dma_start3A_150 : memref<40x128xi32, #tpu.memory_space<hbm>>) target(%arg14 : memref<40x128xi32, #tpu.memory_space<vmem>>) target_semaphore(%run_scoped3A_142 : memref<!tpu.dma_semaphore, #tpu.memory_space<semaphore_mem>>)
      %dma_wait3A = arith.constant 0 : i32
      %dma_wait3A_151 = arith.constant 0 : i32
      %dma_wait3A_152 = tpu.memref_slice %arg7[%arg0, %arg1, %dma_wait3A, %dma_wait3A_151] : memref<2x16x80x128xi32, #tpu.memory_space<hbm>> -> memref<1x1x40x128xi32, #tpu.memory_space<hbm>>
      %dma_wait3A_153 = tpu.memref_squeeze %dma_wait3A_152 : memref<1x1x40x128xi32, #tpu.memory_space<hbm>> -> memref<40x128xi32, #tpu.memory_space<hbm>>
      %dma_wait3A_154 = arith.constant 0 : i32
      %dma_wait3A_155 = arith.constant 0 : i32
      %dma_wait3A_156 = tpu.memref_slice %arg7[%arg0, %arg1, %dma_wait3A_154, %dma_wait3A_155] : memref<2x16x80x128xi32, #tpu.memory_space<hbm>> -> memref<1x1x40x128xi32, #tpu.memory_space<hbm>>
      %dma_wait3A_157 = tpu.memref_squeeze %dma_wait3A_156 : memref<1x1x40x128xi32, #tpu.memory_space<hbm>> -> memref<40x128xi32, #tpu.memory_space<hbm>>
      tpu.wait_dma2 semaphore(%run_scoped3A_142 : memref<!tpu.dma_semaphore, #tpu.memory_space<semaphore_mem>>) src(%dma_wait3A_157 : memref<40x128xi32, #tpu.memory_space<hbm>>) dst(%arg14 : memref<40x128xi32, #tpu.memory_space<vmem>>)
      tpu.yield
    }) : () -> ()
    "tpu.region"() ({
      %run_scoped3A_142 = tpu.sem_alloc : memref<!tpu.dma_semaphore, #tpu.memory_space<semaphore_mem>>
      %dma_start3A_143 = arith.constant 0 : i32
      %dma_start3A_144 = arith.constant 0 : i32
      %dma_start3A_145 = tpu.memref_slice %arg8[%arg1, %dma_start3A_143, %dma_start3A_144] : memref<16x80x128xi32, #tpu.memory_space<hbm>> -> memref<1x40x128xi32, #tpu.memory_space<hbm>>
      %dma_start3A_146 = tpu.memref_squeeze %dma_start3A_145 : memref<1x40x128xi32, #tpu.memory_space<hbm>> -> memref<40x128xi32, #tpu.memory_space<hbm>>
      %dma_start3A_147 = arith.constant 0 : i32
      %dma_start3A_148 = arith.constant 0 : i32
      %dma_start3A_149 = tpu.memref_slice %arg8[%arg1, %dma_start3A_147, %dma_start3A_148] : memref<16x80x128xi32, #tpu.memory_space<hbm>> -> memref<1x40x128xi32, #tpu.memory_space<hbm>>
      %dma_start3A_150 = tpu.memref_squeeze %dma_start3A_149 : memref<1x40x128xi32, #tpu.memory_space<hbm>> -> memref<40x128xi32, #tpu.memory_space<hbm>>
      tpu.enqueue_dma source(%dma_start3A_150 : memref<40x128xi32, #tpu.memory_space<hbm>>) target(%arg15 : memref<40x128xi32, #tpu.memory_space<vmem>>) target_semaphore(%run_scoped3A_142 : memref<!tpu.dma_semaphore, #tpu.memory_space<semaphore_mem>>)
      %dma_wait3A = arith.constant 0 : i32
      %dma_wait3A_151 = arith.constant 0 : i32
      %dma_wait3A_152 = tpu.memref_slice %arg8[%arg1, %dma_wait3A, %dma_wait3A_151] : memref<16x80x128xi32, #tpu.memory_space<hbm>> -> memref<1x40x128xi32, #tpu.memory_space<hbm>>
      %dma_wait3A_153 = tpu.memref_squeeze %dma_wait3A_152 : memref<1x40x128xi32, #tpu.memory_space<hbm>> -> memref<40x128xi32, #tpu.memory_space<hbm>>
      %dma_wait3A_154 = arith.constant 0 : i32
      %dma_wait3A_155 = arith.constant 0 : i32
      %dma_wait3A_156 = tpu.memref_slice %arg8[%arg1, %dma_wait3A_154, %dma_wait3A_155] : memref<16x80x128xi32, #tpu.memory_space<hbm>> -> memref<1x40x128xi32, #tpu.memory_space<hbm>>
      %dma_wait3A_157 = tpu.memref_squeeze %dma_wait3A_156 : memref<1x40x128xi32, #tpu.memory_space<hbm>> -> memref<40x128xi32, #tpu.memory_space<hbm>>
      tpu.wait_dma2 semaphore(%run_scoped3A_142 : memref<!tpu.dma_semaphore, #tpu.memory_space<semaphore_mem>>) src(%dma_wait3A_157 : memref<40x128xi32, #tpu.memory_space<hbm>>) dst(%arg15 : memref<40x128xi32, #tpu.memory_space<vmem>>)
      tpu.yield
    }) : () -> ()
    %dma_start3A_47 = arith.constant 0 : i32
    %dma_start3A_48 = arith.constant 0 : i32
    %dma_start3A_49 = tpu.memref_slice %arg14[%dma_start3A_47, %dma_start3A_48] : memref<40x128xi32, #tpu.memory_space<vmem>> -> memref<1x128xi32, #tpu.memory_space<vmem>>
    %dma_start3A_50 = tpu.memref_squeeze %dma_start3A_49 : memref<1x128xi32, #tpu.memory_space<vmem>> -> memref<128xi32, #tpu.memory_space<vmem>>
    %dma_start3A_51 = arith.constant 0 : i32
    %dma_start3A_52 = arith.constant 0 : i32
    %dma_start3A_53 = tpu.memref_slice %arg3[%dma_start3A_51, %dma_start3A_52] : memref<20000x128xf32, #tpu.memory_space<hbm>> -> memref<20000x128xf32, #tpu.memory_space<hbm>>
    tpu.enqueue_indirect_dma source(%dma_start3A_53 : memref<20000x128xf32, #tpu.memory_space<hbm>>) target(%arg16 : memref<128x128xf32, #tpu.memory_space<vmem>>) offsets(%dma_start3A_50 : memref<128xi32, #tpu.memory_space<vmem>>) semaphore(%arg18 : memref<!tpu.dma_semaphore, #tpu.memory_space<semaphore_mem>>)
    %dma_start3A_54 = arith.constant 1 : i32
    %dma_start3A_55 = arith.constant 0 : i32
    %dma_start3A_56 = tpu.memref_slice %arg14[%dma_start3A_54, %dma_start3A_55] : memref<40x128xi32, #tpu.memory_space<vmem>> -> memref<1x128xi32, #tpu.memory_space<vmem>>
    %dma_start3A_57 = tpu.memref_squeeze %dma_start3A_56 : memref<1x128xi32, #tpu.memory_space<vmem>> -> memref<128xi32, #tpu.memory_space<vmem>>
    %dma_start3A_58 = arith.constant 0 : i32
    %dma_start3A_59 = arith.constant 0 : i32
    %dma_start3A_60 = tpu.memref_slice %arg3[%dma_start3A_58, %dma_start3A_59] : memref<20000x128xf32, #tpu.memory_space<hbm>> -> memref<20000x128xf32, #tpu.memory_space<hbm>>
    tpu.enqueue_indirect_dma source(%dma_start3A_60 : memref<20000x128xf32, #tpu.memory_space<hbm>>) target(%arg17 : memref<128x128xf32, #tpu.memory_space<vmem>>) offsets(%dma_start3A_57 : memref<128xi32, #tpu.memory_space<vmem>>) semaphore(%arg19 : memref<!tpu.dma_semaphore, #tpu.memory_space<semaphore_mem>>)
    %scan3A_61 = arith.constant 0 : i32
    %scan3A_62 = arith.constant 0 : i32
    %scan3A_63 = arith.constant 20 : i32
    %scan3A_64 = arith.addi %scan3A_62, %scan3A_63 : i32
    %scan3A_65 = arith.constant 1 : i32
    scf.for %scan3A_142 = %scan3A_62 to %scan3A_64 step %scan3A_65  : i32 {
      %mul3A_143 = arith.constant 2 : i32
      %mul3A_144 = arith.muli %mul3A_143, %scan3A_142 : i32
      %mul3A_145 = arith.constant 2 : i32
      %mul3A_146 = arith.muli %mul3A_145, %scan3A_142 : i32
      %add3A = arith.constant 1 : i32
      %add3A_147 = arith.addi %mul3A_146, %add3A : i32
      %dma_wait3A = arith.constant 0 : i32
      %dma_wait3A_148 = tpu.memref_slice %arg14[%mul3A_144, %dma_wait3A] : memref<40x128xi32, #tpu.memory_space<vmem>> -> memref<1x128xi32, #tpu.memory_space<vmem>>
      %dma_wait3A_149 = tpu.memref_squeeze %dma_wait3A_148 : memref<1x128xi32, #tpu.memory_space<vmem>> -> memref<128xi32, #tpu.memory_space<vmem>>
      %dma_wait3A_150 = arith.constant 0 : i32
      %dma_wait3A_151 = arith.constant 0 : i32
      %dma_wait3A_152 = tpu.memref_slice %arg3[%dma_wait3A_150, %dma_wait3A_151] : memref<20000x128xf32, #tpu.memory_space<hbm>> -> memref<20000x128xf32, #tpu.memory_space<hbm>>
      tpu.wait_indirect_dma semaphore(%arg18 : memref<!tpu.dma_semaphore, #tpu.memory_space<semaphore_mem>>) src(%dma_wait3A_152 : memref<20000x128xf32, #tpu.memory_space<hbm>>) dst(%arg16 : memref<128x128xf32, #tpu.memory_space<vmem>>)
      %dma_start3A_153 = arith.constant 0 : i32
      %dma_start3A_154 = tpu.memref_slice %arg15[%mul3A_144, %dma_start3A_153] : memref<40x128xi32, #tpu.memory_space<vmem>> -> memref<1x128xi32, #tpu.memory_space<vmem>>
      %dma_start3A_155 = tpu.memref_squeeze %dma_start3A_154 : memref<1x128xi32, #tpu.memory_space<vmem>> -> memref<128xi32, #tpu.memory_space<vmem>>
      %dma_start3A_156 = arith.constant 0 : i32
      %dma_start3A_157 = arith.constant 0 : i32
      %dma_start3A_158 = tpu.memref_slice %arg13[%dma_start3A_156, %dma_start3A_157] : memref<10240x128xf32, #tpu.memory_space<vmem_shared>> -> memref<10240x128xf32, #tpu.memory_space<vmem_shared>>
      tpu.enqueue_indirect_dma source(%arg16 : memref<128x128xf32, #tpu.memory_space<vmem>>) target(%dma_start3A_158 : memref<10240x128xf32, #tpu.memory_space<vmem_shared>>) offsets(%dma_start3A_155 : memref<128xi32, #tpu.memory_space<vmem>>) semaphore(%arg20 : memref<!tpu.dma_semaphore, #tpu.memory_space<semaphore_mem>>) {add = true}
      %dma_wait3A_159 = arith.constant 0 : i32
      %dma_wait3A_160 = tpu.memref_slice %arg14[%add3A_147, %dma_wait3A_159] : memref<40x128xi32, #tpu.memory_space<vmem>> -> memref<1x128xi32, #tpu.memory_space<vmem>>
      %dma_wait3A_161 = tpu.memref_squeeze %dma_wait3A_160 : memref<1x128xi32, #tpu.memory_space<vmem>> -> memref<128xi32, #tpu.memory_space<vmem>>
      %dma_wait3A_162 = arith.constant 0 : i32
      %dma_wait3A_163 = arith.constant 0 : i32
      %dma_wait3A_164 = tpu.memref_slice %arg3[%dma_wait3A_162, %dma_wait3A_163] : memref<20000x128xf32, #tpu.memory_space<hbm>> -> memref<20000x128xf32, #tpu.memory_space<hbm>>
      tpu.wait_indirect_dma semaphore(%arg19 : memref<!tpu.dma_semaphore, #tpu.memory_space<semaphore_mem>>) src(%dma_wait3A_164 : memref<20000x128xf32, #tpu.memory_space<hbm>>) dst(%arg17 : memref<128x128xf32, #tpu.memory_space<vmem>>)
      %dma_start3A_165 = arith.constant 0 : i32
      %dma_start3A_166 = tpu.memref_slice %arg15[%add3A_147, %dma_start3A_165] : memref<40x128xi32, #tpu.memory_space<vmem>> -> memref<1x128xi32, #tpu.memory_space<vmem>>
      %dma_start3A_167 = tpu.memref_squeeze %dma_start3A_166 : memref<1x128xi32, #tpu.memory_space<vmem>> -> memref<128xi32, #tpu.memory_space<vmem>>
      %dma_start3A_168 = arith.constant 0 : i32
      %dma_start3A_169 = arith.constant 0 : i32
      %dma_start3A_170 = tpu.memref_slice %arg13[%dma_start3A_168, %dma_start3A_169] : memref<10240x128xf32, #tpu.memory_space<vmem_shared>> -> memref<10240x128xf32, #tpu.memory_space<vmem_shared>>
      tpu.enqueue_indirect_dma source(%arg17 : memref<128x128xf32, #tpu.memory_space<vmem>>) target(%dma_start3A_170 : memref<10240x128xf32, #tpu.memory_space<vmem_shared>>) offsets(%dma_start3A_167 : memref<128xi32, #tpu.memory_space<vmem>>) semaphore(%arg21 : memref<!tpu.dma_semaphore, #tpu.memory_space<semaphore_mem>>) {add = true}
      %dma_wait3A_171 = arith.constant 0 : i32
      %dma_wait3A_172 = tpu.memref_slice %arg15[%mul3A_144, %dma_wait3A_171] : memref<40x128xi32, #tpu.memory_space<vmem>> -> memref<1x128xi32, #tpu.memory_space<vmem>>
      %dma_wait3A_173 = tpu.memref_squeeze %dma_wait3A_172 : memref<1x128xi32, #tpu.memory_space<vmem>> -> memref<128xi32, #tpu.memory_space<vmem>>
      %dma_wait3A_174 = arith.constant 0 : i32
      %dma_wait3A_175 = arith.constant 0 : i32
      %dma_wait3A_176 = tpu.memref_slice %arg13[%dma_wait3A_174, %dma_wait3A_175] : memref<10240x128xf32, #tpu.memory_space<vmem_shared>> -> memref<10240x128xf32, #tpu.memory_space<vmem_shared>>
      tpu.wait_indirect_dma semaphore(%arg20 : memref<!tpu.dma_semaphore, #tpu.memory_space<semaphore_mem>>) src(%arg16 : memref<128x128xf32, #tpu.memory_space<vmem>>) dst(%dma_wait3A_176 : memref<10240x128xf32, #tpu.memory_space<vmem_shared>>)
      %add3A_177 = arith.constant 2 : i32
      %add3A_178 = arith.addi %mul3A_144, %add3A_177 : i32
      %lt3A = arith.constant 40 : i32
      %lt3A_179 = arith.cmpi slt, %add3A_178, %lt3A : i32
      %convert_element_type3A = arith.extui %lt3A_179 : i1 to i32
      %cond3A = arith.constant 0 : i32
      %cond3A_180 = arith.cmpi ne, %convert_element_type3A, %cond3A : i32
      scf.if %cond3A_180 {
        %add3A_194 = arith.constant 2 : i32
        %add3A_195 = arith.addi %mul3A_144, %add3A_194 : i32
        %dma_start3A_196 = arith.constant 0 : i32
        %dma_start3A_197 = tpu.memref_slice %arg14[%add3A_195, %dma_start3A_196] : memref<40x128xi32, #tpu.memory_space<vmem>> -> memref<1x128xi32, #tpu.memory_space<vmem>>
        %dma_start3A_198 = tpu.memref_squeeze %dma_start3A_197 : memref<1x128xi32, #tpu.memory_space<vmem>> -> memref<128xi32, #tpu.memory_space<vmem>>
        %dma_start3A_199 = arith.constant 0 : i32
        %dma_start3A_200 = arith.constant 0 : i32
        %dma_start3A_201 = tpu.memref_slice %arg3[%dma_start3A_199, %dma_start3A_200] : memref<20000x128xf32, #tpu.memory_space<hbm>> -> memref<20000x128xf32, #tpu.memory_space<hbm>>
        tpu.enqueue_indirect_dma source(%dma_start3A_201 : memref<20000x128xf32, #tpu.memory_space<hbm>>) target(%arg16 : memref<128x128xf32, #tpu.memory_space<vmem>>) offsets(%dma_start3A_198 : memref<128xi32, #tpu.memory_space<vmem>>) semaphore(%arg18 : memref<!tpu.dma_semaphore, #tpu.memory_space<semaphore_mem>>)
      } else {
      }
      %dma_wait3A_181 = arith.constant 0 : i32
      %dma_wait3A_182 = tpu.memref_slice %arg15[%add3A_147, %dma_wait3A_181] : memref<40x128xi32, #tpu.memory_space<vmem>> -> memref<1x128xi32, #tpu.memory_space<vmem>>
      %dma_wait3A_183 = tpu.memref_squeeze %dma_wait3A_182 : memref<1x128xi32, #tpu.memory_space<vmem>> -> memref<128xi32, #tpu.memory_space<vmem>>
      %dma_wait3A_184 = arith.constant 0 : i32
      %dma_wait3A_185 = arith.constant 0 : i32
      %dma_wait3A_186 = tpu.memref_slice %arg13[%dma_wait3A_184, %dma_wait3A_185] : memref<10240x128xf32, #tpu.memory_space<vmem_shared>> -> memref<10240x128xf32, #tpu.memory_space<vmem_shared>>
      tpu.wait_indirect_dma semaphore(%arg21 : memref<!tpu.dma_semaphore, #tpu.memory_space<semaphore_mem>>) src(%arg17 : memref<128x128xf32, #tpu.memory_space<vmem>>) dst(%dma_wait3A_186 : memref<10240x128xf32, #tpu.memory_space<vmem_shared>>)
      %add3A_187 = arith.constant 2 : i32
      %add3A_188 = arith.addi %add3A_147, %add3A_187 : i32
      %lt3A_189 = arith.constant 40 : i32
      %lt3A_190 = arith.cmpi slt, %add3A_188, %lt3A_189 : i32
      %convert_element_type3A_191 = arith.extui %lt3A_190 : i1 to i32
      %cond3A_192 = arith.constant 0 : i32
      %cond3A_193 = arith.cmpi ne, %convert_element_type3A_191, %cond3A_192 : i32
      scf.if %cond3A_193 {
        %add3A_194 = arith.constant 2 : i32
        %add3A_195 = arith.addi %add3A_147, %add3A_194 : i32
        %dma_start3A_196 = arith.constant 0 : i32
        %dma_start3A_197 = tpu.memref_slice %arg14[%add3A_195, %dma_start3A_196] : memref<40x128xi32, #tpu.memory_space<vmem>> -> memref<1x128xi32, #tpu.memory_space<vmem>>
        %dma_start3A_198 = tpu.memref_squeeze %dma_start3A_197 : memref<1x128xi32, #tpu.memory_space<vmem>> -> memref<128xi32, #tpu.memory_space<vmem>>
        %dma_start3A_199 = arith.constant 0 : i32
        %dma_start3A_200 = arith.constant 0 : i32
        %dma_start3A_201 = tpu.memref_slice %arg3[%dma_start3A_199, %dma_start3A_200] : memref<20000x128xf32, #tpu.memory_space<hbm>> -> memref<20000x128xf32, #tpu.memory_space<hbm>>
        tpu.enqueue_indirect_dma source(%dma_start3A_201 : memref<20000x128xf32, #tpu.memory_space<hbm>>) target(%arg17 : memref<128x128xf32, #tpu.memory_space<vmem>>) offsets(%dma_start3A_198 : memref<128xi32, #tpu.memory_space<vmem>>) semaphore(%arg19 : memref<!tpu.dma_semaphore, #tpu.memory_space<semaphore_mem>>)
      } else {
      }
    }
    %scan3A_66 = arith.constant 20 : i32
    "tpu.region"() ({
      %run_scoped3A_142 = tpu.sem_alloc : memref<!tpu.dma_semaphore, #tpu.memory_space<semaphore_mem>>
      %dma_start3A_143 = arith.constant 40 : i32
      %dma_start3A_144 = arith.constant 0 : i32
      %dma_start3A_145 = tpu.memref_slice %arg7[%arg0, %arg1, %dma_start3A_143, %dma_start3A_144] : memref<2x16x80x128xi32, #tpu.memory_space<hbm>> -> memref<1x1x40x128xi32, #tpu.memory_space<hbm>>
      %dma_start3A_146 = tpu.memref_squeeze %dma_start3A_145 : memref<1x1x40x128xi32, #tpu.memory_space<hbm>> -> memref<40x128xi32, #tpu.memory_space<hbm>>
      %dma_start3A_147 = arith.constant 40 : i32
      %dma_start3A_148 = arith.constant 0 : i32
      %dma_start3A_149 = tpu.memref_slice %arg7[%arg0, %arg1, %dma_start3A_147, %dma_start3A_148] : memref<2x16x80x128xi32, #tpu.memory_space<hbm>> -> memref<1x1x40x128xi32, #tpu.memory_space<hbm>>
      %dma_start3A_150 = tpu.memref_squeeze %dma_start3A_149 : memref<1x1x40x128xi32, #tpu.memory_space<hbm>> -> memref<40x128xi32, #tpu.memory_space<hbm>>
      tpu.enqueue_dma source(%dma_start3A_150 : memref<40x128xi32, #tpu.memory_space<hbm>>) target(%arg14 : memref<40x128xi32, #tpu.memory_space<vmem>>) target_semaphore(%run_scoped3A_142 : memref<!tpu.dma_semaphore, #tpu.memory_space<semaphore_mem>>)
      %dma_wait3A = arith.constant 40 : i32
      %dma_wait3A_151 = arith.constant 0 : i32
      %dma_wait3A_152 = tpu.memref_slice %arg7[%arg0, %arg1, %dma_wait3A, %dma_wait3A_151] : memref<2x16x80x128xi32, #tpu.memory_space<hbm>> -> memref<1x1x40x128xi32, #tpu.memory_space<hbm>>
      %dma_wait3A_153 = tpu.memref_squeeze %dma_wait3A_152 : memref<1x1x40x128xi32, #tpu.memory_space<hbm>> -> memref<40x128xi32, #tpu.memory_space<hbm>>
      %dma_wait3A_154 = arith.constant 40 : i32
      %dma_wait3A_155 = arith.constant 0 : i32
      %dma_wait3A_156 = tpu.memref_slice %arg7[%arg0, %arg1, %dma_wait3A_154, %dma_wait3A_155] : memref<2x16x80x128xi32, #tpu.memory_space<hbm>> -> memref<1x1x40x128xi32, #tpu.memory_space<hbm>>
      %dma_wait3A_157 = tpu.memref_squeeze %dma_wait3A_156 : memref<1x1x40x128xi32, #tpu.memory_space<hbm>> -> memref<40x128xi32, #tpu.memory_space<hbm>>
      tpu.wait_dma2 semaphore(%run_scoped3A_142 : memref<!tpu.dma_semaphore, #tpu.memory_space<semaphore_mem>>) src(%dma_wait3A_157 : memref<40x128xi32, #tpu.memory_space<hbm>>) dst(%arg14 : memref<40x128xi32, #tpu.memory_space<vmem>>)
      tpu.yield
    }) : () -> ()
    "tpu.region"() ({
      %run_scoped3A_142 = tpu.sem_alloc : memref<!tpu.dma_semaphore, #tpu.memory_space<semaphore_mem>>
      %dma_start3A_143 = arith.constant 40 : i32
      %dma_start3A_144 = arith.constant 0 : i32
      %dma_start3A_145 = tpu.memref_slice %arg8[%arg1, %dma_start3A_143, %dma_start3A_144] : memref<16x80x128xi32, #tpu.memory_space<hbm>> -> memref<1x40x128xi32, #tpu.memory_space<hbm>>
      %dma_start3A_146 = tpu.memref_squeeze %dma_start3A_145 : memref<1x40x128xi32, #tpu.memory_space<hbm>> -> memref<40x128xi32, #tpu.memory_space<hbm>>
      %dma_start3A_147 = arith.constant 40 : i32
      %dma_start3A_148 = arith.constant 0 : i32
      %dma_start3A_149 = tpu.memref_slice %arg8[%arg1, %dma_start3A_147, %dma_start3A_148] : memref<16x80x128xi32, #tpu.memory_space<hbm>> -> memref<1x40x128xi32, #tpu.memory_space<hbm>>
      %dma_start3A_150 = tpu.memref_squeeze %dma_start3A_149 : memref<1x40x128xi32, #tpu.memory_space<hbm>> -> memref<40x128xi32, #tpu.memory_space<hbm>>
      tpu.enqueue_dma source(%dma_start3A_150 : memref<40x128xi32, #tpu.memory_space<hbm>>) target(%arg15 : memref<40x128xi32, #tpu.memory_space<vmem>>) target_semaphore(%run_scoped3A_142 : memref<!tpu.dma_semaphore, #tpu.memory_space<semaphore_mem>>)
      %dma_wait3A = arith.constant 40 : i32
      %dma_wait3A_151 = arith.constant 0 : i32
      %dma_wait3A_152 = tpu.memref_slice %arg8[%arg1, %dma_wait3A, %dma_wait3A_151] : memref<16x80x128xi32, #tpu.memory_space<hbm>> -> memref<1x40x128xi32, #tpu.memory_space<hbm>>
      %dma_wait3A_153 = tpu.memref_squeeze %dma_wait3A_152 : memref<1x40x128xi32, #tpu.memory_space<hbm>> -> memref<40x128xi32, #tpu.memory_space<hbm>>
      %dma_wait3A_154 = arith.constant 40 : i32
      %dma_wait3A_155 = arith.constant 0 : i32
      %dma_wait3A_156 = tpu.memref_slice %arg8[%arg1, %dma_wait3A_154, %dma_wait3A_155] : memref<16x80x128xi32, #tpu.memory_space<hbm>> -> memref<1x40x128xi32, #tpu.memory_space<hbm>>
      %dma_wait3A_157 = tpu.memref_squeeze %dma_wait3A_156 : memref<1x40x128xi32, #tpu.memory_space<hbm>> -> memref<40x128xi32, #tpu.memory_space<hbm>>
      tpu.wait_dma2 semaphore(%run_scoped3A_142 : memref<!tpu.dma_semaphore, #tpu.memory_space<semaphore_mem>>) src(%dma_wait3A_157 : memref<40x128xi32, #tpu.memory_space<hbm>>) dst(%arg15 : memref<40x128xi32, #tpu.memory_space<vmem>>)
      tpu.yield
    }) : () -> ()
    %dma_start3A_67 = arith.constant 0 : i32
    %dma_start3A_68 = arith.constant 0 : i32
    %dma_start3A_69 = tpu.memref_slice %arg14[%dma_start3A_67, %dma_start3A_68] : memref<40x128xi32, #tpu.memory_space<vmem>> -> memref<1x128xi32, #tpu.memory_space<vmem>>
    %dma_start3A_70 = tpu.memref_squeeze %dma_start3A_69 : memref<1x128xi32, #tpu.memory_space<vmem>> -> memref<128xi32, #tpu.memory_space<vmem>>
    %dma_start3A_71 = arith.constant 0 : i32
    %dma_start3A_72 = arith.constant 0 : i32
    %dma_start3A_73 = tpu.memref_slice %arg3[%dma_start3A_71, %dma_start3A_72] : memref<20000x128xf32, #tpu.memory_space<hbm>> -> memref<20000x128xf32, #tpu.memory_space<hbm>>
    tpu.enqueue_indirect_dma source(%dma_start3A_73 : memref<20000x128xf32, #tpu.memory_space<hbm>>) target(%arg16 : memref<128x128xf32, #tpu.memory_space<vmem>>) offsets(%dma_start3A_70 : memref<128xi32, #tpu.memory_space<vmem>>) semaphore(%arg18 : memref<!tpu.dma_semaphore, #tpu.memory_space<semaphore_mem>>)
    %dma_start3A_74 = arith.constant 1 : i32
    %dma_start3A_75 = arith.constant 0 : i32
    %dma_start3A_76 = tpu.memref_slice %arg14[%dma_start3A_74, %dma_start3A_75] : memref<40x128xi32, #tpu.memory_space<vmem>> -> memref<1x128xi32, #tpu.memory_space<vmem>>
    %dma_start3A_77 = tpu.memref_squeeze %dma_start3A_76 : memref<1x128xi32, #tpu.memory_space<vmem>> -> memref<128xi32, #tpu.memory_space<vmem>>
    %dma_start3A_78 = arith.constant 0 : i32
    %dma_start3A_79 = arith.constant 0 : i32
    %dma_start3A_80 = tpu.memref_slice %arg3[%dma_start3A_78, %dma_start3A_79] : memref<20000x128xf32, #tpu.memory_space<hbm>> -> memref<20000x128xf32, #tpu.memory_space<hbm>>
    tpu.enqueue_indirect_dma source(%dma_start3A_80 : memref<20000x128xf32, #tpu.memory_space<hbm>>) target(%arg17 : memref<128x128xf32, #tpu.memory_space<vmem>>) offsets(%dma_start3A_77 : memref<128xi32, #tpu.memory_space<vmem>>) semaphore(%arg19 : memref<!tpu.dma_semaphore, #tpu.memory_space<semaphore_mem>>)
    %scan3A_81 = arith.constant 0 : i32
    %scan3A_82 = arith.constant 0 : i32
    %scan3A_83 = arith.constant 20 : i32
    %scan3A_84 = arith.addi %scan3A_82, %scan3A_83 : i32
    %scan3A_85 = arith.constant 1 : i32
    scf.for %scan3A_142 = %scan3A_82 to %scan3A_84 step %scan3A_85  : i32 {
      %mul3A_143 = arith.constant 2 : i32
      %mul3A_144 = arith.muli %mul3A_143, %scan3A_142 : i32
      %mul3A_145 = arith.constant 2 : i32
      %mul3A_146 = arith.muli %mul3A_145, %scan3A_142 : i32
      %add3A = arith.constant 1 : i32
      %add3A_147 = arith.addi %mul3A_146, %add3A : i32
      %dma_wait3A = arith.constant 0 : i32
      %dma_wait3A_148 = tpu.memref_slice %arg14[%mul3A_144, %dma_wait3A] : memref<40x128xi32, #tpu.memory_space<vmem>> -> memref<1x128xi32, #tpu.memory_space<vmem>>
      %dma_wait3A_149 = tpu.memref_squeeze %dma_wait3A_148 : memref<1x128xi32, #tpu.memory_space<vmem>> -> memref<128xi32, #tpu.memory_space<vmem>>
      %dma_wait3A_150 = arith.constant 0 : i32
      %dma_wait3A_151 = arith.constant 0 : i32
      %dma_wait3A_152 = tpu.memref_slice %arg3[%dma_wait3A_150, %dma_wait3A_151] : memref<20000x128xf32, #tpu.memory_space<hbm>> -> memref<20000x128xf32, #tpu.memory_space<hbm>>
      tpu.wait_indirect_dma semaphore(%arg18 : memref<!tpu.dma_semaphore, #tpu.memory_space<semaphore_mem>>) src(%dma_wait3A_152 : memref<20000x128xf32, #tpu.memory_space<hbm>>) dst(%arg16 : memref<128x128xf32, #tpu.memory_space<vmem>>)
      %dma_start3A_153 = arith.constant 0 : i32
      %dma_start3A_154 = tpu.memref_slice %arg15[%mul3A_144, %dma_start3A_153] : memref<40x128xi32, #tpu.memory_space<vmem>> -> memref<1x128xi32, #tpu.memory_space<vmem>>
      %dma_start3A_155 = tpu.memref_squeeze %dma_start3A_154 : memref<1x128xi32, #tpu.memory_space<vmem>> -> memref<128xi32, #tpu.memory_space<vmem>>
      %dma_start3A_156 = arith.constant 0 : i32
      %dma_start3A_157 = arith.constant 0 : i32
      %dma_start3A_158 = tpu.memref_slice %arg13[%dma_start3A_156, %dma_start3A_157] : memref<10240x128xf32, #tpu.memory_space<vmem_shared>> -> memref<10240x128xf32, #tpu.memory_space<vmem_shared>>
      tpu.enqueue_indirect_dma source(%arg16 : memref<128x128xf32, #tpu.memory_space<vmem>>) target(%dma_start3A_158 : memref<10240x128xf32, #tpu.memory_space<vmem_shared>>) offsets(%dma_start3A_155 : memref<128xi32, #tpu.memory_space<vmem>>) semaphore(%arg20 : memref<!tpu.dma_semaphore, #tpu.memory_space<semaphore_mem>>) {add = true}
      %dma_wait3A_159 = arith.constant 0 : i32
      %dma_wait3A_160 = tpu.memref_slice %arg14[%add3A_147, %dma_wait3A_159] : memref<40x128xi32, #tpu.memory_space<vmem>> -> memref<1x128xi32, #tpu.memory_space<vmem>>
      %dma_wait3A_161 = tpu.memref_squeeze %dma_wait3A_160 : memref<1x128xi32, #tpu.memory_space<vmem>> -> memref<128xi32, #tpu.memory_space<vmem>>
      %dma_wait3A_162 = arith.constant 0 : i32
      %dma_wait3A_163 = arith.constant 0 : i32
      %dma_wait3A_164 = tpu.memref_slice %arg3[%dma_wait3A_162, %dma_wait3A_163] : memref<20000x128xf32, #tpu.memory_space<hbm>> -> memref<20000x128xf32, #tpu.memory_space<hbm>>
      tpu.wait_indirect_dma semaphore(%arg19 : memref<!tpu.dma_semaphore, #tpu.memory_space<semaphore_mem>>) src(%dma_wait3A_164 : memref<20000x128xf32, #tpu.memory_space<hbm>>) dst(%arg17 : memref<128x128xf32, #tpu.memory_space<vmem>>)
      %dma_start3A_165 = arith.constant 0 : i32
      %dma_start3A_166 = tpu.memref_slice %arg15[%add3A_147, %dma_start3A_165] : memref<40x128xi32, #tpu.memory_space<vmem>> -> memref<1x128xi32, #tpu.memory_space<vmem>>
      %dma_start3A_167 = tpu.memref_squeeze %dma_start3A_166 : memref<1x128xi32, #tpu.memory_space<vmem>> -> memref<128xi32, #tpu.memory_space<vmem>>
      %dma_start3A_168 = arith.constant 0 : i32
      %dma_start3A_169 = arith.constant 0 : i32
      %dma_start3A_170 = tpu.memref_slice %arg13[%dma_start3A_168, %dma_start3A_169] : memref<10240x128xf32, #tpu.memory_space<vmem_shared>> -> memref<10240x128xf32, #tpu.memory_space<vmem_shared>>
      tpu.enqueue_indirect_dma source(%arg17 : memref<128x128xf32, #tpu.memory_space<vmem>>) target(%dma_start3A_170 : memref<10240x128xf32, #tpu.memory_space<vmem_shared>>) offsets(%dma_start3A_167 : memref<128xi32, #tpu.memory_space<vmem>>) semaphore(%arg21 : memref<!tpu.dma_semaphore, #tpu.memory_space<semaphore_mem>>) {add = true}
      %dma_wait3A_171 = arith.constant 0 : i32
      %dma_wait3A_172 = tpu.memref_slice %arg15[%mul3A_144, %dma_wait3A_171] : memref<40x128xi32, #tpu.memory_space<vmem>> -> memref<1x128xi32, #tpu.memory_space<vmem>>
      %dma_wait3A_173 = tpu.memref_squeeze %dma_wait3A_172 : memref<1x128xi32, #tpu.memory_space<vmem>> -> memref<128xi32, #tpu.memory_space<vmem>>
      %dma_wait3A_174 = arith.constant 0 : i32
      %dma_wait3A_175 = arith.constant 0 : i32
      %dma_wait3A_176 = tpu.memref_slice %arg13[%dma_wait3A_174, %dma_wait3A_175] : memref<10240x128xf32, #tpu.memory_space<vmem_shared>> -> memref<10240x128xf32, #tpu.memory_space<vmem_shared>>
      tpu.wait_indirect_dma semaphore(%arg20 : memref<!tpu.dma_semaphore, #tpu.memory_space<semaphore_mem>>) src(%arg16 : memref<128x128xf32, #tpu.memory_space<vmem>>) dst(%dma_wait3A_176 : memref<10240x128xf32, #tpu.memory_space<vmem_shared>>)
      %add3A_177 = arith.constant 2 : i32
      %add3A_178 = arith.addi %mul3A_144, %add3A_177 : i32
      %lt3A = arith.constant 40 : i32
      %lt3A_179 = arith.cmpi slt, %add3A_178, %lt3A : i32
      %convert_element_type3A = arith.extui %lt3A_179 : i1 to i32
      %cond3A = arith.constant 0 : i32
      %cond3A_180 = arith.cmpi ne, %convert_element_type3A, %cond3A : i32
      scf.if %cond3A_180 {
        %add3A_194 = arith.constant 2 : i32
        %add3A_195 = arith.addi %mul3A_144, %add3A_194 : i32
        %dma_start3A_196 = arith.constant 0 : i32
        %dma_start3A_197 = tpu.memref_slice %arg14[%add3A_195, %dma_start3A_196] : memref<40x128xi32, #tpu.memory_space<vmem>> -> memref<1x128xi32, #tpu.memory_space<vmem>>
        %dma_start3A_198 = tpu.memref_squeeze %dma_start3A_197 : memref<1x128xi32, #tpu.memory_space<vmem>> -> memref<128xi32, #tpu.memory_space<vmem>>
        %dma_start3A_199 = arith.constant 0 : i32
        %dma_start3A_200 = arith.constant 0 : i32
        %dma_start3A_201 = tpu.memref_slice %arg3[%dma_start3A_199, %dma_start3A_200] : memref<20000x128xf32, #tpu.memory_space<hbm>> -> memref<20000x128xf32, #tpu.memory_space<hbm>>
        tpu.enqueue_indirect_dma source(%dma_start3A_201 : memref<20000x128xf32, #tpu.memory_space<hbm>>) target(%arg16 : memref<128x128xf32, #tpu.memory_space<vmem>>) offsets(%dma_start3A_198 : memref<128xi32, #tpu.memory_space<vmem>>) semaphore(%arg18 : memref<!tpu.dma_semaphore, #tpu.memory_space<semaphore_mem>>)
      } else {
      }
      %dma_wait3A_181 = arith.constant 0 : i32
      %dma_wait3A_182 = tpu.memref_slice %arg15[%add3A_147, %dma_wait3A_181] : memref<40x128xi32, #tpu.memory_space<vmem>> -> memref<1x128xi32, #tpu.memory_space<vmem>>
      %dma_wait3A_183 = tpu.memref_squeeze %dma_wait3A_182 : memref<1x128xi32, #tpu.memory_space<vmem>> -> memref<128xi32, #tpu.memory_space<vmem>>
      %dma_wait3A_184 = arith.constant 0 : i32
      %dma_wait3A_185 = arith.constant 0 : i32
      %dma_wait3A_186 = tpu.memref_slice %arg13[%dma_wait3A_184, %dma_wait3A_185] : memref<10240x128xf32, #tpu.memory_space<vmem_shared>> -> memref<10240x128xf32, #tpu.memory_space<vmem_shared>>
      tpu.wait_indirect_dma semaphore(%arg21 : memref<!tpu.dma_semaphore, #tpu.memory_space<semaphore_mem>>) src(%arg17 : memref<128x128xf32, #tpu.memory_space<vmem>>) dst(%dma_wait3A_186 : memref<10240x128xf32, #tpu.memory_space<vmem_shared>>)
      %add3A_187 = arith.constant 2 : i32
      %add3A_188 = arith.addi %add3A_147, %add3A_187 : i32
      %lt3A_189 = arith.constant 40 : i32
      %lt3A_190 = arith.cmpi slt, %add3A_188, %lt3A_189 : i32
      %convert_element_type3A_191 = arith.extui %lt3A_190 : i1 to i32
      %cond3A_192 = arith.constant 0 : i32
      %cond3A_193 = arith.cmpi ne, %convert_element_type3A_191, %cond3A_192 : i32
      scf.if %cond3A_193 {
        %add3A_194 = arith.constant 2 : i32
        %add3A_195 = arith.addi %add3A_147, %add3A_194 : i32
        %dma_start3A_196 = arith.constant 0 : i32
        %dma_start3A_197 = tpu.memref_slice %arg14[%add3A_195, %dma_start3A_196] : memref<40x128xi32, #tpu.memory_space<vmem>> -> memref<1x128xi32, #tpu.memory_space<vmem>>
        %dma_start3A_198 = tpu.memref_squeeze %dma_start3A_197 : memref<1x128xi32, #tpu.memory_space<vmem>> -> memref<128xi32, #tpu.memory_space<vmem>>
        %dma_start3A_199 = arith.constant 0 : i32
        %dma_start3A_200 = arith.constant 0 : i32
        %dma_start3A_201 = tpu.memref_slice %arg3[%dma_start3A_199, %dma_start3A_200] : memref<20000x128xf32, #tpu.memory_space<hbm>> -> memref<20000x128xf32, #tpu.memory_space<hbm>>
        tpu.enqueue_indirect_dma source(%dma_start3A_201 : memref<20000x128xf32, #tpu.memory_space<hbm>>) target(%arg17 : memref<128x128xf32, #tpu.memory_space<vmem>>) offsets(%dma_start3A_198 : memref<128xi32, #tpu.memory_space<vmem>>) semaphore(%arg19 : memref<!tpu.dma_semaphore, #tpu.memory_space<semaphore_mem>>)
      } else {
      }
    }
    %scan3A_86 = arith.constant 20 : i32
    %barrier3A_87 = arith.constant 0 : index
    tpu.barrier barrier_id(%barrier3A_87)
    %mul3A_88 = arith.constant 640 : i32
    %mul3A_89 = arith.muli %arg1, %mul3A_88 : i32
    %mul3A_90 = arith.constant 640 : i32
    %mul3A_91 = arith.muli %arg1, %mul3A_90 : i32
    %run_scoped3A_92 = arith.constant 1 : i32
    "tpu.region"() ({
      %run_scoped3A_142 = tpu.sem_alloc : memref<!tpu.dma_semaphore, #tpu.memory_space<semaphore_mem>>
      %dma_start3A_143 = arith.constant 0 : i32
      %dma_start3A_144 = tpu.memref_slice %arg12[%run_scoped3A_92, %arg0, %mul3A_91, %dma_start3A_143] : memref<3x2x10240x128xf32, #tpu.memory_space<hbm>> -> memref<1x1x640x128xf32, #tpu.memory_space<hbm>>
      %dma_start3A_145 = tpu.memref_squeeze %dma_start3A_144 : memref<1x1x640x128xf32, #tpu.memory_space<hbm>> -> memref<640x128xf32, #tpu.memory_space<hbm>>
      %dma_start3A_146 = arith.constant 0 : i32
      %dma_start3A_147 = tpu.memref_slice %arg13[%mul3A_89, %dma_start3A_146] : memref<10240x128xf32, #tpu.memory_space<vmem_shared>> -> memref<640x128xf32, #tpu.memory_space<vmem_shared>>
      tpu.enqueue_dma source(%dma_start3A_147 : memref<640x128xf32, #tpu.memory_space<vmem_shared>>) target(%dma_start3A_145 : memref<640x128xf32, #tpu.memory_space<hbm>>) target_semaphore(%run_scoped3A_142 : memref<!tpu.dma_semaphore, #tpu.memory_space<semaphore_mem>>)
      %dma_wait3A = arith.constant 0 : i32
      %dma_wait3A_148 = tpu.memref_slice %arg12[%run_scoped3A_92, %arg0, %mul3A_91, %dma_wait3A] : memref<3x2x10240x128xf32, #tpu.memory_space<hbm>> -> memref<1x1x640x128xf32, #tpu.memory_space<hbm>>
      %dma_wait3A_149 = tpu.memref_squeeze %dma_wait3A_148 : memref<1x1x640x128xf32, #tpu.memory_space<hbm>> -> memref<640x128xf32, #tpu.memory_space<hbm>>
      %dma_wait3A_150 = arith.constant 0 : i32
      %dma_wait3A_151 = tpu.memref_slice %arg13[%mul3A_89, %dma_wait3A_150] : memref<10240x128xf32, #tpu.memory_space<vmem_shared>> -> memref<640x128xf32, #tpu.memory_space<vmem_shared>>
      tpu.wait_dma2 semaphore(%run_scoped3A_142 : memref<!tpu.dma_semaphore, #tpu.memory_space<semaphore_mem>>) src(%dma_wait3A_151 : memref<640x128xf32, #tpu.memory_space<vmem_shared>>) dst(%dma_wait3A_149 : memref<640x128xf32, #tpu.memory_space<hbm>>)
      tpu.yield
    }) : () -> ()
    %mul3A_93 = arith.constant 640 : i32
    %mul3A_94 = arith.muli %arg1, %mul3A_93 : i32
    "tpu.region"() ({
      %run_scoped3A_142 = tpu.sem_alloc : memref<!tpu.dma_semaphore, #tpu.memory_space<semaphore_mem>>
      %dma_start3A_143 = arith.constant 0 : i32
      %dma_start3A_144 = tpu.memref_slice %arg13[%mul3A_94, %dma_start3A_143] : memref<10240x128xf32, #tpu.memory_space<vmem_shared>> -> memref<640x128xf32, #tpu.memory_space<vmem_shared>>
      tpu.enqueue_dma source(%arg11 : memref<640x128xf32, #tpu.memory_space<hbm>>) target(%dma_start3A_144 : memref<640x128xf32, #tpu.memory_space<vmem_shared>>) target_semaphore(%run_scoped3A_142 : memref<!tpu.dma_semaphore, #tpu.memory_space<semaphore_mem>>)
      %dma_wait3A = arith.constant 0 : i32
      %dma_wait3A_145 = tpu.memref_slice %arg13[%mul3A_94, %dma_wait3A] : memref<10240x128xf32, #tpu.memory_space<vmem_shared>> -> memref<640x128xf32, #tpu.memory_space<vmem_shared>>
      tpu.wait_dma2 semaphore(%run_scoped3A_142 : memref<!tpu.dma_semaphore, #tpu.memory_space<semaphore_mem>>) src(%arg11 : memref<640x128xf32, #tpu.memory_space<hbm>>) dst(%dma_wait3A_145 : memref<640x128xf32, #tpu.memory_space<vmem_shared>>)
      tpu.yield
    }) : () -> ()
    %barrier3A_95 = arith.constant 0 : index
    tpu.barrier barrier_id(%barrier3A_95)
    "tpu.region"() ({
      %run_scoped3A_142 = tpu.sem_alloc : memref<!tpu.dma_semaphore, #tpu.memory_space<semaphore_mem>>
      %dma_start3A_143 = arith.constant 0 : i32
      %dma_start3A_144 = arith.constant 0 : i32
      %dma_start3A_145 = tpu.memref_slice %arg9[%arg0, %arg1, %dma_start3A_143, %dma_start3A_144] : memref<2x16x80x128xi32, #tpu.memory_space<hbm>> -> memref<1x1x40x128xi32, #tpu.memory_space<hbm>>
      %dma_start3A_146 = tpu.memref_squeeze %dma_start3A_145 : memref<1x1x40x128xi32, #tpu.memory_space<hbm>> -> memref<40x128xi32, #tpu.memory_space<hbm>>
      %dma_start3A_147 = arith.constant 0 : i32
      %dma_start3A_148 = arith.constant 0 : i32
      %dma_start3A_149 = tpu.memref_slice %arg9[%arg0, %arg1, %dma_start3A_147, %dma_start3A_148] : memref<2x16x80x128xi32, #tpu.memory_space<hbm>> -> memref<1x1x40x128xi32, #tpu.memory_space<hbm>>
      %dma_start3A_150 = tpu.memref_squeeze %dma_start3A_149 : memref<1x1x40x128xi32, #tpu.memory_space<hbm>> -> memref<40x128xi32, #tpu.memory_space<hbm>>
      tpu.enqueue_dma source(%dma_start3A_150 : memref<40x128xi32, #tpu.memory_space<hbm>>) target(%arg14 : memref<40x128xi32, #tpu.memory_space<vmem>>) target_semaphore(%run_scoped3A_142 : memref<!tpu.dma_semaphore, #tpu.memory_space<semaphore_mem>>)
      %dma_wait3A = arith.constant 0 : i32
      %dma_wait3A_151 = arith.constant 0 : i32
      %dma_wait3A_152 = tpu.memref_slice %arg9[%arg0, %arg1, %dma_wait3A, %dma_wait3A_151] : memref<2x16x80x128xi32, #tpu.memory_space<hbm>> -> memref<1x1x40x128xi32, #tpu.memory_space<hbm>>
      %dma_wait3A_153 = tpu.memref_squeeze %dma_wait3A_152 : memref<1x1x40x128xi32, #tpu.memory_space<hbm>> -> memref<40x128xi32, #tpu.memory_space<hbm>>
      %dma_wait3A_154 = arith.constant 0 : i32
      %dma_wait3A_155 = arith.constant 0 : i32
      %dma_wait3A_156 = tpu.memref_slice %arg9[%arg0, %arg1, %dma_wait3A_154, %dma_wait3A_155] : memref<2x16x80x128xi32, #tpu.memory_space<hbm>> -> memref<1x1x40x128xi32, #tpu.memory_space<hbm>>
      %dma_wait3A_157 = tpu.memref_squeeze %dma_wait3A_156 : memref<1x1x40x128xi32, #tpu.memory_space<hbm>> -> memref<40x128xi32, #tpu.memory_space<hbm>>
      tpu.wait_dma2 semaphore(%run_scoped3A_142 : memref<!tpu.dma_semaphore, #tpu.memory_space<semaphore_mem>>) src(%dma_wait3A_157 : memref<40x128xi32, #tpu.memory_space<hbm>>) dst(%arg14 : memref<40x128xi32, #tpu.memory_space<vmem>>)
      tpu.yield
    }) : () -> ()
    "tpu.region"() ({
      %run_scoped3A_142 = tpu.sem_alloc : memref<!tpu.dma_semaphore, #tpu.memory_space<semaphore_mem>>
      %dma_start3A_143 = arith.constant 0 : i32
      %dma_start3A_144 = arith.constant 0 : i32
      %dma_start3A_145 = tpu.memref_slice %arg10[%arg1, %dma_start3A_143, %dma_start3A_144] : memref<16x80x128xi32, #tpu.memory_space<hbm>> -> memref<1x40x128xi32, #tpu.memory_space<hbm>>
      %dma_start3A_146 = tpu.memref_squeeze %dma_start3A_145 : memref<1x40x128xi32, #tpu.memory_space<hbm>> -> memref<40x128xi32, #tpu.memory_space<hbm>>
      %dma_start3A_147 = arith.constant 0 : i32
      %dma_start3A_148 = arith.constant 0 : i32
      %dma_start3A_149 = tpu.memref_slice %arg10[%arg1, %dma_start3A_147, %dma_start3A_148] : memref<16x80x128xi32, #tpu.memory_space<hbm>> -> memref<1x40x128xi32, #tpu.memory_space<hbm>>
      %dma_start3A_150 = tpu.memref_squeeze %dma_start3A_149 : memref<1x40x128xi32, #tpu.memory_space<hbm>> -> memref<40x128xi32, #tpu.memory_space<hbm>>
      tpu.enqueue_dma source(%dma_start3A_150 : memref<40x128xi32, #tpu.memory_space<hbm>>) target(%arg15 : memref<40x128xi32, #tpu.memory_space<vmem>>) target_semaphore(%run_scoped3A_142 : memref<!tpu.dma_semaphore, #tpu.memory_space<semaphore_mem>>)
      %dma_wait3A = arith.constant 0 : i32
      %dma_wait3A_151 = arith.constant 0 : i32
      %dma_wait3A_152 = tpu.memref_slice %arg10[%arg1, %dma_wait3A, %dma_wait3A_151] : memref<16x80x128xi32, #tpu.memory_space<hbm>> -> memref<1x40x128xi32, #tpu.memory_space<hbm>>
      %dma_wait3A_153 = tpu.memref_squeeze %dma_wait3A_152 : memref<1x40x128xi32, #tpu.memory_space<hbm>> -> memref<40x128xi32, #tpu.memory_space<hbm>>
      %dma_wait3A_154 = arith.constant 0 : i32
      %dma_wait3A_155 = arith.constant 0 : i32
      %dma_wait3A_156 = tpu.memref_slice %arg10[%arg1, %dma_wait3A_154, %dma_wait3A_155] : memref<16x80x128xi32, #tpu.memory_space<hbm>> -> memref<1x40x128xi32, #tpu.memory_space<hbm>>
      %dma_wait3A_157 = tpu.memref_squeeze %dma_wait3A_156 : memref<1x40x128xi32, #tpu.memory_space<hbm>> -> memref<40x128xi32, #tpu.memory_space<hbm>>
      tpu.wait_dma2 semaphore(%run_scoped3A_142 : memref<!tpu.dma_semaphore, #tpu.memory_space<semaphore_mem>>) src(%dma_wait3A_157 : memref<40x128xi32, #tpu.memory_space<hbm>>) dst(%arg15 : memref<40x128xi32, #tpu.memory_space<vmem>>)
      tpu.yield
    }) : () -> ()
    %dma_start3A_96 = arith.constant 0 : i32
    %dma_start3A_97 = arith.constant 0 : i32
    %dma_start3A_98 = tpu.memref_slice %arg14[%dma_start3A_96, %dma_start3A_97] : memref<40x128xi32, #tpu.memory_space<vmem>> -> memref<1x128xi32, #tpu.memory_space<vmem>>
    %dma_start3A_99 = tpu.memref_squeeze %dma_start3A_98 : memref<1x128xi32, #tpu.memory_space<vmem>> -> memref<128xi32, #tpu.memory_space<vmem>>
    %dma_start3A_100 = arith.constant 0 : i32
    %dma_start3A_101 = arith.constant 0 : i32
    %dma_start3A_102 = tpu.memref_slice %arg4[%dma_start3A_100, %dma_start3A_101] : memref<20000x128xf32, #tpu.memory_space<hbm>> -> memref<20000x128xf32, #tpu.memory_space<hbm>>
    tpu.enqueue_indirect_dma source(%dma_start3A_102 : memref<20000x128xf32, #tpu.memory_space<hbm>>) target(%arg16 : memref<128x128xf32, #tpu.memory_space<vmem>>) offsets(%dma_start3A_99 : memref<128xi32, #tpu.memory_space<vmem>>) semaphore(%arg18 : memref<!tpu.dma_semaphore, #tpu.memory_space<semaphore_mem>>)
    %dma_start3A_103 = arith.constant 1 : i32
    %dma_start3A_104 = arith.constant 0 : i32
    %dma_start3A_105 = tpu.memref_slice %arg14[%dma_start3A_103, %dma_start3A_104] : memref<40x128xi32, #tpu.memory_space<vmem>> -> memref<1x128xi32, #tpu.memory_space<vmem>>
    %dma_start3A_106 = tpu.memref_squeeze %dma_start3A_105 : memref<1x128xi32, #tpu.memory_space<vmem>> -> memref<128xi32, #tpu.memory_space<vmem>>
    %dma_start3A_107 = arith.constant 0 : i32
    %dma_start3A_108 = arith.constant 0 : i32
    %dma_start3A_109 = tpu.memref_slice %arg4[%dma_start3A_107, %dma_start3A_108] : memref<20000x128xf32, #tpu.memory_space<hbm>> -> memref<20000x128xf32, #tpu.memory_space<hbm>>
    tpu.enqueue_indirect_dma source(%dma_start3A_109 : memref<20000x128xf32, #tpu.memory_space<hbm>>) target(%arg17 : memref<128x128xf32, #tpu.memory_space<vmem>>) offsets(%dma_start3A_106 : memref<128xi32, #tpu.memory_space<vmem>>) semaphore(%arg19 : memref<!tpu.dma_semaphore, #tpu.memory_space<semaphore_mem>>)
    %scan3A_110 = arith.constant 0 : i32
    %scan3A_111 = arith.constant 0 : i32
    %scan3A_112 = arith.constant 20 : i32
    %scan3A_113 = arith.addi %scan3A_111, %scan3A_112 : i32
    %scan3A_114 = arith.constant 1 : i32
    scf.for %scan3A_142 = %scan3A_111 to %scan3A_113 step %scan3A_114  : i32 {
      %mul3A_143 = arith.constant 2 : i32
      %mul3A_144 = arith.muli %mul3A_143, %scan3A_142 : i32
      %mul3A_145 = arith.constant 2 : i32
      %mul3A_146 = arith.muli %mul3A_145, %scan3A_142 : i32
      %add3A = arith.constant 1 : i32
      %add3A_147 = arith.addi %mul3A_146, %add3A : i32
      %dma_wait3A = arith.constant 0 : i32
      %dma_wait3A_148 = tpu.memref_slice %arg14[%mul3A_144, %dma_wait3A] : memref<40x128xi32, #tpu.memory_space<vmem>> -> memref<1x128xi32, #tpu.memory_space<vmem>>
      %dma_wait3A_149 = tpu.memref_squeeze %dma_wait3A_148 : memref<1x128xi32, #tpu.memory_space<vmem>> -> memref<128xi32, #tpu.memory_space<vmem>>
      %dma_wait3A_150 = arith.constant 0 : i32
      %dma_wait3A_151 = arith.constant 0 : i32
      %dma_wait3A_152 = tpu.memref_slice %arg4[%dma_wait3A_150, %dma_wait3A_151] : memref<20000x128xf32, #tpu.memory_space<hbm>> -> memref<20000x128xf32, #tpu.memory_space<hbm>>
      tpu.wait_indirect_dma semaphore(%arg18 : memref<!tpu.dma_semaphore, #tpu.memory_space<semaphore_mem>>) src(%dma_wait3A_152 : memref<20000x128xf32, #tpu.memory_space<hbm>>) dst(%arg16 : memref<128x128xf32, #tpu.memory_space<vmem>>)
      %dma_start3A_153 = arith.constant 0 : i32
      %dma_start3A_154 = tpu.memref_slice %arg15[%mul3A_144, %dma_start3A_153] : memref<40x128xi32, #tpu.memory_space<vmem>> -> memref<1x128xi32, #tpu.memory_space<vmem>>
      %dma_start3A_155 = tpu.memref_squeeze %dma_start3A_154 : memref<1x128xi32, #tpu.memory_space<vmem>> -> memref<128xi32, #tpu.memory_space<vmem>>
      %dma_start3A_156 = arith.constant 0 : i32
      %dma_start3A_157 = arith.constant 0 : i32
      %dma_start3A_158 = tpu.memref_slice %arg13[%dma_start3A_156, %dma_start3A_157] : memref<10240x128xf32, #tpu.memory_space<vmem_shared>> -> memref<10240x128xf32, #tpu.memory_space<vmem_shared>>
      tpu.enqueue_indirect_dma source(%arg16 : memref<128x128xf32, #tpu.memory_space<vmem>>) target(%dma_start3A_158 : memref<10240x128xf32, #tpu.memory_space<vmem_shared>>) offsets(%dma_start3A_155 : memref<128xi32, #tpu.memory_space<vmem>>) semaphore(%arg20 : memref<!tpu.dma_semaphore, #tpu.memory_space<semaphore_mem>>) {add = true}
      %dma_wait3A_159 = arith.constant 0 : i32
      %dma_wait3A_160 = tpu.memref_slice %arg14[%add3A_147, %dma_wait3A_159] : memref<40x128xi32, #tpu.memory_space<vmem>> -> memref<1x128xi32, #tpu.memory_space<vmem>>
      %dma_wait3A_161 = tpu.memref_squeeze %dma_wait3A_160 : memref<1x128xi32, #tpu.memory_space<vmem>> -> memref<128xi32, #tpu.memory_space<vmem>>
      %dma_wait3A_162 = arith.constant 0 : i32
      %dma_wait3A_163 = arith.constant 0 : i32
      %dma_wait3A_164 = tpu.memref_slice %arg4[%dma_wait3A_162, %dma_wait3A_163] : memref<20000x128xf32, #tpu.memory_space<hbm>> -> memref<20000x128xf32, #tpu.memory_space<hbm>>
      tpu.wait_indirect_dma semaphore(%arg19 : memref<!tpu.dma_semaphore, #tpu.memory_space<semaphore_mem>>) src(%dma_wait3A_164 : memref<20000x128xf32, #tpu.memory_space<hbm>>) dst(%arg17 : memref<128x128xf32, #tpu.memory_space<vmem>>)
      %dma_start3A_165 = arith.constant 0 : i32
      %dma_start3A_166 = tpu.memref_slice %arg15[%add3A_147, %dma_start3A_165] : memref<40x128xi32, #tpu.memory_space<vmem>> -> memref<1x128xi32, #tpu.memory_space<vmem>>
      %dma_start3A_167 = tpu.memref_squeeze %dma_start3A_166 : memref<1x128xi32, #tpu.memory_space<vmem>> -> memref<128xi32, #tpu.memory_space<vmem>>
      %dma_start3A_168 = arith.constant 0 : i32
      %dma_start3A_169 = arith.constant 0 : i32
      %dma_start3A_170 = tpu.memref_slice %arg13[%dma_start3A_168, %dma_start3A_169] : memref<10240x128xf32, #tpu.memory_space<vmem_shared>> -> memref<10240x128xf32, #tpu.memory_space<vmem_shared>>
      tpu.enqueue_indirect_dma source(%arg17 : memref<128x128xf32, #tpu.memory_space<vmem>>) target(%dma_start3A_170 : memref<10240x128xf32, #tpu.memory_space<vmem_shared>>) offsets(%dma_start3A_167 : memref<128xi32, #tpu.memory_space<vmem>>) semaphore(%arg21 : memref<!tpu.dma_semaphore, #tpu.memory_space<semaphore_mem>>) {add = true}
      %dma_wait3A_171 = arith.constant 0 : i32
      %dma_wait3A_172 = tpu.memref_slice %arg15[%mul3A_144, %dma_wait3A_171] : memref<40x128xi32, #tpu.memory_space<vmem>> -> memref<1x128xi32, #tpu.memory_space<vmem>>
      %dma_wait3A_173 = tpu.memref_squeeze %dma_wait3A_172 : memref<1x128xi32, #tpu.memory_space<vmem>> -> memref<128xi32, #tpu.memory_space<vmem>>
      %dma_wait3A_174 = arith.constant 0 : i32
      %dma_wait3A_175 = arith.constant 0 : i32
      %dma_wait3A_176 = tpu.memref_slice %arg13[%dma_wait3A_174, %dma_wait3A_175] : memref<10240x128xf32, #tpu.memory_space<vmem_shared>> -> memref<10240x128xf32, #tpu.memory_space<vmem_shared>>
      tpu.wait_indirect_dma semaphore(%arg20 : memref<!tpu.dma_semaphore, #tpu.memory_space<semaphore_mem>>) src(%arg16 : memref<128x128xf32, #tpu.memory_space<vmem>>) dst(%dma_wait3A_176 : memref<10240x128xf32, #tpu.memory_space<vmem_shared>>)
      %add3A_177 = arith.constant 2 : i32
      %add3A_178 = arith.addi %mul3A_144, %add3A_177 : i32
      %lt3A = arith.constant 40 : i32
      %lt3A_179 = arith.cmpi slt, %add3A_178, %lt3A : i32
      %convert_element_type3A = arith.extui %lt3A_179 : i1 to i32
      %cond3A = arith.constant 0 : i32
      %cond3A_180 = arith.cmpi ne, %convert_element_type3A, %cond3A : i32
      scf.if %cond3A_180 {
        %add3A_194 = arith.constant 2 : i32
        %add3A_195 = arith.addi %mul3A_144, %add3A_194 : i32
        %dma_start3A_196 = arith.constant 0 : i32
        %dma_start3A_197 = tpu.memref_slice %arg14[%add3A_195, %dma_start3A_196] : memref<40x128xi32, #tpu.memory_space<vmem>> -> memref<1x128xi32, #tpu.memory_space<vmem>>
        %dma_start3A_198 = tpu.memref_squeeze %dma_start3A_197 : memref<1x128xi32, #tpu.memory_space<vmem>> -> memref<128xi32, #tpu.memory_space<vmem>>
        %dma_start3A_199 = arith.constant 0 : i32
        %dma_start3A_200 = arith.constant 0 : i32
        %dma_start3A_201 = tpu.memref_slice %arg4[%dma_start3A_199, %dma_start3A_200] : memref<20000x128xf32, #tpu.memory_space<hbm>> -> memref<20000x128xf32, #tpu.memory_space<hbm>>
        tpu.enqueue_indirect_dma source(%dma_start3A_201 : memref<20000x128xf32, #tpu.memory_space<hbm>>) target(%arg16 : memref<128x128xf32, #tpu.memory_space<vmem>>) offsets(%dma_start3A_198 : memref<128xi32, #tpu.memory_space<vmem>>) semaphore(%arg18 : memref<!tpu.dma_semaphore, #tpu.memory_space<semaphore_mem>>)
      } else {
      }
      %dma_wait3A_181 = arith.constant 0 : i32
      %dma_wait3A_182 = tpu.memref_slice %arg15[%add3A_147, %dma_wait3A_181] : memref<40x128xi32, #tpu.memory_space<vmem>> -> memref<1x128xi32, #tpu.memory_space<vmem>>
      %dma_wait3A_183 = tpu.memref_squeeze %dma_wait3A_182 : memref<1x128xi32, #tpu.memory_space<vmem>> -> memref<128xi32, #tpu.memory_space<vmem>>
      %dma_wait3A_184 = arith.constant 0 : i32
      %dma_wait3A_185 = arith.constant 0 : i32
      %dma_wait3A_186 = tpu.memref_slice %arg13[%dma_wait3A_184, %dma_wait3A_185] : memref<10240x128xf32, #tpu.memory_space<vmem_shared>> -> memref<10240x128xf32, #tpu.memory_space<vmem_shared>>
      tpu.wait_indirect_dma semaphore(%arg21 : memref<!tpu.dma_semaphore, #tpu.memory_space<semaphore_mem>>) src(%arg17 : memref<128x128xf32, #tpu.memory_space<vmem>>) dst(%dma_wait3A_186 : memref<10240x128xf32, #tpu.memory_space<vmem_shared>>)
      %add3A_187 = arith.constant 2 : i32
      %add3A_188 = arith.addi %add3A_147, %add3A_187 : i32
      %lt3A_189 = arith.constant 40 : i32
      %lt3A_190 = arith.cmpi slt, %add3A_188, %lt3A_189 : i32
      %convert_element_type3A_191 = arith.extui %lt3A_190 : i1 to i32
      %cond3A_192 = arith.constant 0 : i32
      %cond3A_193 = arith.cmpi ne, %convert_element_type3A_191, %cond3A_192 : i32
      scf.if %cond3A_193 {
        %add3A_194 = arith.constant 2 : i32
        %add3A_195 = arith.addi %add3A_147, %add3A_194 : i32
        %dma_start3A_196 = arith.constant 0 : i32
        %dma_start3A_197 = tpu.memref_slice %arg14[%add3A_195, %dma_start3A_196] : memref<40x128xi32, #tpu.memory_space<vmem>> -> memref<1x128xi32, #tpu.memory_space<vmem>>
        %dma_start3A_198 = tpu.memref_squeeze %dma_start3A_197 : memref<1x128xi32, #tpu.memory_space<vmem>> -> memref<128xi32, #tpu.memory_space<vmem>>
        %dma_start3A_199 = arith.constant 0 : i32
        %dma_start3A_200 = arith.constant 0 : i32
        %dma_start3A_201 = tpu.memref_slice %arg4[%dma_start3A_199, %dma_start3A_200] : memref<20000x128xf32, #tpu.memory_space<hbm>> -> memref<20000x128xf32, #tpu.memory_space<hbm>>
        tpu.enqueue_indirect_dma source(%dma_start3A_201 : memref<20000x128xf32, #tpu.memory_space<hbm>>) target(%arg17 : memref<128x128xf32, #tpu.memory_space<vmem>>) offsets(%dma_start3A_198 : memref<128xi32, #tpu.memory_space<vmem>>) semaphore(%arg19 : memref<!tpu.dma_semaphore, #tpu.memory_space<semaphore_mem>>)
      } else {
      }
    }
    %scan3A_115 = arith.constant 20 : i32
    "tpu.region"() ({
      %run_scoped3A_142 = tpu.sem_alloc : memref<!tpu.dma_semaphore, #tpu.memory_space<semaphore_mem>>
      %dma_start3A_143 = arith.constant 40 : i32
      %dma_start3A_144 = arith.constant 0 : i32
      %dma_start3A_145 = tpu.memref_slice %arg9[%arg0, %arg1, %dma_start3A_143, %dma_start3A_144] : memref<2x16x80x128xi32, #tpu.memory_space<hbm>> -> memref<1x1x40x128xi32, #tpu.memory_space<hbm>>
      %dma_start3A_146 = tpu.memref_squeeze %dma_start3A_145 : memref<1x1x40x128xi32, #tpu.memory_space<hbm>> -> memref<40x128xi32, #tpu.memory_space<hbm>>
      %dma_start3A_147 = arith.constant 40 : i32
      %dma_start3A_148 = arith.constant 0 : i32
      %dma_start3A_149 = tpu.memref_slice %arg9[%arg0, %arg1, %dma_start3A_147, %dma_start3A_148] : memref<2x16x80x128xi32, #tpu.memory_space<hbm>> -> memref<1x1x40x128xi32, #tpu.memory_space<hbm>>
      %dma_start3A_150 = tpu.memref_squeeze %dma_start3A_149 : memref<1x1x40x128xi32, #tpu.memory_space<hbm>> -> memref<40x128xi32, #tpu.memory_space<hbm>>
      tpu.enqueue_dma source(%dma_start3A_150 : memref<40x128xi32, #tpu.memory_space<hbm>>) target(%arg14 : memref<40x128xi32, #tpu.memory_space<vmem>>) target_semaphore(%run_scoped3A_142 : memref<!tpu.dma_semaphore, #tpu.memory_space<semaphore_mem>>)
      %dma_wait3A = arith.constant 40 : i32
      %dma_wait3A_151 = arith.constant 0 : i32
      %dma_wait3A_152 = tpu.memref_slice %arg9[%arg0, %arg1, %dma_wait3A, %dma_wait3A_151] : memref<2x16x80x128xi32, #tpu.memory_space<hbm>> -> memref<1x1x40x128xi32, #tpu.memory_space<hbm>>
      %dma_wait3A_153 = tpu.memref_squeeze %dma_wait3A_152 : memref<1x1x40x128xi32, #tpu.memory_space<hbm>> -> memref<40x128xi32, #tpu.memory_space<hbm>>
      %dma_wait3A_154 = arith.constant 40 : i32
      %dma_wait3A_155 = arith.constant 0 : i32
      %dma_wait3A_156 = tpu.memref_slice %arg9[%arg0, %arg1, %dma_wait3A_154, %dma_wait3A_155] : memref<2x16x80x128xi32, #tpu.memory_space<hbm>> -> memref<1x1x40x128xi32, #tpu.memory_space<hbm>>
      %dma_wait3A_157 = tpu.memref_squeeze %dma_wait3A_156 : memref<1x1x40x128xi32, #tpu.memory_space<hbm>> -> memref<40x128xi32, #tpu.memory_space<hbm>>
      tpu.wait_dma2 semaphore(%run_scoped3A_142 : memref<!tpu.dma_semaphore, #tpu.memory_space<semaphore_mem>>) src(%dma_wait3A_157 : memref<40x128xi32, #tpu.memory_space<hbm>>) dst(%arg14 : memref<40x128xi32, #tpu.memory_space<vmem>>)
      tpu.yield
    }) : () -> ()
    "tpu.region"() ({
      %run_scoped3A_142 = tpu.sem_alloc : memref<!tpu.dma_semaphore, #tpu.memory_space<semaphore_mem>>
      %dma_start3A_143 = arith.constant 40 : i32
      %dma_start3A_144 = arith.constant 0 : i32
      %dma_start3A_145 = tpu.memref_slice %arg10[%arg1, %dma_start3A_143, %dma_start3A_144] : memref<16x80x128xi32, #tpu.memory_space<hbm>> -> memref<1x40x128xi32, #tpu.memory_space<hbm>>
      %dma_start3A_146 = tpu.memref_squeeze %dma_start3A_145 : memref<1x40x128xi32, #tpu.memory_space<hbm>> -> memref<40x128xi32, #tpu.memory_space<hbm>>
      %dma_start3A_147 = arith.constant 40 : i32
      %dma_start3A_148 = arith.constant 0 : i32
      %dma_start3A_149 = tpu.memref_slice %arg10[%arg1, %dma_start3A_147, %dma_start3A_148] : memref<16x80x128xi32, #tpu.memory_space<hbm>> -> memref<1x40x128xi32, #tpu.memory_space<hbm>>
      %dma_start3A_150 = tpu.memref_squeeze %dma_start3A_149 : memref<1x40x128xi32, #tpu.memory_space<hbm>> -> memref<40x128xi32, #tpu.memory_space<hbm>>
      tpu.enqueue_dma source(%dma_start3A_150 : memref<40x128xi32, #tpu.memory_space<hbm>>) target(%arg15 : memref<40x128xi32, #tpu.memory_space<vmem>>) target_semaphore(%run_scoped3A_142 : memref<!tpu.dma_semaphore, #tpu.memory_space<semaphore_mem>>)
      %dma_wait3A = arith.constant 40 : i32
      %dma_wait3A_151 = arith.constant 0 : i32
      %dma_wait3A_152 = tpu.memref_slice %arg10[%arg1, %dma_wait3A, %dma_wait3A_151] : memref<16x80x128xi32, #tpu.memory_space<hbm>> -> memref<1x40x128xi32, #tpu.memory_space<hbm>>
      %dma_wait3A_153 = tpu.memref_squeeze %dma_wait3A_152 : memref<1x40x128xi32, #tpu.memory_space<hbm>> -> memref<40x128xi32, #tpu.memory_space<hbm>>
      %dma_wait3A_154 = arith.constant 40 : i32
      %dma_wait3A_155 = arith.constant 0 : i32
      %dma_wait3A_156 = tpu.memref_slice %arg10[%arg1, %dma_wait3A_154, %dma_wait3A_155] : memref<16x80x128xi32, #tpu.memory_space<hbm>> -> memref<1x40x128xi32, #tpu.memory_space<hbm>>
      %dma_wait3A_157 = tpu.memref_squeeze %dma_wait3A_156 : memref<1x40x128xi32, #tpu.memory_space<hbm>> -> memref<40x128xi32, #tpu.memory_space<hbm>>
      tpu.wait_dma2 semaphore(%run_scoped3A_142 : memref<!tpu.dma_semaphore, #tpu.memory_space<semaphore_mem>>) src(%dma_wait3A_157 : memref<40x128xi32, #tpu.memory_space<hbm>>) dst(%arg15 : memref<40x128xi32, #tpu.memory_space<vmem>>)
      tpu.yield
    }) : () -> ()
    %dma_start3A_116 = arith.constant 0 : i32
    %dma_start3A_117 = arith.constant 0 : i32
    %dma_start3A_118 = tpu.memref_slice %arg14[%dma_start3A_116, %dma_start3A_117] : memref<40x128xi32, #tpu.memory_space<vmem>> -> memref<1x128xi32, #tpu.memory_space<vmem>>
    %dma_start3A_119 = tpu.memref_squeeze %dma_start3A_118 : memref<1x128xi32, #tpu.memory_space<vmem>> -> memref<128xi32, #tpu.memory_space<vmem>>
    %dma_start3A_120 = arith.constant 0 : i32
    %dma_start3A_121 = arith.constant 0 : i32
    %dma_start3A_122 = tpu.memref_slice %arg4[%dma_start3A_120, %dma_start3A_121] : memref<20000x128xf32, #tpu.memory_space<hbm>> -> memref<20000x128xf32, #tpu.memory_space<hbm>>
    tpu.enqueue_indirect_dma source(%dma_start3A_122 : memref<20000x128xf32, #tpu.memory_space<hbm>>) target(%arg16 : memref<128x128xf32, #tpu.memory_space<vmem>>) offsets(%dma_start3A_119 : memref<128xi32, #tpu.memory_space<vmem>>) semaphore(%arg18 : memref<!tpu.dma_semaphore, #tpu.memory_space<semaphore_mem>>)
    %dma_start3A_123 = arith.constant 1 : i32
    %dma_start3A_124 = arith.constant 0 : i32
    %dma_start3A_125 = tpu.memref_slice %arg14[%dma_start3A_123, %dma_start3A_124] : memref<40x128xi32, #tpu.memory_space<vmem>> -> memref<1x128xi32, #tpu.memory_space<vmem>>
    %dma_start3A_126 = tpu.memref_squeeze %dma_start3A_125 : memref<1x128xi32, #tpu.memory_space<vmem>> -> memref<128xi32, #tpu.memory_space<vmem>>
    %dma_start3A_127 = arith.constant 0 : i32
    %dma_start3A_128 = arith.constant 0 : i32
    %dma_start3A_129 = tpu.memref_slice %arg4[%dma_start3A_127, %dma_start3A_128] : memref<20000x128xf32, #tpu.memory_space<hbm>> -> memref<20000x128xf32, #tpu.memory_space<hbm>>
    tpu.enqueue_indirect_dma source(%dma_start3A_129 : memref<20000x128xf32, #tpu.memory_space<hbm>>) target(%arg17 : memref<128x128xf32, #tpu.memory_space<vmem>>) offsets(%dma_start3A_126 : memref<128xi32, #tpu.memory_space<vmem>>) semaphore(%arg19 : memref<!tpu.dma_semaphore, #tpu.memory_space<semaphore_mem>>)
    %scan3A_130 = arith.constant 0 : i32
    %scan3A_131 = arith.constant 0 : i32
    %scan3A_132 = arith.constant 20 : i32
    %scan3A_133 = arith.addi %scan3A_131, %scan3A_132 : i32
    %scan3A_134 = arith.constant 1 : i32
    scf.for %scan3A_142 = %scan3A_131 to %scan3A_133 step %scan3A_134  : i32 {
      %mul3A_143 = arith.constant 2 : i32
      %mul3A_144 = arith.muli %mul3A_143, %scan3A_142 : i32
      %mul3A_145 = arith.constant 2 : i32
      %mul3A_146 = arith.muli %mul3A_145, %scan3A_142 : i32
      %add3A = arith.constant 1 : i32
      %add3A_147 = arith.addi %mul3A_146, %add3A : i32
      %dma_wait3A = arith.constant 0 : i32
      %dma_wait3A_148 = tpu.memref_slice %arg14[%mul3A_144, %dma_wait3A] : memref<40x128xi32, #tpu.memory_space<vmem>> -> memref<1x128xi32, #tpu.memory_space<vmem>>
      %dma_wait3A_149 = tpu.memref_squeeze %dma_wait3A_148 : memref<1x128xi32, #tpu.memory_space<vmem>> -> memref<128xi32, #tpu.memory_space<vmem>>
      %dma_wait3A_150 = arith.constant 0 : i32
      %dma_wait3A_151 = arith.constant 0 : i32
      %dma_wait3A_152 = tpu.memref_slice %arg4[%dma_wait3A_150, %dma_wait3A_151] : memref<20000x128xf32, #tpu.memory_space<hbm>> -> memref<20000x128xf32, #tpu.memory_space<hbm>>
      tpu.wait_indirect_dma semaphore(%arg18 : memref<!tpu.dma_semaphore, #tpu.memory_space<semaphore_mem>>) src(%dma_wait3A_152 : memref<20000x128xf32, #tpu.memory_space<hbm>>) dst(%arg16 : memref<128x128xf32, #tpu.memory_space<vmem>>)
      %dma_start3A_153 = arith.constant 0 : i32
      %dma_start3A_154 = tpu.memref_slice %arg15[%mul3A_144, %dma_start3A_153] : memref<40x128xi32, #tpu.memory_space<vmem>> -> memref<1x128xi32, #tpu.memory_space<vmem>>
      %dma_start3A_155 = tpu.memref_squeeze %dma_start3A_154 : memref<1x128xi32, #tpu.memory_space<vmem>> -> memref<128xi32, #tpu.memory_space<vmem>>
      %dma_start3A_156 = arith.constant 0 : i32
      %dma_start3A_157 = arith.constant 0 : i32
      %dma_start3A_158 = tpu.memref_slice %arg13[%dma_start3A_156, %dma_start3A_157] : memref<10240x128xf32, #tpu.memory_space<vmem_shared>> -> memref<10240x128xf32, #tpu.memory_space<vmem_shared>>
      tpu.enqueue_indirect_dma source(%arg16 : memref<128x128xf32, #tpu.memory_space<vmem>>) target(%dma_start3A_158 : memref<10240x128xf32, #tpu.memory_space<vmem_shared>>) offsets(%dma_start3A_155 : memref<128xi32, #tpu.memory_space<vmem>>) semaphore(%arg20 : memref<!tpu.dma_semaphore, #tpu.memory_space<semaphore_mem>>) {add = true}
      %dma_wait3A_159 = arith.constant 0 : i32
      %dma_wait3A_160 = tpu.memref_slice %arg14[%add3A_147, %dma_wait3A_159] : memref<40x128xi32, #tpu.memory_space<vmem>> -> memref<1x128xi32, #tpu.memory_space<vmem>>
      %dma_wait3A_161 = tpu.memref_squeeze %dma_wait3A_160 : memref<1x128xi32, #tpu.memory_space<vmem>> -> memref<128xi32, #tpu.memory_space<vmem>>
      %dma_wait3A_162 = arith.constant 0 : i32
      %dma_wait3A_163 = arith.constant 0 : i32
      %dma_wait3A_164 = tpu.memref_slice %arg4[%dma_wait3A_162, %dma_wait3A_163] : memref<20000x128xf32, #tpu.memory_space<hbm>> -> memref<20000x128xf32, #tpu.memory_space<hbm>>
      tpu.wait_indirect_dma semaphore(%arg19 : memref<!tpu.dma_semaphore, #tpu.memory_space<semaphore_mem>>) src(%dma_wait3A_164 : memref<20000x128xf32, #tpu.memory_space<hbm>>) dst(%arg17 : memref<128x128xf32, #tpu.memory_space<vmem>>)
      %dma_start3A_165 = arith.constant 0 : i32
      %dma_start3A_166 = tpu.memref_slice %arg15[%add3A_147, %dma_start3A_165] : memref<40x128xi32, #tpu.memory_space<vmem>> -> memref<1x128xi32, #tpu.memory_space<vmem>>
      %dma_start3A_167 = tpu.memref_squeeze %dma_start3A_166 : memref<1x128xi32, #tpu.memory_space<vmem>> -> memref<128xi32, #tpu.memory_space<vmem>>
      %dma_start3A_168 = arith.constant 0 : i32
      %dma_start3A_169 = arith.constant 0 : i32
      %dma_start3A_170 = tpu.memref_slice %arg13[%dma_start3A_168, %dma_start3A_169] : memref<10240x128xf32, #tpu.memory_space<vmem_shared>> -> memref<10240x128xf32, #tpu.memory_space<vmem_shared>>
      tpu.enqueue_indirect_dma source(%arg17 : memref<128x128xf32, #tpu.memory_space<vmem>>) target(%dma_start3A_170 : memref<10240x128xf32, #tpu.memory_space<vmem_shared>>) offsets(%dma_start3A_167 : memref<128xi32, #tpu.memory_space<vmem>>) semaphore(%arg21 : memref<!tpu.dma_semaphore, #tpu.memory_space<semaphore_mem>>) {add = true}
      %dma_wait3A_171 = arith.constant 0 : i32
      %dma_wait3A_172 = tpu.memref_slice %arg15[%mul3A_144, %dma_wait3A_171] : memref<40x128xi32, #tpu.memory_space<vmem>> -> memref<1x128xi32, #tpu.memory_space<vmem>>
      %dma_wait3A_173 = tpu.memref_squeeze %dma_wait3A_172 : memref<1x128xi32, #tpu.memory_space<vmem>> -> memref<128xi32, #tpu.memory_space<vmem>>
      %dma_wait3A_174 = arith.constant 0 : i32
      %dma_wait3A_175 = arith.constant 0 : i32
      %dma_wait3A_176 = tpu.memref_slice %arg13[%dma_wait3A_174, %dma_wait3A_175] : memref<10240x128xf32, #tpu.memory_space<vmem_shared>> -> memref<10240x128xf32, #tpu.memory_space<vmem_shared>>
      tpu.wait_indirect_dma semaphore(%arg20 : memref<!tpu.dma_semaphore, #tpu.memory_space<semaphore_mem>>) src(%arg16 : memref<128x128xf32, #tpu.memory_space<vmem>>) dst(%dma_wait3A_176 : memref<10240x128xf32, #tpu.memory_space<vmem_shared>>)
      %add3A_177 = arith.constant 2 : i32
      %add3A_178 = arith.addi %mul3A_144, %add3A_177 : i32
      %lt3A = arith.constant 40 : i32
      %lt3A_179 = arith.cmpi slt, %add3A_178, %lt3A : i32
      %convert_element_type3A = arith.extui %lt3A_179 : i1 to i32
      %cond3A = arith.constant 0 : i32
      %cond3A_180 = arith.cmpi ne, %convert_element_type3A, %cond3A : i32
      scf.if %cond3A_180 {
        %add3A_194 = arith.constant 2 : i32
        %add3A_195 = arith.addi %mul3A_144, %add3A_194 : i32
        %dma_start3A_196 = arith.constant 0 : i32
        %dma_start3A_197 = tpu.memref_slice %arg14[%add3A_195, %dma_start3A_196] : memref<40x128xi32, #tpu.memory_space<vmem>> -> memref<1x128xi32, #tpu.memory_space<vmem>>
        %dma_start3A_198 = tpu.memref_squeeze %dma_start3A_197 : memref<1x128xi32, #tpu.memory_space<vmem>> -> memref<128xi32, #tpu.memory_space<vmem>>
        %dma_start3A_199 = arith.constant 0 : i32
        %dma_start3A_200 = arith.constant 0 : i32
        %dma_start3A_201 = tpu.memref_slice %arg4[%dma_start3A_199, %dma_start3A_200] : memref<20000x128xf32, #tpu.memory_space<hbm>> -> memref<20000x128xf32, #tpu.memory_space<hbm>>
        tpu.enqueue_indirect_dma source(%dma_start3A_201 : memref<20000x128xf32, #tpu.memory_space<hbm>>) target(%arg16 : memref<128x128xf32, #tpu.memory_space<vmem>>) offsets(%dma_start3A_198 : memref<128xi32, #tpu.memory_space<vmem>>) semaphore(%arg18 : memref<!tpu.dma_semaphore, #tpu.memory_space<semaphore_mem>>)
      } else {
      }
      %dma_wait3A_181 = arith.constant 0 : i32
      %dma_wait3A_182 = tpu.memref_slice %arg15[%add3A_147, %dma_wait3A_181] : memref<40x128xi32, #tpu.memory_space<vmem>> -> memref<1x128xi32, #tpu.memory_space<vmem>>
      %dma_wait3A_183 = tpu.memref_squeeze %dma_wait3A_182 : memref<1x128xi32, #tpu.memory_space<vmem>> -> memref<128xi32, #tpu.memory_space<vmem>>
      %dma_wait3A_184 = arith.constant 0 : i32
      %dma_wait3A_185 = arith.constant 0 : i32
      %dma_wait3A_186 = tpu.memref_slice %arg13[%dma_wait3A_184, %dma_wait3A_185] : memref<10240x128xf32, #tpu.memory_space<vmem_shared>> -> memref<10240x128xf32, #tpu.memory_space<vmem_shared>>
      tpu.wait_indirect_dma semaphore(%arg21 : memref<!tpu.dma_semaphore, #tpu.memory_space<semaphore_mem>>) src(%arg17 : memref<128x128xf32, #tpu.memory_space<vmem>>) dst(%dma_wait3A_186 : memref<10240x128xf32, #tpu.memory_space<vmem_shared>>)
      %add3A_187 = arith.constant 2 : i32
      %add3A_188 = arith.addi %add3A_147, %add3A_187 : i32
      %lt3A_189 = arith.constant 40 : i32
      %lt3A_190 = arith.cmpi slt, %add3A_188, %lt3A_189 : i32
      %convert_element_type3A_191 = arith.extui %lt3A_190 : i1 to i32
      %cond3A_192 = arith.constant 0 : i32
      %cond3A_193 = arith.cmpi ne, %convert_element_type3A_191, %cond3A_192 : i32
      scf.if %cond3A_193 {
        %add3A_194 = arith.constant 2 : i32
        %add3A_195 = arith.addi %add3A_147, %add3A_194 : i32
        %dma_start3A_196 = arith.constant 0 : i32
        %dma_start3A_197 = tpu.memref_slice %arg14[%add3A_195, %dma_start3A_196] : memref<40x128xi32, #tpu.memory_space<vmem>> -> memref<1x128xi32, #tpu.memory_space<vmem>>
        %dma_start3A_198 = tpu.memref_squeeze %dma_start3A_197 : memref<1x128xi32, #tpu.memory_space<vmem>> -> memref<128xi32, #tpu.memory_space<vmem>>
        %dma_start3A_199 = arith.constant 0 : i32
        %dma_start3A_200 = arith.constant 0 : i32
        %dma_start3A_201 = tpu.memref_slice %arg4[%dma_start3A_199, %dma_start3A_200] : memref<20000x128xf32, #tpu.memory_space<hbm>> -> memref<20000x128xf32, #tpu.memory_space<hbm>>
        tpu.enqueue_indirect_dma source(%dma_start3A_201 : memref<20000x128xf32, #tpu.memory_space<hbm>>) target(%arg17 : memref<128x128xf32, #tpu.memory_space<vmem>>) offsets(%dma_start3A_198 : memref<128xi32, #tpu.memory_space<vmem>>) semaphore(%arg19 : memref<!tpu.dma_semaphore, #tpu.memory_space<semaphore_mem>>)
      } else {
      }
    }
    %scan3A_135 = arith.constant 20 : i32
    %barrier3A_136 = arith.constant 0 : index
    tpu.barrier barrier_id(%barrier3A_136)
    %mul3A_137 = arith.constant 640 : i32
    %mul3A_138 = arith.muli %arg1, %mul3A_137 : i32
    %mul3A_139 = arith.constant 640 : i32
    %mul3A_140 = arith.muli %arg1, %mul3A_139 : i32
    %run_scoped3A_141 = arith.constant 2 : i32
    "tpu.region"() ({
      %run_scoped3A_142 = tpu.sem_alloc : memref<!tpu.dma_semaphore, #tpu.memory_space<semaphore_mem>>
      %dma_start3A_143 = arith.constant 0 : i32
      %dma_start3A_144 = tpu.memref_slice %arg12[%run_scoped3A_141, %arg0, %mul3A_140, %dma_start3A_143] : memref<3x2x10240x128xf32, #tpu.memory_space<hbm>> -> memref<1x1x640x128xf32, #tpu.memory_space<hbm>>
      %dma_start3A_145 = tpu.memref_squeeze %dma_start3A_144 : memref<1x1x640x128xf32, #tpu.memory_space<hbm>> -> memref<640x128xf32, #tpu.memory_space<hbm>>
      %dma_start3A_146 = arith.constant 0 : i32
      %dma_start3A_147 = tpu.memref_slice %arg13[%mul3A_138, %dma_start3A_146] : memref<10240x128xf32, #tpu.memory_space<vmem_shared>> -> memref<640x128xf32, #tpu.memory_space<vmem_shared>>
      tpu.enqueue_dma source(%dma_start3A_147 : memref<640x128xf32, #tpu.memory_space<vmem_shared>>) target(%dma_start3A_145 : memref<640x128xf32, #tpu.memory_space<hbm>>) target_semaphore(%run_scoped3A_142 : memref<!tpu.dma_semaphore, #tpu.memory_space<semaphore_mem>>)
      %dma_wait3A = arith.constant 0 : i32
      %dma_wait3A_148 = tpu.memref_slice %arg12[%run_scoped3A_141, %arg0, %mul3A_140, %dma_wait3A] : memref<3x2x10240x128xf32, #tpu.memory_space<hbm>> -> memref<1x1x640x128xf32, #tpu.memory_space<hbm>>
      %dma_wait3A_149 = tpu.memref_squeeze %dma_wait3A_148 : memref<1x1x640x128xf32, #tpu.memory_space<hbm>> -> memref<640x128xf32, #tpu.memory_space<hbm>>
      %dma_wait3A_150 = arith.constant 0 : i32
      %dma_wait3A_151 = tpu.memref_slice %arg13[%mul3A_138, %dma_wait3A_150] : memref<10240x128xf32, #tpu.memory_space<vmem_shared>> -> memref<640x128xf32, #tpu.memory_space<vmem_shared>>
      tpu.wait_dma2 semaphore(%run_scoped3A_142 : memref<!tpu.dma_semaphore, #tpu.memory_space<semaphore_mem>>) src(%dma_wait3A_151 : memref<640x128xf32, #tpu.memory_space<vmem_shared>>) dst(%dma_wait3A_149 : memref<640x128xf32, #tpu.memory_space<hbm>>)
      tpu.yield
    }) : () -> ()
    return
  }
}

#map = affine_map<(d0, d1) -> (0, 0, 0)>
#map1 = affine_map<(d0, d1) -> (0)>
#map2 = affine_map<(d0, d1) -> (0, 0, 0, 0)>
module attributes {stable_mosaic.version = 14 : i64} {
  func.func @_cnt_body(%arg0: i32, %arg1: i32, %arg2: memref<16x80x128xi32, #tpu.memory_space<hbm>>, %arg3: memref<16x80x128xi32, #tpu.memory_space<hbm>>, %arg4: memref<16x80x128xi32, #tpu.memory_space<hbm>>, %arg5: memref<10240xf32, #tpu.memory_space<hbm>>, %arg6: memref<3x2x16x10240xf32, #tpu.memory_space<hbm>>, %arg7: memref<10240xf32, #tpu.memory_space<vmem>>, %arg8: memref<40x128xi32, #tpu.memory_space<vmem>>) attributes {dimension_semantics = [#tpu.dimension_semantics<core_parallel>, #tpu.dimension_semantics<subcore_parallel>], iteration_bounds = array<i64: 2, 16>, scalar_prefetch = 0 : i64, scratch_operands = 2 : i64, tpu.core_type = #tpu.core_type<sc_vector_subcore>, window_params = [{transform_indices = #map}, {transform_indices = #map}, {transform_indices = #map}, {transform_indices = #map1}, {transform_indices = #map2}]} {
    "tpu.region"() ({
      %run_scoped3A_24 = tpu.sem_alloc : memref<!tpu.dma_semaphore, #tpu.memory_space<semaphore_mem>>
      tpu.enqueue_dma source(%arg5 : memref<10240xf32, #tpu.memory_space<hbm>>) target(%arg7 : memref<10240xf32, #tpu.memory_space<vmem>>) target_semaphore(%run_scoped3A_24 : memref<!tpu.dma_semaphore, #tpu.memory_space<semaphore_mem>>)
      tpu.wait_dma2 semaphore(%run_scoped3A_24 : memref<!tpu.dma_semaphore, #tpu.memory_space<semaphore_mem>>) src(%arg5 : memref<10240xf32, #tpu.memory_space<hbm>>) dst(%arg7 : memref<10240xf32, #tpu.memory_space<vmem>>)
      tpu.yield
    }) : () -> ()
    %mul3A = arith.constant 40 : i32
    %mul3A_0 = arith.muli %arg0, %mul3A : i32
    "tpu.region"() ({
      %run_scoped3A_24 = tpu.sem_alloc : memref<!tpu.dma_semaphore, #tpu.memory_space<semaphore_mem>>
      %dma_start3A = arith.constant 0 : i32
      %dma_start3A_25 = tpu.memref_slice %arg2[%arg1, %mul3A_0, %dma_start3A] : memref<16x80x128xi32, #tpu.memory_space<hbm>> -> memref<1x40x128xi32, #tpu.memory_space<hbm>>
      %dma_start3A_26 = tpu.memref_squeeze %dma_start3A_25 : memref<1x40x128xi32, #tpu.memory_space<hbm>> -> memref<40x128xi32, #tpu.memory_space<hbm>>
      %dma_start3A_27 = arith.constant 0 : i32
      %dma_start3A_28 = tpu.memref_slice %arg2[%arg1, %mul3A_0, %dma_start3A_27] : memref<16x80x128xi32, #tpu.memory_space<hbm>> -> memref<1x40x128xi32, #tpu.memory_space<hbm>>
      %dma_start3A_29 = tpu.memref_squeeze %dma_start3A_28 : memref<1x40x128xi32, #tpu.memory_space<hbm>> -> memref<40x128xi32, #tpu.memory_space<hbm>>
      tpu.enqueue_dma source(%dma_start3A_29 : memref<40x128xi32, #tpu.memory_space<hbm>>) target(%arg8 : memref<40x128xi32, #tpu.memory_space<vmem>>) target_semaphore(%run_scoped3A_24 : memref<!tpu.dma_semaphore, #tpu.memory_space<semaphore_mem>>)
      %dma_wait3A = arith.constant 0 : i32
      %dma_wait3A_30 = tpu.memref_slice %arg2[%arg1, %mul3A_0, %dma_wait3A] : memref<16x80x128xi32, #tpu.memory_space<hbm>> -> memref<1x40x128xi32, #tpu.memory_space<hbm>>
      %dma_wait3A_31 = tpu.memref_squeeze %dma_wait3A_30 : memref<1x40x128xi32, #tpu.memory_space<hbm>> -> memref<40x128xi32, #tpu.memory_space<hbm>>
      %dma_wait3A_32 = arith.constant 0 : i32
      %dma_wait3A_33 = tpu.memref_slice %arg2[%arg1, %mul3A_0, %dma_wait3A_32] : memref<16x80x128xi32, #tpu.memory_space<hbm>> -> memref<1x40x128xi32, #tpu.memory_space<hbm>>
      %dma_wait3A_34 = tpu.memref_squeeze %dma_wait3A_33 : memref<1x40x128xi32, #tpu.memory_space<hbm>> -> memref<40x128xi32, #tpu.memory_space<hbm>>
      tpu.wait_dma2 semaphore(%run_scoped3A_24 : memref<!tpu.dma_semaphore, #tpu.memory_space<semaphore_mem>>) src(%dma_wait3A_34 : memref<40x128xi32, #tpu.memory_space<hbm>>) dst(%arg8 : memref<40x128xi32, #tpu.memory_space<vmem>>)
      tpu.yield
    }) : () -> ()
    %scan3A = arith.constant 0 : i32
    %scan3A_1 = arith.constant 0 : i32
    %scan3A_2 = arith.constant 320 : i32
    %scan3A_3 = arith.addi %scan3A_1, %scan3A_2 : i32
    %scan3A_4 = arith.constant 1 : i32
    scf.for %scan3A_24 = %scan3A_1 to %scan3A_3 step %scan3A_4  : i32 {
      %jit3A = arith.constant 8 : i32
      %div3A = arith.divsi %scan3A_24, %jit3A : i32
      %sign3A = arith.constant 0 : i32
      %sign3A_25 = arith.cmpi sgt, %scan3A_24, %sign3A : i32
      %sign3A_26 = arith.extui %sign3A_25 : i1 to i32
      %sign3A_27 = arith.constant 0 : i32
      %sign3A_28 = arith.cmpi slt, %scan3A_24, %sign3A_27 : i32
      %sign3A_29 = arith.extui %sign3A_28 : i1 to i32
      %sign3A_30 = arith.subi %sign3A_26, %sign3A_29 : i32
      %sign3A_31 = arith.constant 0 : i32
      %sign3A_32 = arith.cmpi sgt, %jit3A, %sign3A_31 : i32
      %sign3A_33 = arith.extui %sign3A_32 : i1 to i32
      %sign3A_34 = arith.constant 0 : i32
      %sign3A_35 = arith.cmpi slt, %jit3A, %sign3A_34 : i32
      %sign3A_36 = arith.extui %sign3A_35 : i1 to i32
      %sign3A_37 = arith.subi %sign3A_33, %sign3A_36 : i32
      %ne3A = arith.cmpi ne, %sign3A_30, %sign3A_37 : i32
      %rem3A = arith.remsi %scan3A_24, %jit3A : i32
      %ne3A_38 = arith.constant 0 : i32
      %ne3A_39 = arith.cmpi ne, %rem3A, %ne3A_38 : i32
      %and3A = arith.andi %ne3A, %ne3A_39 : i1
      %sub3A = arith.constant 1 : i32
      %sub3A_40 = arith.subi %div3A, %sub3A : i32
      %select_n3A = arith.select %and3A, %sub3A_40, %div3A : i32
      %jit3A_41 = arith.constant 8 : i32
      %eq3A = arith.constant 0 : i32
      %eq3A_42 = arith.cmpi eq, %jit3A_41, %eq3A : i32
      %jit3A_43 = arith.constant 1 : i32
      %select_n3A_44 = arith.select %eq3A_42, %jit3A_43, %jit3A_41 : i32
      %rem3A_45 = arith.remsi %scan3A_24, %select_n3A_44 : i32
      %ne3A_46 = arith.constant 0 : i32
      %ne3A_47 = arith.cmpi ne, %rem3A_45, %ne3A_46 : i32
      %lt3A = arith.constant 0 : i32
      %lt3A_48 = arith.cmpi slt, %rem3A_45, %lt3A : i32
      %lt3A_49 = arith.constant 0 : i32
      %lt3A_50 = arith.cmpi slt, %select_n3A_44, %lt3A_49 : i32
      %ne3A_51 = arith.xori %lt3A_48, %lt3A_50 : i1
      %and3A_52 = arith.andi %ne3A_51, %ne3A_47 : i1
      %add3A = arith.addi %rem3A_45, %select_n3A_44 : i32
      %select_n3A_53 = arith.select %and3A_52, %add3A, %rem3A_45 : i32
      %mul3A_54 = arith.constant 16 : i32
      %mul3A_55 = arith.muli %select_n3A_53, %mul3A_54 : i32
      %get3A = arith.index_cast %select_n3A : i32 to index
      %get3A_56 = arith.index_cast %mul3A_55 : i32 to index
      %get3A_57 = tpu.vector_load %arg8[%get3A, %get3A_56] {strides = array<i32>} : memref<40x128xi32, #tpu.memory_space<vmem>>, vector<16xi32>,
      %broadcast_in_dim3A = arith.constant 1.000000e+00 : f32
      %broadcast_in_dim3A_58 = vector.broadcast %broadcast_in_dim3A : f32 to vector<16xf32>
      tpu.vector_store_idx %arg7[%get3A_57], %broadcast_in_dim3A_58 {add = true} : memref<10240xf32, #tpu.memory_space<vmem>>[vector<16xi32>], vector<16xf32>,
    }
    %scan3A_5 = arith.constant 320 : i32
    %run_scoped3A = arith.constant 0 : i32
    "tpu.region"() ({
      %run_scoped3A_24 = tpu.sem_alloc : memref<!tpu.dma_semaphore, #tpu.memory_space<semaphore_mem>>
      %dma_start3A = arith.constant 0 : i32
      %dma_start3A_25 = tpu.memref_slice %arg6[%run_scoped3A, %arg0, %arg1, %dma_start3A] : memref<3x2x16x10240xf32, #tpu.memory_space<hbm>> -> memref<1x1x1x10240xf32, #tpu.memory_space<hbm>>
      %dma_start3A_26 = tpu.memref_squeeze %dma_start3A_25 : memref<1x1x1x10240xf32, #tpu.memory_space<hbm>> -> memref<10240xf32, #tpu.memory_space<hbm>>
      %dma_start3A_27 = arith.constant 0 : i32
      %dma_start3A_28 = tpu.memref_slice %arg6[%run_scoped3A, %arg0, %arg1, %dma_start3A_27] : memref<3x2x16x10240xf32, #tpu.memory_space<hbm>> -> memref<1x1x1x10240xf32, #tpu.memory_space<hbm>>
      %dma_start3A_29 = tpu.memref_squeeze %dma_start3A_28 : memref<1x1x1x10240xf32, #tpu.memory_space<hbm>> -> memref<10240xf32, #tpu.memory_space<hbm>>
      tpu.enqueue_dma source(%arg7 : memref<10240xf32, #tpu.memory_space<vmem>>) target(%dma_start3A_29 : memref<10240xf32, #tpu.memory_space<hbm>>) target_semaphore(%run_scoped3A_24 : memref<!tpu.dma_semaphore, #tpu.memory_space<semaphore_mem>>)
      %dma_wait3A = arith.constant 0 : i32
      %dma_wait3A_30 = tpu.memref_slice %arg6[%run_scoped3A, %arg0, %arg1, %dma_wait3A] : memref<3x2x16x10240xf32, #tpu.memory_space<hbm>> -> memref<1x1x1x10240xf32, #tpu.memory_space<hbm>>
      %dma_wait3A_31 = tpu.memref_squeeze %dma_wait3A_30 : memref<1x1x1x10240xf32, #tpu.memory_space<hbm>> -> memref<10240xf32, #tpu.memory_space<hbm>>
      %dma_wait3A_32 = arith.constant 0 : i32
      %dma_wait3A_33 = tpu.memref_slice %arg6[%run_scoped3A, %arg0, %arg1, %dma_wait3A_32] : memref<3x2x16x10240xf32, #tpu.memory_space<hbm>> -> memref<1x1x1x10240xf32, #tpu.memory_space<hbm>>
      %dma_wait3A_34 = tpu.memref_squeeze %dma_wait3A_33 : memref<1x1x1x10240xf32, #tpu.memory_space<hbm>> -> memref<10240xf32, #tpu.memory_space<hbm>>
      tpu.wait_dma2 semaphore(%run_scoped3A_24 : memref<!tpu.dma_semaphore, #tpu.memory_space<semaphore_mem>>) src(%arg7 : memref<10240xf32, #tpu.memory_space<vmem>>) dst(%dma_wait3A_34 : memref<10240xf32, #tpu.memory_space<hbm>>)
      tpu.yield
    }) : () -> ()
    "tpu.region"() ({
      %run_scoped3A_24 = tpu.sem_alloc : memref<!tpu.dma_semaphore, #tpu.memory_space<semaphore_mem>>
      tpu.enqueue_dma source(%arg5 : memref<10240xf32, #tpu.memory_space<hbm>>) target(%arg7 : memref<10240xf32, #tpu.memory_space<vmem>>) target_semaphore(%run_scoped3A_24 : memref<!tpu.dma_semaphore, #tpu.memory_space<semaphore_mem>>)
      tpu.wait_dma2 semaphore(%run_scoped3A_24 : memref<!tpu.dma_semaphore, #tpu.memory_space<semaphore_mem>>) src(%arg5 : memref<10240xf32, #tpu.memory_space<hbm>>) dst(%arg7 : memref<10240xf32, #tpu.memory_space<vmem>>)
      tpu.yield
    }) : () -> ()
    %mul3A_6 = arith.constant 40 : i32
    %mul3A_7 = arith.muli %arg0, %mul3A_6 : i32
    "tpu.region"() ({
      %run_scoped3A_24 = tpu.sem_alloc : memref<!tpu.dma_semaphore, #tpu.memory_space<semaphore_mem>>
      %dma_start3A = arith.constant 0 : i32
      %dma_start3A_25 = tpu.memref_slice %arg3[%arg1, %mul3A_7, %dma_start3A] : memref<16x80x128xi32, #tpu.memory_space<hbm>> -> memref<1x40x128xi32, #tpu.memory_space<hbm>>
      %dma_start3A_26 = tpu.memref_squeeze %dma_start3A_25 : memref<1x40x128xi32, #tpu.memory_space<hbm>> -> memref<40x128xi32, #tpu.memory_space<hbm>>
      %dma_start3A_27 = arith.constant 0 : i32
      %dma_start3A_28 = tpu.memref_slice %arg3[%arg1, %mul3A_7, %dma_start3A_27] : memref<16x80x128xi32, #tpu.memory_space<hbm>> -> memref<1x40x128xi32, #tpu.memory_space<hbm>>
      %dma_start3A_29 = tpu.memref_squeeze %dma_start3A_28 : memref<1x40x128xi32, #tpu.memory_space<hbm>> -> memref<40x128xi32, #tpu.memory_space<hbm>>
      tpu.enqueue_dma source(%dma_start3A_29 : memref<40x128xi32, #tpu.memory_space<hbm>>) target(%arg8 : memref<40x128xi32, #tpu.memory_space<vmem>>) target_semaphore(%run_scoped3A_24 : memref<!tpu.dma_semaphore, #tpu.memory_space<semaphore_mem>>)
      %dma_wait3A = arith.constant 0 : i32
      %dma_wait3A_30 = tpu.memref_slice %arg3[%arg1, %mul3A_7, %dma_wait3A] : memref<16x80x128xi32, #tpu.memory_space<hbm>> -> memref<1x40x128xi32, #tpu.memory_space<hbm>>
      %dma_wait3A_31 = tpu.memref_squeeze %dma_wait3A_30 : memref<1x40x128xi32, #tpu.memory_space<hbm>> -> memref<40x128xi32, #tpu.memory_space<hbm>>
      %dma_wait3A_32 = arith.constant 0 : i32
      %dma_wait3A_33 = tpu.memref_slice %arg3[%arg1, %mul3A_7, %dma_wait3A_32] : memref<16x80x128xi32, #tpu.memory_space<hbm>> -> memref<1x40x128xi32, #tpu.memory_space<hbm>>
      %dma_wait3A_34 = tpu.memref_squeeze %dma_wait3A_33 : memref<1x40x128xi32, #tpu.memory_space<hbm>> -> memref<40x128xi32, #tpu.memory_space<hbm>>
      tpu.wait_dma2 semaphore(%run_scoped3A_24 : memref<!tpu.dma_semaphore, #tpu.memory_space<semaphore_mem>>) src(%dma_wait3A_34 : memref<40x128xi32, #tpu.memory_space<hbm>>) dst(%arg8 : memref<40x128xi32, #tpu.memory_space<vmem>>)
      tpu.yield
    }) : () -> ()
    %scan3A_8 = arith.constant 0 : i32
    %scan3A_9 = arith.constant 0 : i32
    %scan3A_10 = arith.constant 320 : i32
    %scan3A_11 = arith.addi %scan3A_9, %scan3A_10 : i32
    %scan3A_12 = arith.constant 1 : i32
    scf.for %scan3A_24 = %scan3A_9 to %scan3A_11 step %scan3A_12  : i32 {
      %jit3A = arith.constant 8 : i32
      %div3A = arith.divsi %scan3A_24, %jit3A : i32
      %sign3A = arith.constant 0 : i32
      %sign3A_25 = arith.cmpi sgt, %scan3A_24, %sign3A : i32
      %sign3A_26 = arith.extui %sign3A_25 : i1 to i32
      %sign3A_27 = arith.constant 0 : i32
      %sign3A_28 = arith.cmpi slt, %scan3A_24, %sign3A_27 : i32
      %sign3A_29 = arith.extui %sign3A_28 : i1 to i32
      %sign3A_30 = arith.subi %sign3A_26, %sign3A_29 : i32
      %sign3A_31 = arith.constant 0 : i32
      %sign3A_32 = arith.cmpi sgt, %jit3A, %sign3A_31 : i32
      %sign3A_33 = arith.extui %sign3A_32 : i1 to i32
      %sign3A_34 = arith.constant 0 : i32
      %sign3A_35 = arith.cmpi slt, %jit3A, %sign3A_34 : i32
      %sign3A_36 = arith.extui %sign3A_35 : i1 to i32
      %sign3A_37 = arith.subi %sign3A_33, %sign3A_36 : i32
      %ne3A = arith.cmpi ne, %sign3A_30, %sign3A_37 : i32
      %rem3A = arith.remsi %scan3A_24, %jit3A : i32
      %ne3A_38 = arith.constant 0 : i32
      %ne3A_39 = arith.cmpi ne, %rem3A, %ne3A_38 : i32
      %and3A = arith.andi %ne3A, %ne3A_39 : i1
      %sub3A = arith.constant 1 : i32
      %sub3A_40 = arith.subi %div3A, %sub3A : i32
      %select_n3A = arith.select %and3A, %sub3A_40, %div3A : i32
      %jit3A_41 = arith.constant 8 : i32
      %eq3A = arith.constant 0 : i32
      %eq3A_42 = arith.cmpi eq, %jit3A_41, %eq3A : i32
      %jit3A_43 = arith.constant 1 : i32
      %select_n3A_44 = arith.select %eq3A_42, %jit3A_43, %jit3A_41 : i32
      %rem3A_45 = arith.remsi %scan3A_24, %select_n3A_44 : i32
      %ne3A_46 = arith.constant 0 : i32
      %ne3A_47 = arith.cmpi ne, %rem3A_45, %ne3A_46 : i32
      %lt3A = arith.constant 0 : i32
      %lt3A_48 = arith.cmpi slt, %rem3A_45, %lt3A : i32
      %lt3A_49 = arith.constant 0 : i32
      %lt3A_50 = arith.cmpi slt, %select_n3A_44, %lt3A_49 : i32
      %ne3A_51 = arith.xori %lt3A_48, %lt3A_50 : i1
      %and3A_52 = arith.andi %ne3A_51, %ne3A_47 : i1
      %add3A = arith.addi %rem3A_45, %select_n3A_44 : i32
      %select_n3A_53 = arith.select %and3A_52, %add3A, %rem3A_45 : i32
      %mul3A_54 = arith.constant 16 : i32
      %mul3A_55 = arith.muli %select_n3A_53, %mul3A_54 : i32
      %get3A = arith.index_cast %select_n3A : i32 to index
      %get3A_56 = arith.index_cast %mul3A_55 : i32 to index
      %get3A_57 = tpu.vector_load %arg8[%get3A, %get3A_56] {strides = array<i32>} : memref<40x128xi32, #tpu.memory_space<vmem>>, vector<16xi32>,
      %broadcast_in_dim3A = arith.constant 1.000000e+00 : f32
      %broadcast_in_dim3A_58 = vector.broadcast %broadcast_in_dim3A : f32 to vector<16xf32>
      tpu.vector_store_idx %arg7[%get3A_57], %broadcast_in_dim3A_58 {add = true} : memref<10240xf32, #tpu.memory_space<vmem>>[vector<16xi32>], vector<16xf32>,
    }
    %scan3A_13 = arith.constant 320 : i32
    %run_scoped3A_14 = arith.constant 1 : i32
    "tpu.region"() ({
      %run_scoped3A_24 = tpu.sem_alloc : memref<!tpu.dma_semaphore, #tpu.memory_space<semaphore_mem>>
      %dma_start3A = arith.constant 0 : i32
      %dma_start3A_25 = tpu.memref_slice %arg6[%run_scoped3A_14, %arg0, %arg1, %dma_start3A] : memref<3x2x16x10240xf32, #tpu.memory_space<hbm>> -> memref<1x1x1x10240xf32, #tpu.memory_space<hbm>>
      %dma_start3A_26 = tpu.memref_squeeze %dma_start3A_25 : memref<1x1x1x10240xf32, #tpu.memory_space<hbm>> -> memref<10240xf32, #tpu.memory_space<hbm>>
      %dma_start3A_27 = arith.constant 0 : i32
      %dma_start3A_28 = tpu.memref_slice %arg6[%run_scoped3A_14, %arg0, %arg1, %dma_start3A_27] : memref<3x2x16x10240xf32, #tpu.memory_space<hbm>> -> memref<1x1x1x10240xf32, #tpu.memory_space<hbm>>
      %dma_start3A_29 = tpu.memref_squeeze %dma_start3A_28 : memref<1x1x1x10240xf32, #tpu.memory_space<hbm>> -> memref<10240xf32, #tpu.memory_space<hbm>>
      tpu.enqueue_dma source(%arg7 : memref<10240xf32, #tpu.memory_space<vmem>>) target(%dma_start3A_29 : memref<10240xf32, #tpu.memory_space<hbm>>) target_semaphore(%run_scoped3A_24 : memref<!tpu.dma_semaphore, #tpu.memory_space<semaphore_mem>>)
      %dma_wait3A = arith.constant 0 : i32
      %dma_wait3A_30 = tpu.memref_slice %arg6[%run_scoped3A_14, %arg0, %arg1, %dma_wait3A] : memref<3x2x16x10240xf32, #tpu.memory_space<hbm>> -> memref<1x1x1x10240xf32, #tpu.memory_space<hbm>>
      %dma_wait3A_31 = tpu.memref_squeeze %dma_wait3A_30 : memref<1x1x1x10240xf32, #tpu.memory_space<hbm>> -> memref<10240xf32, #tpu.memory_space<hbm>>
      %dma_wait3A_32 = arith.constant 0 : i32
      %dma_wait3A_33 = tpu.memref_slice %arg6[%run_scoped3A_14, %arg0, %arg1, %dma_wait3A_32] : memref<3x2x16x10240xf32, #tpu.memory_space<hbm>> -> memref<1x1x1x10240xf32, #tpu.memory_space<hbm>>
      %dma_wait3A_34 = tpu.memref_squeeze %dma_wait3A_33 : memref<1x1x1x10240xf32, #tpu.memory_space<hbm>> -> memref<10240xf32, #tpu.memory_space<hbm>>
      tpu.wait_dma2 semaphore(%run_scoped3A_24 : memref<!tpu.dma_semaphore, #tpu.memory_space<semaphore_mem>>) src(%arg7 : memref<10240xf32, #tpu.memory_space<vmem>>) dst(%dma_wait3A_34 : memref<10240xf32, #tpu.memory_space<hbm>>)
      tpu.yield
    }) : () -> ()
    "tpu.region"() ({
      %run_scoped3A_24 = tpu.sem_alloc : memref<!tpu.dma_semaphore, #tpu.memory_space<semaphore_mem>>
      tpu.enqueue_dma source(%arg5 : memref<10240xf32, #tpu.memory_space<hbm>>) target(%arg7 : memref<10240xf32, #tpu.memory_space<vmem>>) target_semaphore(%run_scoped3A_24 : memref<!tpu.dma_semaphore, #tpu.memory_space<semaphore_mem>>)
      tpu.wait_dma2 semaphore(%run_scoped3A_24 : memref<!tpu.dma_semaphore, #tpu.memory_space<semaphore_mem>>) src(%arg5 : memref<10240xf32, #tpu.memory_space<hbm>>) dst(%arg7 : memref<10240xf32, #tpu.memory_space<vmem>>)
      tpu.yield
    }) : () -> ()
    %mul3A_15 = arith.constant 40 : i32
    %mul3A_16 = arith.muli %arg0, %mul3A_15 : i32
    "tpu.region"() ({
      %run_scoped3A_24 = tpu.sem_alloc : memref<!tpu.dma_semaphore, #tpu.memory_space<semaphore_mem>>
      %dma_start3A = arith.constant 0 : i32
      %dma_start3A_25 = tpu.memref_slice %arg4[%arg1, %mul3A_16, %dma_start3A] : memref<16x80x128xi32, #tpu.memory_space<hbm>> -> memref<1x40x128xi32, #tpu.memory_space<hbm>>
      %dma_start3A_26 = tpu.memref_squeeze %dma_start3A_25 : memref<1x40x128xi32, #tpu.memory_space<hbm>> -> memref<40x128xi32, #tpu.memory_space<hbm>>
      %dma_start3A_27 = arith.constant 0 : i32
      %dma_start3A_28 = tpu.memref_slice %arg4[%arg1, %mul3A_16, %dma_start3A_27] : memref<16x80x128xi32, #tpu.memory_space<hbm>> -> memref<1x40x128xi32, #tpu.memory_space<hbm>>
      %dma_start3A_29 = tpu.memref_squeeze %dma_start3A_28 : memref<1x40x128xi32, #tpu.memory_space<hbm>> -> memref<40x128xi32, #tpu.memory_space<hbm>>
      tpu.enqueue_dma source(%dma_start3A_29 : memref<40x128xi32, #tpu.memory_space<hbm>>) target(%arg8 : memref<40x128xi32, #tpu.memory_space<vmem>>) target_semaphore(%run_scoped3A_24 : memref<!tpu.dma_semaphore, #tpu.memory_space<semaphore_mem>>)
      %dma_wait3A = arith.constant 0 : i32
      %dma_wait3A_30 = tpu.memref_slice %arg4[%arg1, %mul3A_16, %dma_wait3A] : memref<16x80x128xi32, #tpu.memory_space<hbm>> -> memref<1x40x128xi32, #tpu.memory_space<hbm>>
      %dma_wait3A_31 = tpu.memref_squeeze %dma_wait3A_30 : memref<1x40x128xi32, #tpu.memory_space<hbm>> -> memref<40x128xi32, #tpu.memory_space<hbm>>
      %dma_wait3A_32 = arith.constant 0 : i32
      %dma_wait3A_33 = tpu.memref_slice %arg4[%arg1, %mul3A_16, %dma_wait3A_32] : memref<16x80x128xi32, #tpu.memory_space<hbm>> -> memref<1x40x128xi32, #tpu.memory_space<hbm>>
      %dma_wait3A_34 = tpu.memref_squeeze %dma_wait3A_33 : memref<1x40x128xi32, #tpu.memory_space<hbm>> -> memref<40x128xi32, #tpu.memory_space<hbm>>
      tpu.wait_dma2 semaphore(%run_scoped3A_24 : memref<!tpu.dma_semaphore, #tpu.memory_space<semaphore_mem>>) src(%dma_wait3A_34 : memref<40x128xi32, #tpu.memory_space<hbm>>) dst(%arg8 : memref<40x128xi32, #tpu.memory_space<vmem>>)
      tpu.yield
    }) : () -> ()
    %scan3A_17 = arith.constant 0 : i32
    %scan3A_18 = arith.constant 0 : i32
    %scan3A_19 = arith.constant 320 : i32
    %scan3A_20 = arith.addi %scan3A_18, %scan3A_19 : i32
    %scan3A_21 = arith.constant 1 : i32
    scf.for %scan3A_24 = %scan3A_18 to %scan3A_20 step %scan3A_21  : i32 {
      %jit3A = arith.constant 8 : i32
      %div3A = arith.divsi %scan3A_24, %jit3A : i32
      %sign3A = arith.constant 0 : i32
      %sign3A_25 = arith.cmpi sgt, %scan3A_24, %sign3A : i32
      %sign3A_26 = arith.extui %sign3A_25 : i1 to i32
      %sign3A_27 = arith.constant 0 : i32
      %sign3A_28 = arith.cmpi slt, %scan3A_24, %sign3A_27 : i32
      %sign3A_29 = arith.extui %sign3A_28 : i1 to i32
      %sign3A_30 = arith.subi %sign3A_26, %sign3A_29 : i32
      %sign3A_31 = arith.constant 0 : i32
      %sign3A_32 = arith.cmpi sgt, %jit3A, %sign3A_31 : i32
      %sign3A_33 = arith.extui %sign3A_32 : i1 to i32
      %sign3A_34 = arith.constant 0 : i32
      %sign3A_35 = arith.cmpi slt, %jit3A, %sign3A_34 : i32
      %sign3A_36 = arith.extui %sign3A_35 : i1 to i32
      %sign3A_37 = arith.subi %sign3A_33, %sign3A_36 : i32
      %ne3A = arith.cmpi ne, %sign3A_30, %sign3A_37 : i32
      %rem3A = arith.remsi %scan3A_24, %jit3A : i32
      %ne3A_38 = arith.constant 0 : i32
      %ne3A_39 = arith.cmpi ne, %rem3A, %ne3A_38 : i32
      %and3A = arith.andi %ne3A, %ne3A_39 : i1
      %sub3A = arith.constant 1 : i32
      %sub3A_40 = arith.subi %div3A, %sub3A : i32
      %select_n3A = arith.select %and3A, %sub3A_40, %div3A : i32
      %jit3A_41 = arith.constant 8 : i32
      %eq3A = arith.constant 0 : i32
      %eq3A_42 = arith.cmpi eq, %jit3A_41, %eq3A : i32
      %jit3A_43 = arith.constant 1 : i32
      %select_n3A_44 = arith.select %eq3A_42, %jit3A_43, %jit3A_41 : i32
      %rem3A_45 = arith.remsi %scan3A_24, %select_n3A_44 : i32
      %ne3A_46 = arith.constant 0 : i32
      %ne3A_47 = arith.cmpi ne, %rem3A_45, %ne3A_46 : i32
      %lt3A = arith.constant 0 : i32
      %lt3A_48 = arith.cmpi slt, %rem3A_45, %lt3A : i32
      %lt3A_49 = arith.constant 0 : i32
      %lt3A_50 = arith.cmpi slt, %select_n3A_44, %lt3A_49 : i32
      %ne3A_51 = arith.xori %lt3A_48, %lt3A_50 : i1
      %and3A_52 = arith.andi %ne3A_51, %ne3A_47 : i1
      %add3A = arith.addi %rem3A_45, %select_n3A_44 : i32
      %select_n3A_53 = arith.select %and3A_52, %add3A, %rem3A_45 : i32
      %mul3A_54 = arith.constant 16 : i32
      %mul3A_55 = arith.muli %select_n3A_53, %mul3A_54 : i32
      %get3A = arith.index_cast %select_n3A : i32 to index
      %get3A_56 = arith.index_cast %mul3A_55 : i32 to index
      %get3A_57 = tpu.vector_load %arg8[%get3A, %get3A_56] {strides = array<i32>} : memref<40x128xi32, #tpu.memory_space<vmem>>, vector<16xi32>,
      %broadcast_in_dim3A = arith.constant 1.000000e+00 : f32
      %broadcast_in_dim3A_58 = vector.broadcast %broadcast_in_dim3A : f32 to vector<16xf32>
      tpu.vector_store_idx %arg7[%get3A_57], %broadcast_in_dim3A_58 {add = true} : memref<10240xf32, #tpu.memory_space<vmem>>[vector<16xi32>], vector<16xf32>,
    }
    %scan3A_22 = arith.constant 320 : i32
    %run_scoped3A_23 = arith.constant 2 : i32
    "tpu.region"() ({
      %run_scoped3A_24 = tpu.sem_alloc : memref<!tpu.dma_semaphore, #tpu.memory_space<semaphore_mem>>
      %dma_start3A = arith.constant 0 : i32
      %dma_start3A_25 = tpu.memref_slice %arg6[%run_scoped3A_23, %arg0, %arg1, %dma_start3A] : memref<3x2x16x10240xf32, #tpu.memory_space<hbm>> -> memref<1x1x1x10240xf32, #tpu.memory_space<hbm>>
      %dma_start3A_26 = tpu.memref_squeeze %dma_start3A_25 : memref<1x1x1x10240xf32, #tpu.memory_space<hbm>> -> memref<10240xf32, #tpu.memory_space<hbm>>
      %dma_start3A_27 = arith.constant 0 : i32
      %dma_start3A_28 = tpu.memref_slice %arg6[%run_scoped3A_23, %arg0, %arg1, %dma_start3A_27] : memref<3x2x16x10240xf32, #tpu.memory_space<hbm>> -> memref<1x1x1x10240xf32, #tpu.memory_space<hbm>>
      %dma_start3A_29 = tpu.memref_squeeze %dma_start3A_28 : memref<1x1x1x10240xf32, #tpu.memory_space<hbm>> -> memref<10240xf32, #tpu.memory_space<hbm>>
      tpu.enqueue_dma source(%arg7 : memref<10240xf32, #tpu.memory_space<vmem>>) target(%dma_start3A_29 : memref<10240xf32, #tpu.memory_space<hbm>>) target_semaphore(%run_scoped3A_24 : memref<!tpu.dma_semaphore, #tpu.memory_space<semaphore_mem>>)
      %dma_wait3A = arith.constant 0 : i32
      %dma_wait3A_30 = tpu.memref_slice %arg6[%run_scoped3A_23, %arg0, %arg1, %dma_wait3A] : memref<3x2x16x10240xf32, #tpu.memory_space<hbm>> -> memref<1x1x1x10240xf32, #tpu.memory_space<hbm>>
      %dma_wait3A_31 = tpu.memref_squeeze %dma_wait3A_30 : memref<1x1x1x10240xf32, #tpu.memory_space<hbm>> -> memref<10240xf32, #tpu.memory_space<hbm>>
      %dma_wait3A_32 = arith.constant 0 : i32
      %dma_wait3A_33 = tpu.memref_slice %arg6[%run_scoped3A_23, %arg0, %arg1, %dma_wait3A_32] : memref<3x2x16x10240xf32, #tpu.memory_space<hbm>> -> memref<1x1x1x10240xf32, #tpu.memory_space<hbm>>
      %dma_wait3A_34 = tpu.memref_squeeze %dma_wait3A_33 : memref<1x1x1x10240xf32, #tpu.memory_space<hbm>> -> memref<10240xf32, #tpu.memory_space<hbm>>
      tpu.wait_dma2 semaphore(%run_scoped3A_24 : memref<!tpu.dma_semaphore, #tpu.memory_space<semaphore_mem>>) src(%arg7 : memref<10240xf32, #tpu.memory_space<vmem>>) dst(%dma_wait3A_34 : memref<10240xf32, #tpu.memory_space<hbm>>)
      tpu.yield
    }) : () -> ()
    return
  }
}

module attributes {stable_mosaic.version = 14 : i64} {
  func.func @_tc_body(%arg0: i32, %arg1: i32, %arg2: memref<1x2x2048x128xf32, #tpu.memory_space<vmem>>, %arg3: memref<1x2x16x2048xf32, #tpu.memory_space<vmem>>, %arg4: memref<1x2048x256xf32, #tpu.memory_space<vmem>>, %arg5: memref<1x256x256xf32, #tpu.memory_space<vmem>>, %arg6: memref<1x256x256xf32, #tpu.memory_space<vmem>>, %arg7: memref<1x1x256xf32, #tpu.memory_space<vmem>>, %arg8: memref<128x256xf32, #tpu.memory_space<vmem>>, %arg9: memref<1x128xf32, #tpu.memory_space<vmem>>, %arg10: memref<1x2048x128xf32, #tpu.memory_space<vmem>>, %arg11: memref<256x128xf32, #tpu.memory_space<vmem>>, %arg12: memref<256x128xf32, #tpu.memory_space<vmem>>, %arg13: memref<1x128xf32, #tpu.memory_space<vmem>>) attributes {dimension_semantics = [#tpu.dimension_semantics<arbitrary>, #tpu.dimension_semantics<arbitrary>], iteration_bounds = array<i64: 3, 5>, scalar_prefetch = 0 : i64, scratch_operands = 3 : i64, tpu.core_type = #tpu.core_type<tc>, window_params = [{transform_indices = @transform_0, window_bounds = array<i64: 1, 2, 2048, 128>}, {transform_indices = @transform_1, window_bounds = array<i64: 1, 2, 16, 2048>}, {transform_indices = @transform_2, window_bounds = array<i64: 1, 2048, 256>}, {transform_indices = @transform_3, window_bounds = array<i64: 1, 256, 256>}, {transform_indices = @transform_4, window_bounds = array<i64: 1, 256, 256>}, {transform_indices = @transform_5, window_bounds = array<i64: 1, 1, 256>}, {pipeline_mode = #tpu.pipeline_mode<synchronous>, transform_indices = @transform_6, window_bounds = array<i64: 128, 256>}, {pipeline_mode = #tpu.pipeline_mode<synchronous>, transform_indices = @transform_7, window_bounds = array<i64: 1, 128>}, {transform_indices = @transform_8, window_bounds = array<i64: 1, 2048, 128>}]} {
    %eq3A = arith.constant 0 : i32
    %eq3A_0 = arith.cmpi eq, %arg1, %eq3A : i32
    %convert_element_type3A = arith.extui %eq3A_0 : i1 to i32
    %cond3A = arith.constant 0 : i32
    %cond3A_1 = arith.cmpi ne, %convert_element_type3A, %cond3A : i32
    scf.if %cond3A_1 {
      %get3A_53 = arith.constant 0 : index
      %get3A_54 = arith.constant 0 : index
      %get3A_55 = vector.load %arg8[%get3A_53, %get3A_54] : memref<128x256xf32, #tpu.memory_space<vmem>>, vector<128x256xf32>
      %get3A_56 = arith.constant 0 : index
      %get3A_57 = arith.constant 0 : index
      %get3A_58 = arith.constant 0 : index
      %get3A_59 = vector.load %arg5[%get3A_56, %get3A_57, %get3A_58] : memref<1x256x256xf32, #tpu.memory_space<vmem>>, vector<1x256x256xf32>
      %get3A_60 = vector.shape_cast %get3A_59 : vector<1x256x256xf32> to vector<256x256xf32>
      %dot_general3A_61 = arith.constant dense<0.000000e+00> : vector<256x128xf32>
      %dot_general3A_62 = tpu.matmul %get3A_60, %get3A_55, %dot_general3A_61 {dimension_numbers = #tpu.dot_dimension_numbers<[0], [1], [1], [0], [0, 1, 1, 0], [], []>, transpose_lhs_hint = false} : vector<256x256xf32>, vector<128x256xf32>, vector<256x128xf32> -> vector<256x128xf32>
      %swap3A_63 = arith.constant 0 : index
      %swap3A_64 = arith.constant 0 : index
      %swap3A_65 = vector.load %arg11[%swap3A_63, %swap3A_64] : memref<256x128xf32, #tpu.memory_space<vmem>>, vector<256x128xf32>
      tpu.vector_store %arg11[%swap3A_63, %swap3A_64], %dot_general3A_62 {strides = array<i32>} : memref<256x128xf32, #tpu.memory_space<vmem>>, vector<256x128xf32>,
      %get3A_66 = arith.constant 0 : index
      %get3A_67 = arith.constant 0 : index
      %get3A_68 = arith.constant 0 : index
      %get3A_69 = vector.load %arg6[%get3A_66, %get3A_67, %get3A_68] : memref<1x256x256xf32, #tpu.memory_space<vmem>>, vector<1x256x256xf32>
      %get3A_70 = vector.shape_cast %get3A_69 : vector<1x256x256xf32> to vector<256x256xf32>
      %dot_general3A_71 = arith.constant dense<0.000000e+00> : vector<256x128xf32>
      %dot_general3A_72 = tpu.matmul %get3A_70, %get3A_55, %dot_general3A_71 {dimension_numbers = #tpu.dot_dimension_numbers<[0], [1], [1], [0], [0, 1, 1, 0], [], []>, transpose_lhs_hint = false} : vector<256x256xf32>, vector<128x256xf32>, vector<256x128xf32> -> vector<256x128xf32>
      %swap3A_73 = arith.constant 0 : index
      %swap3A_74 = arith.constant 0 : index
      %swap3A_75 = vector.load %arg12[%swap3A_73, %swap3A_74] : memref<256x128xf32, #tpu.memory_space<vmem>>, vector<256x128xf32>
      tpu.vector_store %arg12[%swap3A_73, %swap3A_74], %dot_general3A_72 {strides = array<i32>} : memref<256x128xf32, #tpu.memory_space<vmem>>, vector<256x128xf32>,
      %get3A_76 = arith.constant 0 : index
      %get3A_77 = arith.constant 0 : index
      %get3A_78 = arith.constant 0 : index
      %get3A_79 = vector.load %arg7[%get3A_76, %get3A_77, %get3A_78] : memref<1x1x256xf32, #tpu.memory_space<vmem>>, vector<1x1x256xf32>
      %get3A_80 = vector.shape_cast %get3A_79 : vector<1x1x256xf32> to vector<1x256xf32>
      %dot_general3A_81 = arith.constant dense<0.000000e+00> : vector<1x128xf32>
      %dot_general3A_82 = tpu.matmul %get3A_80, %get3A_55, %dot_general3A_81 {dimension_numbers = #tpu.dot_dimension_numbers<[1], [1], [0], [0], [0, 0, 1, 0], [], []>, transpose_lhs_hint = false} : vector<1x256xf32>, vector<128x256xf32>, vector<1x128xf32> -> vector<1x128xf32>
      %get3A_83 = arith.constant 0 : index
      %get3A_84 = arith.constant 0 : index
      %get3A_85 = vector.load %arg9[%get3A_83, %get3A_84] : memref<1x128xf32, #tpu.memory_space<vmem>>, vector<1x128xf32>
      %add3A_86 = arith.addf %dot_general3A_82, %get3A_85 : vector<1x128xf32>
      %swap3A_87 = arith.constant 0 : index
      %swap3A_88 = arith.constant 0 : index
      %swap3A_89 = vector.load %arg13[%swap3A_87, %swap3A_88] : memref<1x128xf32, #tpu.memory_space<vmem>>, vector<1x128xf32>
      tpu.vector_store %arg13[%swap3A_87, %swap3A_88], %add3A_86 {strides = array<i32>} : memref<1x128xf32, #tpu.memory_space<vmem>>, vector<1x128xf32>,
    } else {
    }
    %get3A = arith.constant 0 : index
    %get3A_2 = arith.constant 0 : index
    %get3A_3 = arith.constant 0 : index
    %get3A_4 = arith.constant 0 : index
    %get3A_5 = vector.load %arg2[%get3A, %get3A_2, %get3A_3, %get3A_4] : memref<1x2x2048x128xf32, #tpu.memory_space<vmem>>, vector<1x2x2048x128xf32>
    %get3A_6 = vector.shape_cast %get3A_5 : vector<1x2x2048x128xf32> to vector<2x2048x128xf32>
    %get3A_7 = arith.constant 0 : index
    %get3A_8 = arith.constant 0 : index
    %get3A_9 = arith.constant 0 : index
    %get3A_10 = arith.constant 0 : index
    %get3A_11 = vector.load %arg3[%get3A_7, %get3A_8, %get3A_9, %get3A_10] : memref<1x2x16x2048xf32, #tpu.memory_space<vmem>>, vector<1x2x16x2048xf32>
    %get3A_12 = vector.shape_cast %get3A_11 : vector<1x2x16x2048xf32> to vector<2x16x2048xf32>
    %reduce_sum3A = arith.constant dense<0.000000e+00> : vector<2048xf32>
    %reduce_sum3A_13 = vector.multi_reduction <add>, %get3A_12, %reduce_sum3A [0, 1] : vector<2x16x2048xf32> to vector<2048xf32>
    %broadcast_in_dim3A = vector.shape_cast %reduce_sum3A_13 : vector<2048xf32> to vector<2048x1xf32>
    %max3A = arith.constant 1.000000e+00 : f32
    %max3A_14 = vector.broadcast %max3A : f32 to vector<2048x1xf32>
    %max3A_15 = arith.maximumf %broadcast_in_dim3A, %max3A_14 : vector<2048x1xf32>
    %slice3A = vector.extract_strided_slice %get3A_6 {offsets = [0, 0, 0], sizes = [1, 2048, 128], strides = [1, 1, 1]} : vector<2x2048x128xf32> to vector<1x2048x128xf32>
    %squeeze3A = vector.shape_cast %slice3A : vector<1x2048x128xf32> to vector<2048x128xf32>
    %div3A = vector.broadcast %max3A_15 : vector<2048x1xf32> to vector<2048x128xf32>
    %div3A_16 = arith.divf %squeeze3A, %div3A : vector<2048x128xf32>
    %slice3A_17 = vector.extract_strided_slice %get3A_6 {offsets = [1, 0, 0], sizes = [1, 2048, 128], strides = [1, 1, 1]} : vector<2x2048x128xf32> to vector<1x2048x128xf32>
    %squeeze3A_18 = vector.shape_cast %slice3A_17 : vector<1x2048x128xf32> to vector<2048x128xf32>
    %div3A_19 = vector.broadcast %max3A_15 : vector<2048x1xf32> to vector<2048x128xf32>
    %div3A_20 = arith.divf %squeeze3A_18, %div3A_19 : vector<2048x128xf32>
    %get3A_21 = arith.constant 0 : index
    %get3A_22 = arith.constant 0 : index
    %get3A_23 = vector.load %arg11[%get3A_21, %get3A_22] : memref<256x128xf32, #tpu.memory_space<vmem>>, vector<256x128xf32>
    %slice3A_24 = vector.extract_strided_slice %get3A_23 {offsets = [0, 0], sizes = [128, 128], strides = [1, 1]} : vector<256x128xf32> to vector<128x128xf32>
    %dot_general3A = arith.constant dense<0.000000e+00> : vector<2048x128xf32>
    %dot_general3A_25 = tpu.matmul %div3A_16, %slice3A_24, %dot_general3A {dimension_numbers = #tpu.dot_dimension_numbers<[1], [0], [0], [1], [0, 0, 1, 1], [], []>, transpose_lhs_hint = false} : vector<2048x128xf32>, vector<128x128xf32>, vector<2048x128xf32> -> vector<2048x128xf32>
    %slice3A_26 = vector.extract_strided_slice %get3A_23 {offsets = [128, 0], sizes = [128, 128], strides = [1, 1]} : vector<256x128xf32> to vector<128x128xf32>
    %dot_general3A_27 = arith.constant dense<0.000000e+00> : vector<2048x128xf32>
    %dot_general3A_28 = tpu.matmul %div3A_20, %slice3A_26, %dot_general3A_27 {dimension_numbers = #tpu.dot_dimension_numbers<[1], [0], [0], [1], [0, 0, 1, 1], [], []>, transpose_lhs_hint = false} : vector<2048x128xf32>, vector<128x128xf32>, vector<2048x128xf32> -> vector<2048x128xf32>
    %add3A = arith.addf %dot_general3A_25, %dot_general3A_28 : vector<2048x128xf32>
    %get3A_29 = arith.constant 0 : index
    %get3A_30 = arith.constant 0 : index
    %get3A_31 = arith.constant 0 : index
    %get3A_32 = vector.load %arg4[%get3A_29, %get3A_30, %get3A_31] : memref<1x2048x256xf32, #tpu.memory_space<vmem>>, vector<1x2048x256xf32>
    %get3A_33 = vector.shape_cast %get3A_32 : vector<1x2048x256xf32> to vector<2048x256xf32>
    %get3A_34 = arith.constant 0 : index
    %get3A_35 = arith.constant 0 : index
    %get3A_36 = vector.load %arg12[%get3A_34, %get3A_35] : memref<256x128xf32, #tpu.memory_space<vmem>>, vector<256x128xf32>
    %dot_general3A_37 = arith.constant dense<0.000000e+00> : vector<2048x128xf32>
    %dot_general3A_38 = tpu.matmul %get3A_33, %get3A_36, %dot_general3A_37 {dimension_numbers = #tpu.dot_dimension_numbers<[1], [0], [0], [1], [0, 0, 1, 1], [], []>, transpose_lhs_hint = false} : vector<2048x256xf32>, vector<256x128xf32>, vector<2048x128xf32> -> vector<2048x128xf32>
    %add3A_39 = arith.addf %add3A, %dot_general3A_38 : vector<2048x128xf32>
    %get3A_40 = arith.constant 0 : index
    %get3A_41 = arith.constant 0 : index
    %get3A_42 = vector.load %arg13[%get3A_40, %get3A_41] : memref<1x128xf32, #tpu.memory_space<vmem>>, vector<1x128xf32>
    %add3A_43 = vector.broadcast %get3A_42 : vector<1x128xf32> to vector<2048x128xf32>
    %add3A_44 = arith.addf %add3A_39, %add3A_43 : vector<2048x128xf32>
    %max3A_45 = arith.constant 0.000000e+00 : f32
    %max3A_46 = vector.broadcast %max3A_45 : f32 to vector<2048x128xf32>
    %max3A_47 = arith.maximumf %add3A_44, %max3A_46 : vector<2048x128xf32>
    %swap3A = arith.constant 0 : index
    %swap3A_48 = arith.constant 0 : index
    %swap3A_49 = arith.constant 0 : index
    %swap3A_50 = vector.load %arg10[%swap3A, %swap3A_48, %swap3A_49] : memref<1x2048x128xf32, #tpu.memory_space<vmem>>, vector<1x2048x128xf32>
    %swap3A_51 = vector.shape_cast %swap3A_50 : vector<1x2048x128xf32> to vector<2048x128xf32>
    %swap3A_52 = vector.shape_cast %max3A_47 : vector<2048x128xf32> to vector<1x2048x128xf32>
    tpu.vector_store %arg10[%swap3A, %swap3A_48, %swap3A_49], %swap3A_52 {strides = array<i32>} : memref<1x2048x128xf32, #tpu.memory_space<vmem>>, vector<1x2048x128xf32>,
    return
  }
  func.func @transform_0(%arg0: i32, %arg1: i32) -> (i32, i32, i32, i32) {
    %c0_i32 = arith.constant 0 : i32
    %c0_i32_0 = arith.constant 0 : i32
    %c0_i32_1 = arith.constant 0 : i32
    return %arg0, %c0_i32, %arg1, %c0_i32_0 : i32, i32, i32, i32
  }
  func.func @transform_1(%arg0: i32, %arg1: i32) -> (i32, i32, i32, i32) {
    %c0_i32 = arith.constant 0 : i32
    %c0_i32_0 = arith.constant 0 : i32
    %c0_i32_1 = arith.constant 0 : i32
    return %arg0, %c0_i32, %c0_i32_0, %arg1 : i32, i32, i32, i32
  }
  func.func @transform_2(%arg0: i32, %arg1: i32) -> (i32, i32, i32) {
    %c0_i32 = arith.constant 0 : i32
    %c0_i32_0 = arith.constant 0 : i32
    return %arg0, %arg1, %c0_i32 : i32, i32, i32
  }
  func.func @transform_3(%arg0: i32, %arg1: i32) -> (i32, i32, i32) {
    %c0_i32 = arith.constant 0 : i32
    %c0_i32_0 = arith.constant 0 : i32
    %c0_i32_1 = arith.constant 0 : i32
    return %arg0, %c0_i32, %c0_i32_0 : i32, i32, i32
  }
  func.func @transform_4(%arg0: i32, %arg1: i32) -> (i32, i32, i32) {
    %c0_i32 = arith.constant 0 : i32
    %c0_i32_0 = arith.constant 0 : i32
    %c0_i32_1 = arith.constant 0 : i32
    return %arg0, %c0_i32, %c0_i32_0 : i32, i32, i32
  }
  func.func @transform_5(%arg0: i32, %arg1: i32) -> (i32, i32, i32) {
    %c0_i32 = arith.constant 0 : i32
    %c0_i32_0 = arith.constant 0 : i32
    %c0_i32_1 = arith.constant 0 : i32
    return %arg0, %c0_i32, %c0_i32_0 : i32, i32, i32
  }
  func.func @transform_6(%arg0: i32, %arg1: i32) -> (i32, i32) {
    %c0_i32 = arith.constant 0 : i32
    %c0_i32_0 = arith.constant 0 : i32
    %c0_i32_1 = arith.constant 0 : i32
    return %c0_i32, %c0_i32_0 : i32, i32
  }
  func.func @transform_7(%arg0: i32, %arg1: i32) -> (i32, i32) {
    %c0_i32 = arith.constant 0 : i32
    %c0_i32_0 = arith.constant 0 : i32
    %c0_i32_1 = arith.constant 0 : i32
    return %c0_i32, %c0_i32_0 : i32, i32
  }
  func.func @transform_8(%arg0: i32, %arg1: i32) -> (i32, i32, i32) {
    %c0_i32 = arith.constant 0 : i32
    %c0_i32_0 = arith.constant 0 : i32
    return %arg0, %arg1, %c0_i32 : i32, i32, i32
  }
}

</mosaic_0001>

<sc_bundles>
// kernel: kernel.5.cloned.1.call-start
scs
__scs_entry_jumppad:
0x0: {  	(pc) =	sbr.rel $0x88, $3  }
0x1: {  	(tag) =	ssettag $0x0;
	lr =	simm.s32 $0x1  }
0x2: {  	[smem:$0x3F90] =	sst lr;
	_ =	strace $0xD0000000  }
0x3: {  	_ = 	snop  }
0x4: {  	_ = 	snop  }
0x5: {  	_ = 	snop  }
0x6: {  	_ = 	snop  }
0x7: {  	_ = 	snop  }
__scs_overlays_trampoline_lowered:
0x8: {  	[smem:$0x3F9F] =	sst s0  }
0x9: {  	[smem:$0x3FA0] =	sst s1  }
0xa: {  	[smem:$0x3FA1] =	sst s2  }
0xb: {  	[smem:$0x3FA2] =	sst s3  }
0xc: {  	[smem:$0x3FA3] =	sst s4  }
0xd: {  	[smem:$0x3FA4] =	sst s5  }
0xe: {  	[smem:$0x3FA5] =	sst s6  }
0xf: {  	[smem:$0x3FA6] =	sst s7  }
0x10: {  	[smem:$0x3FA7] =	sst s8  }
0x11: {  	[smem:$0x3FA8] =	sst s9;
	s0 =	simm.s32 @!p0 $0x0  }
0x12: {  	s1 =	sld [smem:$0x3F8E];
	s0 =	simm.s32 @p0 $0x1  }
0x13: {  	[smem:$0x3FA9] =	sst s0;
	s0 =	simm.s32 @!p1 $0x0  }
0x14: {  	s2 =	sld [smem:$0x3F8D];
	s0 =	simm.s32 @p1 $0x1  }
0x15: {  	[smem:$0x3FAA] =	sst s0;
	s0 =	simm.s32 @!p2 $0x0  }
0x16: {  	s3 =	sld [smem:$0x3FDB];
	s0 =	simm.s32 @p2 $0x1  }
0x17: {  	s4 =	simm.s32 $0x1BF5;
	[smem:$0x3FAC] =	sst s0  }
0x18: {  	s0 =	sld [smem:$0x3F8F];
	_ =	swait.ge [sflag:s4], $0x0  }
0x19: {  	s7 =	sld [smem:$0x3F90]  }
0x1a: {  	s8 =	sadd.s32 $0xFFFFE003, lr  }
0x1b: {  	s9 =	sadd.s32 $0xFFFFFEF7, lr;
	s5 =	simm.s32 $0xFFFFFFFF;
	p2 =	slt.u32 s8, $0xFFFFF086  }
0x1c: {  	p1 =	slt.u32 s9, $0xF7A;
	s5 =	simm.s32 @!p2 $0x0  }
0x1d: {  	s5 =	simm.s32 @p1 $0x1;
	p0 =	seq.s32 s7, s2  }
0x1e: {  	s7 =	smul.u32 @!p0 $0xF7A, s2;
	p2 =	seq.s32 @!p0 s5, $0x0  }
0x1f: {  	s9 =	smul.u32 $0xF7A, s1;
	s8 =	simm.s32 @!p0 $0x1BF5;
	p2 =	por !p2, p0  }
0x20: {  	[sflag:s8] =	ssyncset.s32 @!p0 $0xFFFFF086;
	s6 =	sadd.s32 @!p0 s3, s7;
	s7 =	simm.s32 @!p0 $0x108  }
0x21: {  	s3 =	sadd.s32 s3, s9;
	s6 =	sadd.s32 @!p0 $0x88, s6;
	s7 =	simm.s32 @p2 $0x1082  }
0x22: {  	[simem:s7], [sflag:s8] =	dma.local @!p0 [hbm:s6], $0xF7A  }
0x23: {  	s9 =	sor.u32 $0xD0000000, s2;
	s6 =	simm.s32 $0x108;
	_ =	swait.ge @!p0 [sflag:s8], $0x0  }
0x24: {  	s3 =	sadd.s32 $0x88, s3;
	s6 =	simm.s32 @!p1 $0x1082;
	[sflag:s4] =	ssyncset.s32 $0xFFFFF086  }
0x25: {  	[simem:s6], [sflag:s4] =	dma.local [hbm:s3], $0xF7A  }
0x26: {  	[smem:$0x3F90] =	sst s1;
	(tag) =	ssettag s2;
	_ =	strace s9  }
0x27: {  	s1 =	sld [smem:$0x3FA0]  }
0x28: {  	s2 =	sld [smem:$0x3FA1]  }
0x29: {  	s4 =	sld [smem:$0x3FA3]  }
0x2a: {  	p0 =	seq.s32 s5, $0x0;
	s5 =	sld [smem:$0x3FA4]  }
0x2b: {  	s6 =	sld [smem:$0x3FA5]  }
0x2c: {  	s7 =	sld [smem:$0x3FA6]  }
0x2d: {  	s3 =	simm.s32 $0x108;
	s8 =	sld [smem:$0x3FA7]  }
0x2e: {  	s3 =	simm.s32 @!p0 $0x1082;
	s9 =	sld [smem:$0x3FA8]  }
0x2f: {  	lr =	sadd.s32 s0, s3;
	s0 =	sld [smem:$0x3F9F]  }
0x30: {  	s3 =	sld [smem:$0x3FA2]  }
0x31: {  	[smem:$0x3FAB] =	sst s10  }
0x32: {  	s10 =	sld [smem:$0x3FA9];
	_ =	sdelay $0x3  }
0x33: {  	p0 =	seq.s32 s10, $0x1;
	s10 =	sld [smem:$0x3FAB];
	_ =	sdelay $0x3  }
0x34: {  	[smem:$0x3FAB] =	sst s10  }
0x35: {  	s10 =	sld [smem:$0x3FAA];
	_ =	sdelay $0x3  }
0x36: {  	p1 =	seq.s32 s10, $0x1;
	s10 =	sld [smem:$0x3FAB];
	_ =	sdelay $0x3  }
0x37: {  	[smem:$0x3FAB] =	sst s10  }
0x38: {  	s10 =	sld [smem:$0x3FAC]  }
0x39: {  	_ = 	snop;
	(pc) =	sbr.ind lr, $3  }
0x3a: {  	_ = 	snop  }
0x3b: {  	_ = 	snop  }
0x3c: {  	p2 =	seq.s32 s10, $0x1;
	s10 =	sld [smem:$0x3FAB]  }
0x3d: {  	_ =	shalt  }
0x3e: {  	_ =	shalt  }
0x3f: {  	_ =	shalt  }
0x40: {  	_ =	shalt  }
0x41: {  	_ =	shalt  }
0x42: {  	_ =	shalt  }
0x43: {  	_ =	shalt  }
0x44: {  	_ =	shalt  }
0x45: {  	_ =	shalt  }
0x46: {  	_ =	shalt  }
0x47: {  	_ =	shalt  }
0x48: {  	_ =	shalt  }
0x49: {  	_ =	shalt  }
0x4a: {  	_ =	shalt  }
0x4b: {  	_ =	shalt  }
0x4c: {  	_ =	shalt  }
0x4d: {  	_ =	shalt  }
0x4e: {  	_ =	shalt  }
0x4f: {  	_ =	shalt  }
0x50: {  	_ =	shalt  }
0x51: {  	_ =	shalt  }
0x52: {  	_ =	shalt  }
0x53: {  	_ =	shalt  }
0x54: {  	_ =	shalt  }
0x55: {  	_ =	shalt  }
0x56: {  	_ =	shalt  }
0x57: {  	_ =	shalt  }
0x58: {  	_ =	shalt  }
0x59: {  	_ =	shalt  }
0x5a: {  	_ =	shalt  }
0x5b: {  	_ =	shalt  }
0x5c: {  	_ =	shalt  }
0x5d: {  	_ =	shalt  }
0x5e: {  	_ =	shalt  }
0x5f: {  	_ =	shalt  }
0x60: {  	_ =	shalt  }
0x61: {  	_ =	shalt  }
0x62: {  	_ =	shalt  }
0x63: {  	_ =	shalt  }
0x64: {  	_ =	shalt  }
0x65: {  	_ =	shalt  }
0x66: {  	_ =	shalt  }
0x67: {  	_ =	shalt  }
0x68: {  	_ =	shalt  }
0x69: {  	_ =	shalt  }
0x6a: {  	_ =	shalt  }
0x6b: {  	_ =	shalt  }
0x6c: {  	_ =	shalt  }
0x6d: {  	_ =	shalt  }
0x6e: {  	_ =	shalt  }
0x6f: {  	_ =	shalt  }
0x70: {  	_ =	shalt  }
0x71: {  	_ =	shalt  }
0x72: {  	_ =	shalt  }
0x73: {  	_ =	shalt  }
0x74: {  	_ =	shalt  }
0x75: {  	_ =	shalt  }
0x76: {  	_ =	shalt  }
0x77: {  	_ =	shalt  }
0x78: {  	_ =	shalt  }
0x79: {  	_ =	shalt  }
0x7a: {  	_ =	shalt  }
0x7b: {  	_ =	shalt  }
0x7c: {  	_ =	shalt  }
0x7d: {  	_ =	shalt  }
0x7e: {  	_ =	shalt  }
0x7f: {  	_ =	shalt  }
0x80: {  	_ =	shalt  }
0x81: {  	_ =	shalt  }
0x82: {  	_ =	shalt  }
0x83: {  	_ =	shalt  }
0x84: {  	_ =	shalt  }
0x85: {  	_ =	shalt  }
0x86: {  	_ =	shalt  }
0x87: {  	_ =	shalt  }
.Lfunc_end0:
.L_simem_size_0:
called_computation_lowered:
.L_overlay_start_0:
0x88: {  	s2 =	sld [smem:$0x3FD9]  }
0x89: {  	s3 =	sld [smem:$0x3FFE];
	_ =	sdelay $0x1  }
0x8a: {  	s1 =	srdreg.scid  }
0x8b: {  	s0 =	sand.u32 $0x1, s1  }
0x8c: {  	s14 =	sshll.u32 s0, $0xA;
	s2 =	sadd.s32 s3, s2  }
0x8d: {  	s2 =	sadd.s32 s2, s14  }
0x8e: {  	[smem:$0x3FB7] =	sst s2  }
0x8f: {  	_ = 	snop  }
0x90: {  	s2 =	sld [smem:$0x3FD0];
	_ =	sdelay $0x2  }
0x91: {  	s15 =	simm.s32 $0xB;
	s4 =	simm.s32 $0x10  }
0x92: {  	[smem:s4], [sflag:s15] =	dma.local [hbm:s2], $0x1  }
0x93: {  	_ =	swait.eq [sflag:s15], $0x1  }
0x94: {  	[sflag:s15] =	ssyncset.done $0x0  }
0x95: {  	s16 =	sld [smem:$0x11];
	[sflag:s15] =	ssyncadd.s32 $0xFFFFFFFF  }
0x96: {  	s17 =	sld [smem:$0x12];
	(tm) =	ssettm $0x1  }
0x97: {  	s18 =	sld [smem:$0x3FFB];
	_ =	sdelay $0x3  }
0x98: {  	_ =	strace s18  }
0x99: {  	s4 =	sld [smem:$0x3FFC];
	_ =	sdelay $0x3  }
0x9a: {  	_ =	strace s4  }
0x9b: {  	s4 =	sld [smem:$0x3FFD];
	_ =	sdelay $0x3  }
0x9c: {  	_ =	strace s4  }
0x9d: {  	_ =	strace $0x8FFFFFFF  }
0x9e: {  	s19 =	sld [smem:$0x3FDB];
	_ =	sdelay $0x1  }
0x9f: {  	s5 =	simm.s32 $_scs_section_size  }
0xa0: {  	s6 =	simm.s32 $_size__tile_overlayer_lowered;
	s7 =	simm.s32 $_tile_overlayer_lowered  }
0xa1: {  	s22 =	simm.s32 $0x1BFF;
	s21 =	sshll.u32 s7, $0x1;
	s4 =	sadd.s32 s5, s19  }
0xa2: {  	s8 =	simm.s32 $0x0;
	s20 =	sshll.u32 s6, $0x1;
	s6 =	sadd.s32 s21, s4  }
0xa3: {  	[timem:s8], [sflag:s22] =	dma.local [hbm:s6], s20  }
0xa4: {  	_ =	swait.ge [sflag:s22], s20  }
0xa5: {  	s5 =	ssub.s32 $0x0, s20;
	[sflag:s22] =	ssyncset.done $0x0  }
0xa6: {  	[sflag:s22] =	ssyncadd.s32 s5;
	_ =	sdelay $0x1  }
0xa7: {  	s23 =	simm.s32 $0x1B8B  }
0xa8: {  	_ =	swait.ge [sflag:s23], $0x1  }
0xa9: {  	[sflag:s23] =	ssyncset.done $0x0  }
0xaa: {  	s25 =	simm.s32 $0x1B8E;
	s24 =	sld [smem:$0x3FFE];
	[sflag:s23] =	ssyncadd.s32 $0xFFFFFFFF  }
0xab: {  	s26 =	simm.s32 $execute0_lowered;
	[smem:$0x3FD2] =	sst s25  }
0xac: {  	s6 =	sshll.u32 s26, $0x1;
	_ =	strace $0x80000046;
	[dreg:$0x1] =	wrdreg $0xFFFFFFFF  }
0xad: {  	s28 =	simm.s32 $_size_execute0_lowered;
	s4 =	sadd.s32 s4, s6;
	[dreg:$0x0] =	wrdreg $0x0  }
0xae: {  	s6 =	sshll.u32 s28, $0x1;
	[dreg:$0x2] =	wrdreg s4  }
0xaf: {  	[dreg:$0x3] =	wrdreg s6  }
0xb0: {  	[dreg:$0x4] =	wrdreg $0xC0  }
0xb1: {  	_ =	task [dreg:s8], $0x5FFFF  }
0xb2: {  	[dreg:$0x1] =	wrdreg $0xFFFFFFFF  }
0xb3: {  	[dreg:$0x0] =	wrdreg $0x60  }
0xb4: {  	[dreg:$0x2] =	wrdreg s24  }
0xb5: {  	[dreg:$0x3] =	wrdreg s16  }
0xb6: {  	[dreg:$0x4] =	wrdreg s17  }
0xb7: {  	[dreg:$0x5] =	wrdreg $0x0  }
0xb8: {  	[dreg:$0x6] =	wrdreg $0x9  }
0xb9: {  	_ =	task.clear_ibuf [dreg:s8], $0x7FFFF;
	_ =	strace $0x90000046  }
0xba: {  	s29 =	simm.s32 $0x9;
	_ =	strace $0x80000048  }
0xbb: {  	_ =	swait.ge [sflag:s29], $0x1  }
0xbc: {  	[sflag:s29] =	ssyncadd.s32 $0xFFFFFFFF  }
0xbd: {  	_ =	strace $0x90000048  }
0xbe: {  	_ =	sfence  }
0xbf: {  	s30 =	sld [smem:$0x0];
	_ =	sdelay $0x2  }
0xc0: {  	s31 =	sshll.u32 s1, $0xD;
	s1 =	sshrl.u32 s1, $0x2  }
0xc1: {  	s3 =	sand.u32 $0x4000, s31;
	s1 =	sadd.s32 s1, s30  }
0xc2: {  	s0 =	sor.u32 s3, s0;
	s1 =	sshll.u32 s1, $0x11  }
0xc3: {  	s0 =	sor.u32 s1, s0  }
0xc4: {  	s0 =	sadd.s32 $0x8F2B, s0  }
0xc5: {  	[sflag:s0] =	ssyncadd.remote.s32 $0x1  }
0xc6: {  	_ =	sfence.sel $0xFFFF  }
0xc7: {  	[dreg:$0x0] =	wrdreg $0xFFFFFFFF;
	(pc) =	sbr.abs _section_cstart, $3  }
0xc8: {  	[dreg:$0x1] =	wrdreg $0xFFFFFFFF  }
0xc9: {  	_ =	task.clear_ibuf [dreg:s8], $0x2FFFF;
	_ =	strace $0x9FFFFFFF  }
0xca: {  	(tm) =	ssettm $0x7FFFFFFF  }
0xcb: {  	_ =	shalt  }
tec
execute0_lowered:
.L_overlay_start_1:
0x0: {  	(tag) =	ssettag $0x1  }
0x1: {  	s0 =	rddreg [dreg:$0x0]  }
0x2: {  	s2 =	rddreg [dreg:$0x1]  }
0x3: {  	s3 =	rddreg [dreg:$0x2]  }
0x4: {  	s1 =	rddreg [dreg:$0x3];
	s4 =	simm.s32 $0x0;
	s6 =	srdreg.scid  }
0x5: {  	s18 =	stileid.u32;
	s28 =	simm.s32 $0x14000;
	s29 =	simm.s32 $0x15400  }
0x6: {  	s30 =	simm.s32 $0x80;
	s31 =	simm.s32 $0x16800;
	[smem:$0x7FF] =	sst s4  }
0x7: {  	s4 =	sadd.s32 $0x1BC00, s0;
	s5 =	sadd.s32 $0x69E00, s0;
	s7 =	sand.u32 $0x1, s6  }
0x8: {  	s6 =	sadd.s32 $0xB8000, s0;
	s10 =	sadd.s32 $0xCC00, s0;
	s9 =	smul.u32 $0x14000, s18  }
0x9: {  	s11 =	sadd.s32 $0x11C00, s0;
	s12 =	sadd.s32 $0x2C00, s0;
	s14 =	smul.u32 $0x50000, s18  }
0xa: {  	s13 =	sadd.s32 $0x16C00, s0;
	s17 =	smul.u32 $0x2800, s18;
	s26 =	sshll.u32 s18, $0x6  }
0xb: {  	_ =	strace $0x80000047;
	s8 =	smul.u32 $0x140000, s7;
	s24 =	ssub.s32 $0x2, s7  }
0xc: {  	s15 =	smul.u32 $0x28000, s7;
	s7 =	sadd.s32 $0x106200, s0;
	s16 =	sshrl.u32 s24, $0x1  }
0xd: {  	s25 =	sshrl.u32 s14, $0x2;
	s18 =	sshrl.u32 s17, $0x3;
	s14 =	simm.s32 $0x0  }
0xe: {  	s8 =	sadd.s32 s9, s8;
	s15 =	sadd.s32 s17, s15;
	s9 =	sadd.s32 s25, s1  }
0xf: {  	s17 =	sadd.s32 s10, s18;
	s22 =	sadd.s32 $0x280, s18;
	s19 =	sadd.s32 s11, s18  }
0x10: {  	s8 =	sshrl.u32 s8, $0x3;
	[dreg:$0x5] =	wrdreg s9;
	s9 =	sor.u32 $0x1C05, s26  }
0x11: {  	[dreg:$0x7] =	wrdreg s17;
	s10 =	sadd.s32 s10, s22;
	s20 =	sadd.s32 s11, s22  }
0x12: {  	s0 =	sadd.s32 s8, s0;
	s8 =	ssub.s32 s24, s16;
	s16 =	sshrl.u32 s15, $0x3  }
0x13: {  	s22 =	sadd.s32 s13, s22;
	[dreg:$0x9] =	wrdreg s10;
	s15 =	sadd.s32 s2, s16  }
0x14: {  	s11 =	simm.s32 $0x4;
	s23 =	sadd.s32 $0x108A00, s0;
	[dreg:$0x6] =	wrdreg s15  }
0x15: {  	s10 =	simm.s32 $0x3;
	s24 =	sadd.s32 s3, s16;
	[dreg:$0xa] =	wrdreg s23  }
0x16: {  	s21 =	sadd.s32 $0x280, s16;
	s25 =	sadd.s32 s12, s16;
	[dreg:$0xb] =	wrdreg s24  }
0x17: {  	s2 =	sadd.s32 s2, s21;
	s3 =	sadd.s32 s3, s21;
	[dreg:$0xd] =	wrdreg s25  }
0x18: {  	s26 =	sadd.s32 s12, s21;
	s21 =	sadd.s32 s13, s18;
	s23 =	sadd.s32 $0x158A00, s0  }
0x19: {  	s24 =	sadd.s32 $0x1A8A00, s0;
	s25 =	smax.u32 s8, $0x1;
	[dreg:$0x8] =	wrdreg s2  }
0x1a: {  	s0 =	simm.s32 $0x14080;
	s8 =	simm.s32 $0x2;
	[dreg:$0xc] =	wrdreg s3  }
0x1b: {  	s12 =	simm.s32 $0x16700;
	s13 =	simm.s32 $0x16780;
	[dreg:$0xe] =	wrdreg s26  }
0x1c: {  	s26 =	simm.s32 $0x5;
	s3 =	simm.s32 $0x1A800;
	s2 =	simm.s32 $0x1  }
.LBB2_1:
0x1d: {  	s15 =	rddreg [dreg:$0x5]  }
0x1e: {  	s15 =	sshrl.u32 s15, $0x3  }
0x1f: {  	[spmem:s15], [sflag:s9] =	dma.local [hbm:s7], $0x2800  }
0x20: {  	_ =	swait.ge [sflag:s26], $0x2800  }
0x21: {  	[sflag:s26] =	ssyncset.done $0x0  }
0x22: {  	[sflag:s26] =	ssyncadd.s32 $0xFFFFD800  }
0x23: {  	[bflag:$0x0] =	sbarrier.arrive $0xFFFF  }
0x24: {  	s16 =	simm.s32 $0x0;
	s17 =	rddreg [dreg:$0x6]  }
0x25: {  	[tilespmem:s28], [sflag:$0x5] =	stream.linear.gather [hbm4b:s17+s16], $0x1400, $0x38;
	[tilespmem:$0x1E800] =	vst v63  }
0x26: {  	_ =	swait.ge [sflag:s26], $0x1400  }
0x27: {  	[sflag:s26] =	ssyncset.done $0x0  }
0x28: {  	s18 =	rddreg [dreg:$0x7];
	[sflag:s26] =	ssyncadd.s32 $0xFFFFEC00  }
0x29: {  	[tilespmem:s29], [sflag:$0x5] =	stream.linear.gather [hbm4b:s18+s16], $0x1400, $0x38;
	[tilespmem:$0x1E800] =	vst v63  }
0x2a: {  	_ =	swait.ge [sflag:s26], $0x1400  }
0x2b: {  	[sflag:s26] =	ssyncset.done $0x0  }
0x2c: {  	[sflag:s26] =	ssyncadd.s32 $0xFFFFEC00  }
0x2d: {  	[tilespmem:s31], [sflag:$0x1] =	stream.indirect.gather [hbm4b:s4+s30], $0x80, s28, s30, $0xb8;
	[tilespmem:$0x1E800] =	vst v63  }
0x2e: {  	_ = 	snop  }
0x2f: {  	[tilespmem:s3], [sflag:$0x2] =	stream.indirect.gather [hbm4b:s4+s30], $0x80, s0, s30, $0xb8;
	[tilespmem:$0x1E800] =	vst v63  }
0x30: {  	_ =	swait.ge [sflag:s2], $0x4000  }
0x31: {  	[sflag:s2] =	ssyncset.done $0x0  }
0x32: {  	s18 =	simm.s32 $0x15400;
	[sflag:s2] =	ssyncadd.s32 $0xFFFFC000  }
0x33: {  	[spmem:s1] =	stream.indirect.scatter.add.f32 [tilespmem:s31], [sflag:$0x3], $0x80, s18, s30, $0xb8;
	[tilespmem:$0x1E800] =	vst v63  }
0x34: {  	_ =	swait.ge [sflag:s8], $0x4000  }
0x35: {  	[sflag:s8] =	ssyncset.done $0x0  }
0x36: {  	s17 =	simm.s32 $0x15480;
	[sflag:s8] =	ssyncadd.s32 $0xFFFFC000  }
0x37: {  	[spmem:s1] =	stream.indirect.scatter.add.f32 [tilespmem:s3], [sflag:$0x4], $0x80, s17, s30, $0xb8;
	[tilespmem:$0x1E800] =	vst v63  }
0x38: {  	_ =	swait.ge [sflag:s10], $0x4000  }
0x39: {  	[sflag:s10] =	ssyncset.done $0x0  }
0x3a: {  	s18 =	simm.s32 $0x14100;
	[sflag:s10] =	ssyncadd.s32 $0xFFFFC000  }
0x3b: {  	[tilespmem:s31], [sflag:$0x1] =	stream.indirect.gather [hbm4b:s4+s30], $0x80, s18, s30, $0xb8;
	[tilespmem:$0x1E800] =	vst v63  }
0x3c: {  	_ =	swait.ge [sflag:s11], $0x4000  }
0x3d: {  	[sflag:s11] =	ssyncset.done $0x0  }
0x3e: {  	s16 =	simm.s32 $0x400;
	s17 =	simm.s32 $0x14180;
	[sflag:s11] =	ssyncadd.s32 $0xFFFFC000  }
.LBB2_2:
0x3f: {  	[tilespmem:s3], [sflag:$0x2] =	stream.indirect.gather [hbm4b:s4+s30], $0x80, s17, s30, $0xb8;
	[tilespmem:$0x1E800] =	vst v63  }
0x40: {  	s17 =	smov.u32 s16  }
0x41: {  	p0 =	sne.s32 s16, $0x4800;
	s16 =	sadd.s32 $0x400, s16;
	_ =	swait.ge [sflag:s2], $0x4000  }
0x42: {  	s17 =	sshra.s32 s17, $0x2;
	[sflag:s2] =	ssyncset.done $0x0  }
0x43: {  	s18 =	sadd.s32 $0x15400, s17;
	[sflag:s2] =	ssyncadd.s32 $0xFFFFC000  }
0x44: {  	[spmem:s1] =	stream.indirect.scatter.add.f32 [tilespmem:s31], [sflag:$0x3], $0x80, s18, s30, $0xb8;
	[tilespmem:$0x1E800] =	vst v63  }
0x45: {  	_ =	swait.ge [sflag:s8], $0x4000  }
0x46: {  	[sflag:s8] =	ssyncset.done $0x0  }
0x47: {  	s18 =	sadd.s32 $0x15480, s17;
	[sflag:s8] =	ssyncadd.s32 $0xFFFFC000  }
0x48: {  	[spmem:s1] =	stream.indirect.scatter.add.f32 [tilespmem:s3], [sflag:$0x4], $0x80, s18, s30, $0xb8;
	[tilespmem:$0x1E800] =	vst v63  }
0x49: {  	_ =	swait.ge [sflag:s10], $0x4000  }
0x4a: {  	[sflag:s10] =	ssyncset.done $0x0  }
.Ltmp0:
0x4b: {  	s18 =	sadd.s32 $0x14100, s17;
	[sflag:s10] =	ssyncadd.s32 $0xFFFFC000;
	(pc) =	sbr.rel @p0 .LBB2_2-.Ltmp0, $4  }
0x4c: {  	[tilespmem:s31], [sflag:$0x1] =	stream.indirect.gather [hbm4b:s4+s30], $0x80, s18, s30, $0xb8;
	[tilespmem:$0x1E800] =	vst v63  }
0x4d: {  	_ =	swait.ge [sflag:s11], $0x4000  }
0x4e: {  	[sflag:s11] =	ssyncset.done $0x0  }
0x4f: {  	s17 =	sadd.s32 $0x14180, s17;
	[sflag:s11] =	ssyncadd.s32 $0xFFFFC000  }
0x50: {  	[tilespmem:s3], [sflag:$0x2] =	stream.indirect.gather [hbm4b:s4+s30], $0x80, s17, s30, $0xb8;
	[tilespmem:$0x1E800] =	vst v63  }
0x51: {  	_ =	swait.ge [sflag:s2], $0x4000  }
0x52: {  	[sflag:s2] =	ssyncset.done $0x0  }
0x53: {  	[sflag:s2] =	ssyncadd.s32 $0xFFFFC000  }
0x54: {  	[spmem:s1] =	stream.indirect.scatter.add.f32 [tilespmem:s31], [sflag:$0x3], $0x80, s12, s30, $0xb8;
	[tilespmem:$0x1E800] =	vst v63  }
0x55: {  	_ =	swait.ge [sflag:s8], $0x4000  }
0x56: {  	[sflag:s8] =	ssyncset.done $0x0  }
0x57: {  	[sflag:s8] =	ssyncadd.s32 $0xFFFFC000  }
0x58: {  	[spmem:s1] =	stream.indirect.scatter.add.f32 [tilespmem:s3], [sflag:$0x4], $0x80, s13, s30, $0xb8;
	[tilespmem:$0x1E800] =	vst v63  }
0x59: {  	_ =	swait.ge [sflag:s10], $0x4000  }
0x5a: {  	[sflag:s10] =	ssyncset.done $0x0  }
0x5b: {  	[sflag:s10] =	ssyncadd.s32 $0xFFFFC000  }
0x5c: {  	_ =	swait.ge [sflag:s11], $0x4000  }
0x5d: {  	[sflag:s11] =	ssyncset.done $0x0  }
0x5e: {  	s16 =	simm.s32 $0x0;
	s18 =	rddreg [dreg:$0x8];
	[sflag:s11] =	ssyncadd.s32 $0xFFFFC000  }
0x5f: {  	[tilespmem:s28], [sflag:$0x5] =	stream.linear.gather [hbm4b:s18+s16], $0x1400, $0x38;
	[tilespmem:$0x1E800] =	vst v63  }
0x60: {  	_ =	swait.ge [sflag:s26], $0x1400  }
0x61: {  	[sflag:s26] =	ssyncset.done $0x0  }
0x62: {  	s18 =	rddreg [dreg:$0x9];
	[sflag:s26] =	ssyncadd.s32 $0xFFFFEC00  }
0x63: {  	[tilespmem:s29], [sflag:$0x5] =	stream.linear.gather [hbm4b:s18+s16], $0x1400, $0x38;
	[tilespmem:$0x1E800] =	vst v63  }
0x64: {  	_ =	swait.ge [sflag:s26], $0x1400  }
0x65: {  	[sflag:s26] =	ssyncset.done $0x0  }
0x66: {  	[sflag:s26] =	ssyncadd.s32 $0xFFFFEC00  }
0x67: {  	[tilespmem:s31], [sflag:$0x1] =	stream.indirect.gather [hbm4b:s4+s30], $0x80, s28, s30, $0xb8;
	[tilespmem:$0x1E800] =	vst v63  }
0x68: {  	_ = 	snop  }
0x69: {  	[tilespmem:s3], [sflag:$0x2] =	stream.indirect.gather [hbm4b:s4+s30], $0x80, s0, s30, $0xb8;
	[tilespmem:$0x1E800] =	vst v63  }
0x6a: {  	_ =	swait.ge [sflag:s2], $0x4000  }
0x6b: {  	[sflag:s2] =	ssyncset.done $0x0  }
0x6c: {  	s18 =	simm.s32 $0x15400;
	[sflag:s2] =	ssyncadd.s32 $0xFFFFC000  }
0x6d: {  	[spmem:s1] =	stream.indirect.scatter.add.f32 [tilespmem:s31], [sflag:$0x3], $0x80, s18, s30, $0xb8;
	[tilespmem:$0x1E800] =	vst v63  }
0x6e: {  	_ =	swait.ge [sflag:s8], $0x4000  }
0x6f: {  	[sflag:s8] =	ssyncset.done $0x0  }
0x70: {  	s17 =	simm.s32 $0x15480;
	[sflag:s8] =	ssyncadd.s32 $0xFFFFC000  }
0x71: {  	[spmem:s1] =	stream.indirect.scatter.add.f32 [tilespmem:s3], [sflag:$0x4], $0x80, s17, s30, $0xb8;
	[tilespmem:$0x1E800] =	vst v63  }
0x72: {  	_ =	swait.ge [sflag:s10], $0x4000  }
0x73: {  	[sflag:s10] =	ssyncset.done $0x0  }
0x74: {  	s18 =	simm.s32 $0x14100;
	[sflag:s10] =	ssyncadd.s32 $0xFFFFC000  }
0x75: {  	[tilespmem:s31], [sflag:$0x1] =	stream.indirect.gather [hbm4b:s4+s30], $0x80, s18, s30, $0xb8;
	[tilespmem:$0x1E800] =	vst v63  }
0x76: {  	_ =	swait.ge [sflag:s11], $0x4000  }
0x77: {  	[sflag:s11] =	ssyncset.done $0x0  }
0x78: {  	s16 =	simm.s32 $0x400;
	s17 =	simm.s32 $0x14180;
	[sflag:s11] =	ssyncadd.s32 $0xFFFFC000  }
.LBB2_4:
0x79: {  	[tilespmem:s3], [sflag:$0x2] =	stream.indirect.gather [hbm4b:s4+s30], $0x80, s17, s30, $0xb8;
	[tilespmem:$0x1E800] =	vst v63  }
0x7a: {  	s17 =	smov.u32 s16  }
0x7b: {  	p0 =	sne.s32 s16, $0x4800;
	s16 =	sadd.s32 $0x400, s16;
	_ =	swait.ge [sflag:s2], $0x4000  }
0x7c: {  	s17 =	sshra.s32 s17, $0x2;
	[sflag:s2] =	ssyncset.done $0x0  }
0x7d: {  	s18 =	sadd.s32 $0x15400, s17;
	[sflag:s2] =	ssyncadd.s32 $0xFFFFC000  }
0x7e: {  	[spmem:s1] =	stream.indirect.scatter.add.f32 [tilespmem:s31], [sflag:$0x3], $0x80, s18, s30, $0xb8;
	[tilespmem:$0x1E800] =	vst v63  }
0x7f: {  	_ =	swait.ge [sflag:s8], $0x4000  }
0x80: {  	[sflag:s8] =	ssyncset.done $0x0  }
0x81: {  	s18 =	sadd.s32 $0x15480, s17;
	[sflag:s8] =	ssyncadd.s32 $0xFFFFC000  }
0x82: {  	[spmem:s1] =	stream.indirect.scatter.add.f32 [tilespmem:s3], [sflag:$0x4], $0x80, s18, s30, $0xb8;
	[tilespmem:$0x1E800] =	vst v63  }
0x83: {  	_ =	swait.ge [sflag:s10], $0x4000  }
0x84: {  	[sflag:s10] =	ssyncset.done $0x0  }
.Ltmp1:
0x85: {  	s18 =	sadd.s32 $0x14100, s17;
	[sflag:s10] =	ssyncadd.s32 $0xFFFFC000;
	(pc) =	sbr.rel @p0 .LBB2_4-.Ltmp1, $4  }
0x86: {  	[tilespmem:s31], [sflag:$0x1] =	stream.indirect.gather [hbm4b:s4+s30], $0x80, s18, s30, $0xb8;
	[tilespmem:$0x1E800] =	vst v63  }
0x87: {  	_ =	swait.ge [sflag:s11], $0x4000  }
0x88: {  	[sflag:s11] =	ssyncset.done $0x0  }
0x89: {  	s17 =	sadd.s32 $0x14180, s17;
	[sflag:s11] =	ssyncadd.s32 $0xFFFFC000  }
0x8a: {  	[tilespmem:s3], [sflag:$0x2] =	stream.indirect.gather [hbm4b:s4+s30], $0x80, s17, s30, $0xb8;
	[tilespmem:$0x1E800] =	vst v63  }
0x8b: {  	_ =	swait.ge [sflag:s2], $0x4000  }
0x8c: {  	[sflag:s2] =	ssyncset.done $0x0  }
0x8d: {  	[sflag:s2] =	ssyncadd.s32 $0xFFFFC000  }
0x8e: {  	[spmem:s1] =	stream.indirect.scatter.add.f32 [tilespmem:s31], [sflag:$0x3], $0x80, s12, s30, $0xb8;
	[tilespmem:$0x1E800] =	vst v63  }
0x8f: {  	_ =	swait.ge [sflag:s8], $0x4000  }
0x90: {  	[sflag:s8] =	ssyncset.done $0x0  }
0x91: {  	[sflag:s8] =	ssyncadd.s32 $0xFFFFC000  }
0x92: {  	[spmem:s1] =	stream.indirect.scatter.add.f32 [tilespmem:s3], [sflag:$0x4], $0x80, s13, s30, $0xb8;
	[tilespmem:$0x1E800] =	vst v63  }
0x93: {  	_ =	swait.ge [sflag:s10], $0x4000  }
0x94: {  	[sflag:s10] =	ssyncset.done $0x0  }
0x95: {  	[sflag:s10] =	ssyncadd.s32 $0xFFFFC000  }
0x96: {  	_ =	swait.ge [sflag:s11], $0x4000  }
0x97: {  	[sflag:s11] =	ssyncset.done $0x0  }
0x98: {  	[sflag:s11] =	ssyncadd.s32 $0xFFFFC000  }
0x99: {  	[bflag:$0x0] =	sbarrier.arrive $0xFFFF  }
0x9a: {  	s16 =	rddreg [dreg:$0xa]  }
0x9b: {  	[hbm:s16], [sflag:s9] =	dma.local [spmem:s15], $0x2800  }
0x9c: {  	_ =	swait.ge [sflag:s26], $0x2800  }
0x9d: {  	[sflag:s26] =	ssyncset.done $0x0  }
0x9e: {  	[sflag:s26] =	ssyncadd.s32 $0xFFFFD800  }
0x9f: {  	[spmem:s15], [sflag:s9] =	dma.local [hbm:s7], $0x2800  }
0xa0: {  	_ =	swait.ge [sflag:s26], $0x2800  }
0xa1: {  	[sflag:s26] =	ssyncset.done $0x0  }
0xa2: {  	[sflag:s26] =	ssyncadd.s32 $0xFFFFD800  }
0xa3: {  	[bflag:$0x0] =	sbarrier.arrive $0xFFFF  }
0xa4: {  	s16 =	simm.s32 $0x0;
	s18 =	rddreg [dreg:$0xb]  }
0xa5: {  	[tilespmem:s28], [sflag:$0x5] =	stream.linear.gather [hbm4b:s18+s16], $0x1400, $0x38;
	[tilespmem:$0x1E800] =	vst v63  }
0xa6: {  	_ =	swait.ge [sflag:s26], $0x1400  }
0xa7: {  	[sflag:s26] =	ssyncset.done $0x0  }
0xa8: {  	[sflag:s26] =	ssyncadd.s32 $0xFFFFEC00  }
0xa9: {  	[tilespmem:s29], [sflag:$0x5] =	stream.linear.gather [hbm4b:s19+s16], $0x1400, $0x38;
	[tilespmem:$0x1E800] =	vst v63  }
0xaa: {  	_ =	swait.ge [sflag:s26], $0x1400  }
0xab: {  	[sflag:s26] =	ssyncset.done $0x0  }
0xac: {  	[sflag:s26] =	ssyncadd.s32 $0xFFFFEC00  }
0xad: {  	[tilespmem:s31], [sflag:$0x1] =	stream.indirect.gather [hbm4b:s5+s30], $0x80, s28, s30, $0xb8;
	[tilespmem:$0x1E800] =	vst v63  }
0xae: {  	_ = 	snop  }
0xaf: {  	[tilespmem:s3], [sflag:$0x2] =	stream.indirect.gather [hbm4b:s5+s30], $0x80, s0, s30, $0xb8;
	[tilespmem:$0x1E800] =	vst v63  }
0xb0: {  	_ =	swait.ge [sflag:s2], $0x4000  }
0xb1: {  	[sflag:s2] =	ssyncset.done $0x0  }
0xb2: {  	s18 =	simm.s32 $0x15400;
	[sflag:s2] =	ssyncadd.s32 $0xFFFFC000  }
0xb3: {  	[spmem:s1] =	stream.indirect.scatter.add.f32 [tilespmem:s31], [sflag:$0x3], $0x80, s18, s30, $0xb8;
	[tilespmem:$0x1E800] =	vst v63  }
0xb4: {  	_ =	swait.ge [sflag:s8], $0x4000  }
0xb5: {  	[sflag:s8] =	ssyncset.done $0x0  }
0xb6: {  	s17 =	simm.s32 $0x15480;
	[sflag:s8] =	ssyncadd.s32 $0xFFFFC000  }
0xb7: {  	[spmem:s1] =	stream.indirect.scatter.add.f32 [tilespmem:s3], [sflag:$0x4], $0x80, s17, s30, $0xb8;
	[tilespmem:$0x1E800] =	vst v63  }
0xb8: {  	_ =	swait.ge [sflag:s10], $0x4000  }
0xb9: {  	[sflag:s10] =	ssyncset.done $0x0  }
0xba: {  	s18 =	simm.s32 $0x14100;
	[sflag:s10] =	ssyncadd.s32 $0xFFFFC000  }
0xbb: {  	[tilespmem:s31], [sflag:$0x1] =	stream.indirect.gather [hbm4b:s5+s30], $0x80, s18, s30, $0xb8;
	[tilespmem:$0x1E800] =	vst v63  }
0xbc: {  	_ =	swait.ge [sflag:s11], $0x4000  }
0xbd: {  	[sflag:s11] =	ssyncset.done $0x0  }
0xbe: {  	s16 =	simm.s32 $0x400;
	s17 =	simm.s32 $0x14180;
	[sflag:s11] =	ssyncadd.s32 $0xFFFFC000  }
.LBB2_6:
0xbf: {  	[tilespmem:s3], [sflag:$0x2] =	stream.indirect.gather [hbm4b:s5+s30], $0x80, s17, s30, $0xb8;
	[tilespmem:$0x1E800] =	vst v63  }
0xc0: {  	s17 =	smov.u32 s16  }
0xc1: {  	p0 =	sne.s32 s16, $0x4800;
	s16 =	sadd.s32 $0x400, s16;
	_ =	swait.ge [sflag:s2], $0x4000  }
0xc2: {  	s17 =	sshra.s32 s17, $0x2;
	[sflag:s2] =	ssyncset.done $0x0  }
0xc3: {  	s18 =	sadd.s32 $0x15400, s17;
	[sflag:s2] =	ssyncadd.s32 $0xFFFFC000  }
0xc4: {  	[spmem:s1] =	stream.indirect.scatter.add.f32 [tilespmem:s31], [sflag:$0x3], $0x80, s18, s30, $0xb8;
	[tilespmem:$0x1E800] =	vst v63  }
0xc5: {  	_ =	swait.ge [sflag:s8], $0x4000  }
0xc6: {  	[sflag:s8] =	ssyncset.done $0x0  }
0xc7: {  	s18 =	sadd.s32 $0x15480, s17;
	[sflag:s8] =	ssyncadd.s32 $0xFFFFC000  }
0xc8: {  	[spmem:s1] =	stream.indirect.scatter.add.f32 [tilespmem:s3], [sflag:$0x4], $0x80, s18, s30, $0xb8;
	[tilespmem:$0x1E800] =	vst v63  }
0xc9: {  	_ =	swait.ge [sflag:s10], $0x4000  }
0xca: {  	[sflag:s10] =	ssyncset.done $0x0  }
.Ltmp2:
0xcb: {  	s18 =	sadd.s32 $0x14100, s17;
	[sflag:s10] =	ssyncadd.s32 $0xFFFFC000;
	(pc) =	sbr.rel @p0 .LBB2_6-.Ltmp2, $4  }
0xcc: {  	[tilespmem:s31], [sflag:$0x1] =	stream.indirect.gather [hbm4b:s5+s30], $0x80, s18, s30, $0xb8;
	[tilespmem:$0x1E800] =	vst v63  }
0xcd: {  	_ =	swait.ge [sflag:s11], $0x4000  }
0xce: {  	[sflag:s11] =	ssyncset.done $0x0  }
0xcf: {  	s17 =	sadd.s32 $0x14180, s17;
	[sflag:s11] =	ssyncadd.s32 $0xFFFFC000  }
0xd0: {  	[tilespmem:s3], [sflag:$0x2] =	stream.indirect.gather [hbm4b:s5+s30], $0x80, s17, s30, $0xb8;
	[tilespmem:$0x1E800] =	vst v63  }
0xd1: {  	_ =	swait.ge [sflag:s2], $0x4000  }
0xd2: {  	[sflag:s2] =	ssyncset.done $0x0  }
0xd3: {  	[sflag:s2] =	ssyncadd.s32 $0xFFFFC000  }
0xd4: {  	[spmem:s1] =	stream.indirect.scatter.add.f32 [tilespmem:s31], [sflag:$0x3], $0x80, s12, s30, $0xb8;
	[tilespmem:$0x1E800] =	vst v63  }
0xd5: {  	_ =	swait.ge [sflag:s8], $0x4000  }
0xd6: {  	[sflag:s8] =	ssyncset.done $0x0  }
0xd7: {  	[sflag:s8] =	ssyncadd.s32 $0xFFFFC000  }
0xd8: {  	[spmem:s1] =	stream.indirect.scatter.add.f32 [tilespmem:s3], [sflag:$0x4], $0x80, s13, s30, $0xb8;
	[tilespmem:$0x1E800] =	vst v63  }
0xd9: {  	_ =	swait.ge [sflag:s10], $0x4000  }
0xda: {  	[sflag:s10] =	ssyncset.done $0x0  }
0xdb: {  	[sflag:s10] =	ssyncadd.s32 $0xFFFFC000  }
0xdc: {  	_ =	swait.ge [sflag:s11], $0x4000  }
0xdd: {  	[sflag:s11] =	ssyncset.done $0x0  }
0xde: {  	s16 =	simm.s32 $0x0;
	s18 =	rddreg [dreg:$0xc];
	[sflag:s11] =	ssyncadd.s32 $0xFFFFC000  }
0xdf: {  	[tilespmem:s28], [sflag:$0x5] =	stream.linear.gather [hbm4b:s18+s16], $0x1400, $0x38;
	[tilespmem:$0x1E800] =	vst v63  }
0xe0: {  	_ =	swait.ge [sflag:s26], $0x1400  }
0xe1: {  	[sflag:s26] =	ssyncset.done $0x0  }
0xe2: {  	[sflag:s26] =	ssyncadd.s32 $0xFFFFEC00  }
0xe3: {  	[tilespmem:s29], [sflag:$0x5] =	stream.linear.gather [hbm4b:s20+s16], $0x1400, $0x38;
	[tilespmem:$0x1E800] =	vst v63  }
0xe4: {  	_ =	swait.ge [sflag:s26], $0x1400  }
0xe5: {  	[sflag:s26] =	ssyncset.done $0x0  }
0xe6: {  	[sflag:s26] =	ssyncadd.s32 $0xFFFFEC00  }
0xe7: {  	[tilespmem:s31], [sflag:$0x1] =	stream.indirect.gather [hbm4b:s5+s30], $0x80, s28, s30, $0xb8;
	[tilespmem:$0x1E800] =	vst v63  }
0xe8: {  	_ = 	snop  }
0xe9: {  	[tilespmem:s3], [sflag:$0x2] =	stream.indirect.gather [hbm4b:s5+s30], $0x80, s0, s30, $0xb8;
	[tilespmem:$0x1E800] =	vst v63  }
0xea: {  	_ =	swait.ge [sflag:s2], $0x4000  }
0xeb: {  	[sflag:s2] =	ssyncset.done $0x0  }
0xec: {  	s18 =	simm.s32 $0x15400;
	[sflag:s2] =	ssyncadd.s32 $0xFFFFC000  }
0xed: {  	[spmem:s1] =	stream.indirect.scatter.add.f32 [tilespmem:s31], [sflag:$0x3], $0x80, s18, s30, $0xb8;
	[tilespmem:$0x1E800] =	vst v63  }
0xee: {  	_ =	swait.ge [sflag:s8], $0x4000  }
0xef: {  	[sflag:s8] =	ssyncset.done $0x0  }
0xf0: {  	s17 =	simm.s32 $0x15480;
	[sflag:s8] =	ssyncadd.s32 $0xFFFFC000  }
0xf1: {  	[spmem:s1] =	stream.indirect.scatter.add.f32 [tilespmem:s3], [sflag:$0x4], $0x80, s17, s30, $0xb8;
	[tilespmem:$0x1E800] =	vst v63  }
0xf2: {  	_ =	swait.ge [sflag:s10], $0x4000  }
0xf3: {  	[sflag:s10] =	ssyncset.done $0x0  }
0xf4: {  	s18 =	simm.s32 $0x14100;
	[sflag:s10] =	ssyncadd.s32 $0xFFFFC000  }
0xf5: {  	[tilespmem:s31], [sflag:$0x1] =	stream.indirect.gather [hbm4b:s5+s30], $0x80, s18, s30, $0xb8;
	[tilespmem:$0x1E800] =	vst v63  }
0xf6: {  	_ =	swait.ge [sflag:s11], $0x4000  }
0xf7: {  	[sflag:s11] =	ssyncset.done $0x0  }
0xf8: {  	s16 =	simm.s32 $0x400;
	s17 =	simm.s32 $0x14180;
	[sflag:s11] =	ssyncadd.s32 $0xFFFFC000  }
.LBB2_8:
0xf9: {  	[tilespmem:s3], [sflag:$0x2] =	stream.indirect.gather [hbm4b:s5+s30], $0x80, s17, s30, $0xb8;
	[tilespmem:$0x1E800] =	vst v63  }
0xfa: {  	s17 =	smov.u32 s16  }
0xfb: {  	p0 =	sne.s32 s16, $0x4800;
	s16 =	sadd.s32 $0x400, s16;
	_ =	swait.ge [sflag:s2], $0x4000  }
0xfc: {  	s17 =	sshra.s32 s17, $0x2;
	[sflag:s2] =	ssyncset.done $0x0  }
0xfd: {  	s18 =	sadd.s32 $0x15400, s17;
	[sflag:s2] =	ssyncadd.s32 $0xFFFFC000  }
0xfe: {  	[spmem:s1] =	stream.indirect.scatter.add.f32 [tilespmem:s31], [sflag:$0x3], $0x80, s18, s30, $0xb8;
	[tilespmem:$0x1E800] =	vst v63  }
0xff: {  	_ =	swait.ge [sflag:s8], $0x4000  }
0x100: {  	[sflag:s8] =	ssyncset.done $0x0  }
0x101: {  	s18 =	sadd.s32 $0x15480, s17;
	[sflag:s8] =	ssyncadd.s32 $0xFFFFC000  }
0x102: {  	[spmem:s1] =	stream.indirect.scatter.add.f32 [tilespmem:s3], [sflag:$0x4], $0x80, s18, s30, $0xb8;
	[tilespmem:$0x1E800] =	vst v63  }
0x103: {  	_ =	swait.ge [sflag:s10], $0x4000  }
0x104: {  	[sflag:s10] =	ssyncset.done $0x0  }
.Ltmp3:
0x105: {  	s18 =	sadd.s32 $0x14100, s17;
	[sflag:s10] =	ssyncadd.s32 $0xFFFFC000;
	(pc) =	sbr.rel @p0 .LBB2_8-.Ltmp3, $4  }
0x106: {  	[tilespmem:s31], [sflag:$0x1] =	stream.indirect.gather [hbm4b:s5+s30], $0x80, s18, s30, $0xb8;
	[tilespmem:$0x1E800] =	vst v63  }
0x107: {  	_ =	swait.ge [sflag:s11], $0x4000  }
0x108: {  	[sflag:s11] =	ssyncset.done $0x0  }
0x109: {  	s17 =	sadd.s32 $0x14180, s17;
	[sflag:s11] =	ssyncadd.s32 $0xFFFFC000  }
0x10a: {  	[tilespmem:s3], [sflag:$0x2] =	stream.indirect.gather [hbm4b:s5+s30], $0x80, s17, s30, $0xb8;
	[tilespmem:$0x1E800] =	vst v63  }
0x10b: {  	_ =	swait.ge [sflag:s2], $0x4000  }
0x10c: {  	[sflag:s2] =	ssyncset.done $0x0  }
0x10d: {  	[sflag:s2] =	ssyncadd.s32 $0xFFFFC000  }
0x10e: {  	[spmem:s1] =	stream.indirect.scatter.add.f32 [tilespmem:s31], [sflag:$0x3], $0x80, s12, s30, $0xb8;
	[tilespmem:$0x1E800] =	vst v63  }
0x10f: {  	_ =	swait.ge [sflag:s8], $0x4000  }
0x110: {  	[sflag:s8] =	ssyncset.done $0x0  }
0x111: {  	[sflag:s8] =	ssyncadd.s32 $0xFFFFC000  }
0x112: {  	[spmem:s1] =	stream.indirect.scatter.add.f32 [tilespmem:s3], [sflag:$0x4], $0x80, s13, s30, $0xb8;
	[tilespmem:$0x1E800] =	vst v63  }
0x113: {  	_ =	swait.ge [sflag:s10], $0x4000  }
0x114: {  	[sflag:s10] =	ssyncset.done $0x0  }
0x115: {  	[sflag:s10] =	ssyncadd.s32 $0xFFFFC000  }
0x116: {  	_ =	swait.ge [sflag:s11], $0x4000  }
0x117: {  	[sflag:s11] =	ssyncset.done $0x0  }
0x118: {  	[sflag:s11] =	ssyncadd.s32 $0xFFFFC000  }
0x119: {  	[bflag:$0x0] =	sbarrier.arrive $0xFFFF  }
0x11a: {  	[hbm:s23], [sflag:s9] =	dma.local [spmem:s15], $0x2800  }
0x11b: {  	_ =	swait.ge [sflag:s26], $0x2800  }
0x11c: {  	[sflag:s26] =	ssyncset.done $0x0  }
0x11d: {  	[sflag:s26] =	ssyncadd.s32 $0xFFFFD800  }
0x11e: {  	[spmem:s15], [sflag:s9] =	dma.local [hbm:s7], $0x2800  }
0x11f: {  	_ =	swait.ge [sflag:s26], $0x2800  }
0x120: {  	[sflag:s26] =	ssyncset.done $0x0  }
0x121: {  	[sflag:s26] =	ssyncadd.s32 $0xFFFFD800  }
0x122: {  	[bflag:$0x0] =	sbarrier.arrive $0xFFFF  }
0x123: {  	s16 =	simm.s32 $0x0;
	s18 =	rddreg [dreg:$0xd]  }
0x124: {  	[tilespmem:s28], [sflag:$0x5] =	stream.linear.gather [hbm4b:s18+s16], $0x1400, $0x38;
	[tilespmem:$0x1E800] =	vst v63  }
0x125: {  	_ =	swait.ge [sflag:s26], $0x1400  }
0x126: {  	[sflag:s26] =	ssyncset.done $0x0  }
0x127: {  	[sflag:s26] =	ssyncadd.s32 $0xFFFFEC00  }
0x128: {  	[tilespmem:s29], [sflag:$0x5] =	stream.linear.gather [hbm4b:s21+s16], $0x1400, $0x38;
	[tilespmem:$0x1E800] =	vst v63  }
0x129: {  	_ =	swait.ge [sflag:s26], $0x1400  }
0x12a: {  	[sflag:s26] =	ssyncset.done $0x0  }
0x12b: {  	[sflag:s26] =	ssyncadd.s32 $0xFFFFEC00  }
0x12c: {  	[tilespmem:s31], [sflag:$0x1] =	stream.indirect.gather [hbm4b:s6+s30], $0x80, s28, s30, $0xb8;
	[tilespmem:$0x1E800] =	vst v63  }
0x12d: {  	_ = 	snop  }
0x12e: {  	[tilespmem:s3], [sflag:$0x2] =	stream.indirect.gather [hbm4b:s6+s30], $0x80, s0, s30, $0xb8;
	[tilespmem:$0x1E800] =	vst v63  }
0x12f: {  	_ =	swait.ge [sflag:s2], $0x4000  }
0x130: {  	[sflag:s2] =	ssyncset.done $0x0  }
0x131: {  	s18 =	simm.s32 $0x15400;
	[sflag:s2] =	ssyncadd.s32 $0xFFFFC000  }
0x132: {  	[spmem:s1] =	stream.indirect.scatter.add.f32 [tilespmem:s31], [sflag:$0x3], $0x80, s18, s30, $0xb8;
	[tilespmem:$0x1E800] =	vst v63  }
0x133: {  	_ =	swait.ge [sflag:s8], $0x4000  }
0x134: {  	[sflag:s8] =	ssyncset.done $0x0  }
0x135: {  	s17 =	simm.s32 $0x15480;
	[sflag:s8] =	ssyncadd.s32 $0xFFFFC000  }
0x136: {  	[spmem:s1] =	stream.indirect.scatter.add.f32 [tilespmem:s3], [sflag:$0x4], $0x80, s17, s30, $0xb8;
	[tilespmem:$0x1E800] =	vst v63  }
0x137: {  	_ =	swait.ge [sflag:s10], $0x4000  }
0x138: {  	[sflag:s10] =	ssyncset.done $0x0  }
0x139: {  	s18 =	simm.s32 $0x14100;
	[sflag:s10] =	ssyncadd.s32 $0xFFFFC000  }
0x13a: {  	[tilespmem:s31], [sflag:$0x1] =	stream.indirect.gather [hbm4b:s6+s30], $0x80, s18, s30, $0xb8;
	[tilespmem:$0x1E800] =	vst v63  }
0x13b: {  	_ =	swait.ge [sflag:s11], $0x4000  }
0x13c: {  	[sflag:s11] =	ssyncset.done $0x0  }
0x13d: {  	s16 =	simm.s32 $0x400;
	s17 =	simm.s32 $0x14180;
	[sflag:s11] =	ssyncadd.s32 $0xFFFFC000  }
.LBB2_10:
0x13e: {  	[tilespmem:s3], [sflag:$0x2] =	stream.indirect.gather [hbm4b:s6+s30], $0x80, s17, s30, $0xb8;
	[tilespmem:$0x1E800] =	vst v63  }
0x13f: {  	s17 =	smov.u32 s16  }
0x140: {  	p0 =	sne.s32 s16, $0x4800;
	s16 =	sadd.s32 $0x400, s16;
	_ =	swait.ge [sflag:s2], $0x4000  }
0x141: {  	s17 =	sshra.s32 s17, $0x2;
	[sflag:s2] =	ssyncset.done $0x0  }
0x142: {  	s18 =	sadd.s32 $0x15400, s17;
	[sflag:s2] =	ssyncadd.s32 $0xFFFFC000  }
0x143: {  	[spmem:s1] =	stream.indirect.scatter.add.f32 [tilespmem:s31], [sflag:$0x3], $0x80, s18, s30, $0xb8;
	[tilespmem:$0x1E800] =	vst v63  }
0x144: {  	_ =	swait.ge [sflag:s8], $0x4000  }
0x145: {  	[sflag:s8] =	ssyncset.done $0x0  }
0x146: {  	s18 =	sadd.s32 $0x15480, s17;
	[sflag:s8] =	ssyncadd.s32 $0xFFFFC000  }
0x147: {  	[spmem:s1] =	stream.indirect.scatter.add.f32 [tilespmem:s3], [sflag:$0x4], $0x80, s18, s30, $0xb8;
	[tilespmem:$0x1E800] =	vst v63  }
0x148: {  	_ =	swait.ge [sflag:s10], $0x4000  }
0x149: {  	[sflag:s10] =	ssyncset.done $0x0  }
.Ltmp4:
0x14a: {  	s18 =	sadd.s32 $0x14100, s17;
	[sflag:s10] =	ssyncadd.s32 $0xFFFFC000;
	(pc) =	sbr.rel @p0 .LBB2_10-.Ltmp4, $4  }
0x14b: {  	[tilespmem:s31], [sflag:$0x1] =	stream.indirect.gather [hbm4b:s6+s30], $0x80, s18, s30, $0xb8;
	[tilespmem:$0x1E800] =	vst v63  }
0x14c: {  	_ =	swait.ge [sflag:s11], $0x4000  }
0x14d: {  	[sflag:s11] =	ssyncset.done $0x0  }
0x14e: {  	s17 =	sadd.s32 $0x14180, s17;
	[sflag:s11] =	ssyncadd.s32 $0xFFFFC000  }
0x14f: {  	[tilespmem:s3], [sflag:$0x2] =	stream.indirect.gather [hbm4b:s6+s30], $0x80, s17, s30, $0xb8;
	[tilespmem:$0x1E800] =	vst v63  }
0x150: {  	_ =	swait.ge [sflag:s2], $0x4000  }
0x151: {  	[sflag:s2] =	ssyncset.done $0x0  }
0x152: {  	[sflag:s2] =	ssyncadd.s32 $0xFFFFC000  }
0x153: {  	[spmem:s1] =	stream.indirect.scatter.add.f32 [tilespmem:s31], [sflag:$0x3], $0x80, s12, s30, $0xb8;
	[tilespmem:$0x1E800] =	vst v63  }
0x154: {  	_ =	swait.ge [sflag:s8], $0x4000  }
0x155: {  	[sflag:s8] =	ssyncset.done $0x0  }
0x156: {  	[sflag:s8] =	ssyncadd.s32 $0xFFFFC000  }
0x157: {  	[spmem:s1] =	stream.indirect.scatter.add.f32 [tilespmem:s3], [sflag:$0x4], $0x80, s13, s30, $0xb8;
	[tilespmem:$0x1E800] =	vst v63  }
0x158: {  	_ =	swait.ge [sflag:s10], $0x4000  }
0x159: {  	[sflag:s10] =	ssyncset.done $0x0  }
0x15a: {  	[sflag:s10] =	ssyncadd.s32 $0xFFFFC000  }
0x15b: {  	_ =	swait.ge [sflag:s11], $0x4000  }
0x15c: {  	[sflag:s11] =	ssyncset.done $0x0  }
0x15d: {  	s16 =	simm.s32 $0x0;
	s18 =	rddreg [dreg:$0xe];
	[sflag:s11] =	ssyncadd.s32 $0xFFFFC000  }
0x15e: {  	[tilespmem:s28], [sflag:$0x5] =	stream.linear.gather [hbm4b:s18+s16], $0x1400, $0x38;
	[tilespmem:$0x1E800] =	vst v63  }
0x15f: {  	_ =	swait.ge [sflag:s26], $0x1400  }
0x160: {  	[sflag:s26] =	ssyncset.done $0x0  }
0x161: {  	[sflag:s26] =	ssyncadd.s32 $0xFFFFEC00  }
0x162: {  	[tilespmem:s29], [sflag:$0x5] =	stream.linear.gather [hbm4b:s22+s16], $0x1400, $0x38;
	[tilespmem:$0x1E800] =	vst v63  }
0x163: {  	_ =	swait.ge [sflag:s26], $0x1400  }
0x164: {  	[sflag:s26] =	ssyncset.done $0x0  }
0x165: {  	[sflag:s26] =	ssyncadd.s32 $0xFFFFEC00  }
0x166: {  	[tilespmem:s31], [sflag:$0x1] =	stream.indirect.gather [hbm4b:s6+s30], $0x80, s28, s30, $0xb8;
	[tilespmem:$0x1E800] =	vst v63  }
0x167: {  	_ = 	snop  }
0x168: {  	[tilespmem:s3], [sflag:$0x2] =	stream.indirect.gather [hbm4b:s6+s30], $0x80, s0, s30, $0xb8;
	[tilespmem:$0x1E800] =	vst v63  }
0x169: {  	_ =	swait.ge [sflag:s2], $0x4000  }
0x16a: {  	[sflag:s2] =	ssyncset.done $0x0  }
0x16b: {  	s18 =	simm.s32 $0x15400;
	[sflag:s2] =	ssyncadd.s32 $0xFFFFC000  }
0x16c: {  	[spmem:s1] =	stream.indirect.scatter.add.f32 [tilespmem:s31], [sflag:$0x3], $0x80, s18, s30, $0xb8;
	[tilespmem:$0x1E800] =	vst v63  }
0x16d: {  	_ =	swait.ge [sflag:s8], $0x4000  }
0x16e: {  	[sflag:s8] =	ssyncset.done $0x0  }
0x16f: {  	s17 =	simm.s32 $0x15480;
	[sflag:s8] =	ssyncadd.s32 $0xFFFFC000  }
0x170: {  	[spmem:s1] =	stream.indirect.scatter.add.f32 [tilespmem:s3], [sflag:$0x4], $0x80, s17, s30, $0xb8;
	[tilespmem:$0x1E800] =	vst v63  }
0x171: {  	_ =	swait.ge [sflag:s10], $0x4000  }
0x172: {  	[sflag:s10] =	ssyncset.done $0x0  }
0x173: {  	s18 =	simm.s32 $0x14100;
	[sflag:s10] =	ssyncadd.s32 $0xFFFFC000  }
0x174: {  	[tilespmem:s31], [sflag:$0x1] =	stream.indirect.gather [hbm4b:s6+s30], $0x80, s18, s30, $0xb8;
	[tilespmem:$0x1E800] =	vst v63  }
0x175: {  	_ =	swait.ge [sflag:s11], $0x4000  }
0x176: {  	[sflag:s11] =	ssyncset.done $0x0  }
0x177: {  	s16 =	simm.s32 $0x400;
	s17 =	simm.s32 $0x14180;
	[sflag:s11] =	ssyncadd.s32 $0xFFFFC000  }
.LBB2_12:
0x178: {  	[tilespmem:s3], [sflag:$0x2] =	stream.indirect.gather [hbm4b:s6+s30], $0x80, s17, s30, $0xb8;
	[tilespmem:$0x1E800] =	vst v63  }
0x179: {  	s17 =	smov.u32 s16  }
0x17a: {  	p0 =	sne.s32 s16, $0x4800;
	s16 =	sadd.s32 $0x400, s16;
	_ =	swait.ge [sflag:s2], $0x4000  }
0x17b: {  	s17 =	sshra.s32 s17, $0x2;
	[sflag:s2] =	ssyncset.done $0x0  }
0x17c: {  	s18 =	sadd.s32 $0x15400, s17;
	[sflag:s2] =	ssyncadd.s32 $0xFFFFC000  }
0x17d: {  	[spmem:s1] =	stream.indirect.scatter.add.f32 [tilespmem:s31], [sflag:$0x3], $0x80, s18, s30, $0xb8;
	[tilespmem:$0x1E800] =	vst v63  }
0x17e: {  	_ =	swait.ge [sflag:s8], $0x4000  }
0x17f: {  	[sflag:s8] =	ssyncset.done $0x0  }
0x180: {  	s18 =	sadd.s32 $0x15480, s17;
	[sflag:s8] =	ssyncadd.s32 $0xFFFFC000  }
0x181: {  	[spmem:s1] =	stream.indirect.scatter.add.f32 [tilespmem:s3], [sflag:$0x4], $0x80, s18, s30, $0xb8;
	[tilespmem:$0x1E800] =	vst v63  }
0x182: {  	_ =	swait.ge [sflag:s10], $0x4000  }
0x183: {  	[sflag:s10] =	ssyncset.done $0x0  }
.Ltmp5:
0x184: {  	s18 =	sadd.s32 $0x14100, s17;
	[sflag:s10] =	ssyncadd.s32 $0xFFFFC000;
	(pc) =	sbr.rel @p0 .LBB2_12-.Ltmp5, $4  }
0x185: {  	[tilespmem:s31], [sflag:$0x1] =	stream.indirect.gather [hbm4b:s6+s30], $0x80, s18, s30, $0xb8;
	[tilespmem:$0x1E800] =	vst v63  }
0x186: {  	_ =	swait.ge [sflag:s11], $0x4000  }
0x187: {  	[sflag:s11] =	ssyncset.done $0x0  }
0x188: {  	s17 =	sadd.s32 $0x14180, s17;
	[sflag:s11] =	ssyncadd.s32 $0xFFFFC000  }
0x189: {  	[tilespmem:s3], [sflag:$0x2] =	stream.indirect.gather [hbm4b:s6+s30], $0x80, s17, s30, $0xb8;
	[tilespmem:$0x1E800] =	vst v63  }
0x18a: {  	_ =	swait.ge [sflag:s2], $0x4000  }
0x18b: {  	[sflag:s2] =	ssyncset.done $0x0  }
0x18c: {  	[sflag:s2] =	ssyncadd.s32 $0xFFFFC000  }
0x18d: {  	[spmem:s1] =	stream.indirect.scatter.add.f32 [tilespmem:s31], [sflag:$0x3], $0x80, s12, s30, $0xb8;
	[tilespmem:$0x1E800] =	vst v63  }
0x18e: {  	_ =	swait.ge [sflag:s8], $0x4000  }
0x18f: {  	[sflag:s8] =	ssyncset.done $0x0  }
0x190: {  	[sflag:s8] =	ssyncadd.s32 $0xFFFFC000  }
0x191: {  	[spmem:s1] =	stream.indirect.scatter.add.f32 [tilespmem:s3], [sflag:$0x4], $0x80, s13, s30, $0xb8;
	[tilespmem:$0x1E800] =	vst v63  }
0x192: {  	_ =	swait.ge [sflag:s10], $0x4000  }
0x193: {  	[sflag:s10] =	ssyncset.done $0x0  }
0x194: {  	[sflag:s10] =	ssyncadd.s32 $0xFFFFC000  }
0x195: {  	_ =	swait.ge [sflag:s11], $0x4000  }
0x196: {  	s14 =	sadd.s32 $0x1, s14;
	[sflag:s11] =	ssyncset.done $0x0  }
0x197: {  	p0 =	sne.s32 s14, s25;
	[sflag:s11] =	ssyncadd.s32 $0xFFFFC000  }
.Ltmp6:
0x198: {  	[bflag:$0x0] =	sbarrier.arrive $0xFFFF;
	(pc) =	sbr.rel @p0 .LBB2_1-.Ltmp6, $4  }
0x199: {  	[hbm:s24], [sflag:s9] =	dma.local [spmem:s15], $0x2800  }
0x19a: {  	_ =	swait.ge [sflag:s26], $0x2800  }
0x19b: {  	[sflag:s26] =	ssyncset.done $0x0  }
0x19c: {  	[sflag:s26] =	ssyncadd.s32 $0xFFFFD800  }
0x19d: {  	_ =	sfence.sel $0x180000  }
0x19e: {  	[bflag:$0x0] =	sbarrier.arrive $0xFFFF  }
0x19f: {  	_ =	strace $0x90000047  }
0x1a0: {  	s0 =	stileid.u32;
	[bflag:$0x2] =	sbarrier.arrive $0xFFFF  }
0x1a1: {  	p0 =	sne.s32 s0, $0x0;
	s0 =	rddreg [dreg:$0x4]  }
0x1a2: {  	s0 =	sadd.s32 @!p0 $0x100000, s0  }
0x1a3: {  	[sflag:s0] =	ssyncadd.tile.s32 @!p0 $0x1;
	_ =	shalt  }
.Lfunc_end2:
_tile_overlayer_lowered:
.L_overlay_start_2:
0x1a4: {  	(tag) =	ssettag $0x2  }
0x1a5: {  	s0 =	rddreg [dreg:$0x0];
	s2 =	stileid.u32  }
0x1a6: {  	s1 =	rddreg [dreg:$0x1];
	p0 =	sne.s32 s2, $0x0  }
0x1a7: {  	s3 =	rddreg [dreg:$0x2];
	[bflag:$0x3] =	sbarrier.arrive $0xFFFF;
	s2 =	simm.s32 @!p0 $0x1C05  }
0x1a8: {  	[timem:s3], [sflag:s2] =	dma.local @!p0 [hbm:s0], s1  }
0x1a9: {  	s0 =	simm.s32 @!p0 $0x5  }
0x1aa: {  	_ =	swait.ge @!p0 [sflag:s0], s1  }
0x1ab: {  	s1 =	ssub.s32 @!p0 $0x0, s1;
	[sflag:s0] =	ssyncset.done @!p0 $0x0  }
0x1ac: {  	[sflag:s0] =	ssyncadd.s32 @!p0 s1  }
0x1ad: {  	[bflag:$0x3] =	sbarrier.arrive $0xFFFF  }
0x1ae: {  	_ =	shalt  }

// kernel: kernel.8.cloned.1.call-start
scs
__scs_entry_jumppad:
0x0: {  	(pc) =	sbr.rel $0x88, $3  }
0x1: {  	(tag) =	ssettag $0x0;
	lr =	simm.s32 $0x1  }
0x2: {  	[smem:$0x3F90] =	sst lr;
	_ =	strace $0xD0000000  }
0x3: {  	_ = 	snop  }
0x4: {  	_ = 	snop  }
0x5: {  	_ = 	snop  }
0x6: {  	_ = 	snop  }
0x7: {  	_ = 	snop  }
__scs_overlays_trampoline_lowered:
0x8: {  	[smem:$0x3F9F] =	sst s0  }
0x9: {  	[smem:$0x3FA0] =	sst s1  }
0xa: {  	[smem:$0x3FA1] =	sst s2  }
0xb: {  	[smem:$0x3FA2] =	sst s3  }
0xc: {  	[smem:$0x3FA3] =	sst s4  }
0xd: {  	[smem:$0x3FA4] =	sst s5  }
0xe: {  	[smem:$0x3FA5] =	sst s6  }
0xf: {  	[smem:$0x3FA6] =	sst s7  }
0x10: {  	[smem:$0x3FA7] =	sst s8  }
0x11: {  	[smem:$0x3FA8] =	sst s9;
	s0 =	simm.s32 @!p0 $0x0  }
0x12: {  	s1 =	sld [smem:$0x3F8E];
	s0 =	simm.s32 @p0 $0x1  }
0x13: {  	[smem:$0x3FA9] =	sst s0;
	s0 =	simm.s32 @!p1 $0x0  }
0x14: {  	s2 =	sld [smem:$0x3F8D];
	s0 =	simm.s32 @p1 $0x1  }
0x15: {  	[smem:$0x3FAA] =	sst s0;
	s0 =	simm.s32 @!p2 $0x0  }
0x16: {  	s3 =	sld [smem:$0x3FDB];
	s0 =	simm.s32 @p2 $0x1  }
0x17: {  	s4 =	simm.s32 $0x1BF5;
	[smem:$0x3FAC] =	sst s0  }
0x18: {  	s0 =	sld [smem:$0x3F8F];
	_ =	swait.ge [sflag:s4], $0x0  }
0x19: {  	s7 =	sld [smem:$0x3F90]  }
0x1a: {  	s8 =	sadd.s32 $0xFFFFE003, lr  }
0x1b: {  	s9 =	sadd.s32 $0xFFFFFEF7, lr;
	s5 =	simm.s32 $0xFFFFFFFF;
	p2 =	slt.u32 s8, $0xFFFFF086  }
0x1c: {  	p1 =	slt.u32 s9, $0xF7A;
	s5 =	simm.s32 @!p2 $0x0  }
0x1d: {  	s5 =	simm.s32 @p1 $0x1;
	p0 =	seq.s32 s7, s2  }
0x1e: {  	s7 =	smul.u32 @!p0 $0xF7A, s2;
	p2 =	seq.s32 @!p0 s5, $0x0  }
0x1f: {  	s9 =	smul.u32 $0xF7A, s1;
	s8 =	simm.s32 @!p0 $0x1BF5;
	p2 =	por !p2, p0  }
0x20: {  	[sflag:s8] =	ssyncset.s32 @!p0 $0xFFFFF086;
	s6 =	sadd.s32 @!p0 s3, s7;
	s7 =	simm.s32 @!p0 $0x108  }
0x21: {  	s3 =	sadd.s32 s3, s9;
	s6 =	sadd.s32 @!p0 $0x88, s6;
	s7 =	simm.s32 @p2 $0x1082  }
0x22: {  	[simem:s7], [sflag:s8] =	dma.local @!p0 [hbm:s6], $0xF7A  }
0x23: {  	s9 =	sor.u32 $0xD0000000, s2;
	s6 =	simm.s32 $0x108;
	_ =	swait.ge @!p0 [sflag:s8], $0x0  }
0x24: {  	s3 =	sadd.s32 $0x88, s3;
	s6 =	simm.s32 @!p1 $0x1082;
	[sflag:s4] =	ssyncset.s32 $0xFFFFF086  }
0x25: {  	[simem:s6], [sflag:s4] =	dma.local [hbm:s3], $0xF7A  }
0x26: {  	[smem:$0x3F90] =	sst s1;
	(tag) =	ssettag s2;
	_ =	strace s9  }
0x27: {  	s1 =	sld [smem:$0x3FA0]  }
0x28: {  	s2 =	sld [smem:$0x3FA1]  }
0x29: {  	s4 =	sld [smem:$0x3FA3]  }
0x2a: {  	p0 =	seq.s32 s5, $0x0;
	s5 =	sld [smem:$0x3FA4]  }
0x2b: {  	s6 =	sld [smem:$0x3FA5]  }
0x2c: {  	s7 =	sld [smem:$0x3FA6]  }
0x2d: {  	s3 =	simm.s32 $0x108;
	s8 =	sld [smem:$0x3FA7]  }
0x2e: {  	s3 =	simm.s32 @!p0 $0x1082;
	s9 =	sld [smem:$0x3FA8]  }
0x2f: {  	lr =	sadd.s32 s0, s3;
	s0 =	sld [smem:$0x3F9F]  }
0x30: {  	s3 =	sld [smem:$0x3FA2]  }
0x31: {  	[smem:$0x3FAB] =	sst s10  }
0x32: {  	s10 =	sld [smem:$0x3FA9];
	_ =	sdelay $0x3  }
0x33: {  	p0 =	seq.s32 s10, $0x1;
	s10 =	sld [smem:$0x3FAB];
	_ =	sdelay $0x3  }
0x34: {  	[smem:$0x3FAB] =	sst s10  }
0x35: {  	s10 =	sld [smem:$0x3FAA];
	_ =	sdelay $0x3  }
0x36: {  	p1 =	seq.s32 s10, $0x1;
	s10 =	sld [smem:$0x3FAB];
	_ =	sdelay $0x3  }
0x37: {  	[smem:$0x3FAB] =	sst s10  }
0x38: {  	s10 =	sld [smem:$0x3FAC]  }
0x39: {  	_ = 	snop;
	(pc) =	sbr.ind lr, $3  }
0x3a: {  	_ = 	snop  }
0x3b: {  	_ = 	snop  }
0x3c: {  	p2 =	seq.s32 s10, $0x1;
	s10 =	sld [smem:$0x3FAB]  }
0x3d: {  	_ =	shalt  }
0x3e: {  	_ =	shalt  }
0x3f: {  	_ =	shalt  }
0x40: {  	_ =	shalt  }
0x41: {  	_ =	shalt  }
0x42: {  	_ =	shalt  }
0x43: {  	_ =	shalt  }
0x44: {  	_ =	shalt  }
0x45: {  	_ =	shalt  }
0x46: {  	_ =	shalt  }
0x47: {  	_ =	shalt  }
0x48: {  	_ =	shalt  }
0x49: {  	_ =	shalt  }
0x4a: {  	_ =	shalt  }
0x4b: {  	_ =	shalt  }
0x4c: {  	_ =	shalt  }
0x4d: {  	_ =	shalt  }
0x4e: {  	_ =	shalt  }
0x4f: {  	_ =	shalt  }
0x50: {  	_ =	shalt  }
0x51: {  	_ =	shalt  }
0x52: {  	_ =	shalt  }
0x53: {  	_ =	shalt  }
0x54: {  	_ =	shalt  }
0x55: {  	_ =	shalt  }
0x56: {  	_ =	shalt  }
0x57: {  	_ =	shalt  }
0x58: {  	_ =	shalt  }
0x59: {  	_ =	shalt  }
0x5a: {  	_ =	shalt  }
0x5b: {  	_ =	shalt  }
0x5c: {  	_ =	shalt  }
0x5d: {  	_ =	shalt  }
0x5e: {  	_ =	shalt  }
0x5f: {  	_ =	shalt  }
0x60: {  	_ =	shalt  }
0x61: {  	_ =	shalt  }
0x62: {  	_ =	shalt  }
0x63: {  	_ =	shalt  }
0x64: {  	_ =	shalt  }
0x65: {  	_ =	shalt  }
0x66: {  	_ =	shalt  }
0x67: {  	_ =	shalt  }
0x68: {  	_ =	shalt  }
0x69: {  	_ =	shalt  }
0x6a: {  	_ =	shalt  }
0x6b: {  	_ =	shalt  }
0x6c: {  	_ =	shalt  }
0x6d: {  	_ =	shalt  }
0x6e: {  	_ =	shalt  }
0x6f: {  	_ =	shalt  }
0x70: {  	_ =	shalt  }
0x71: {  	_ =	shalt  }
0x72: {  	_ =	shalt  }
0x73: {  	_ =	shalt  }
0x74: {  	_ =	shalt  }
0x75: {  	_ =	shalt  }
0x76: {  	_ =	shalt  }
0x77: {  	_ =	shalt  }
0x78: {  	_ =	shalt  }
0x79: {  	_ =	shalt  }
0x7a: {  	_ =	shalt  }
0x7b: {  	_ =	shalt  }
0x7c: {  	_ =	shalt  }
0x7d: {  	_ =	shalt  }
0x7e: {  	_ =	shalt  }
0x7f: {  	_ =	shalt  }
0x80: {  	_ =	shalt  }
0x81: {  	_ =	shalt  }
0x82: {  	_ =	shalt  }
0x83: {  	_ =	shalt  }
0x84: {  	_ =	shalt  }
0x85: {  	_ =	shalt  }
0x86: {  	_ =	shalt  }
0x87: {  	_ =	shalt  }
.Lfunc_end0:
.L_simem_size_0:
called_computation.1_lowered:
.L_overlay_start_0:
0x88: {  	s2 =	sld [smem:$0x3FD9]  }
0x89: {  	s3 =	sld [smem:$0x3FFE];
	_ =	sdelay $0x1  }
0x8a: {  	s1 =	srdreg.scid  }
0x8b: {  	s0 =	sand.u32 $0x1, s1  }
0x8c: {  	s15 =	sshll.u32 s0, $0xA;
	s2 =	sadd.s32 s3, s2  }
0x8d: {  	s2 =	sadd.s32 s2, s15  }
0x8e: {  	[smem:$0x3FB7] =	sst s2  }
0x8f: {  	_ = 	snop  }
0x90: {  	s2 =	sld [smem:$0x3FD0];
	_ =	sdelay $0x2  }
0x91: {  	s16 =	simm.s32 $0xB;
	s4 =	simm.s32 $0x10  }
0x92: {  	[smem:s4], [sflag:s16] =	dma.local [hbm:s2], $0x1  }
0x93: {  	_ =	swait.eq [sflag:s16], $0x1  }
0x94: {  	[sflag:s16] =	ssyncset.done $0x0  }
0x95: {  	[sflag:s16] =	ssyncadd.s32 $0xFFFFFFFF  }
0x96: {  	s17 =	sld [smem:$0x10];
	(tm) =	ssettm $0x1  }
0x97: {  	s18 =	sld [smem:$0x3FFB];
	_ =	sdelay $0x3  }
0x98: {  	_ =	strace s18  }
0x99: {  	s2 =	sld [smem:$0x3FFC];
	_ =	sdelay $0x3  }
0x9a: {  	_ =	strace s2  }
0x9b: {  	s2 =	sld [smem:$0x3FFD];
	_ =	sdelay $0x3  }
0x9c: {  	_ =	strace s2  }
0x9d: {  	_ =	strace $0x8FFFFFFF  }
0x9e: {  	s19 =	sld [smem:$0x3FDB];
	_ =	sdelay $0x1  }
0x9f: {  	s20 =	simm.s32 $_scs_section_size  }
0xa0: {  	s5 =	simm.s32 $_size__tile_overlayer_lowered;
	s6 =	simm.s32 $_tile_overlayer_lowered  }
0xa1: {  	s7 =	simm.s32 $0x1BFF;
	s21 =	sshll.u32 s6, $0x1;
	s4 =	sadd.s32 s20, s19  }
0xa2: {  	s22 =	simm.s32 $0x0;
	s5 =	sshll.u32 s5, $0x1;
	s6 =	sadd.s32 s21, s4  }
0xa3: {  	[timem:s22], [sflag:s7] =	dma.local [hbm:s6], s5  }
0xa4: {  	_ =	swait.ge [sflag:s7], s5  }
0xa5: {  	s5 =	ssub.s32 $0x0, s5;
	[sflag:s7] =	ssyncset.done $0x0  }
0xa6: {  	[sflag:s7] =	ssyncadd.s32 s5;
	_ =	sdelay $0x1  }
0xa7: {  	s23 =	simm.s32 $0x1B8B  }
0xa8: {  	_ =	swait.ge [sflag:s23], $0x1  }
0xa9: {  	[sflag:s23] =	ssyncset.done $0x0  }
0xaa: {  	[sflag:s23] =	ssyncadd.s32 $0xFFFFFFFF  }
0xab: {  	s5 =	sld [smem:$0x0]  }
0xac: {  	s6 =	sand.u32 $0xFFFFFFFE, s1  }
0xad: {  	p0 =	sne.s32 s1, s6  }
0xae: {  	s6 =	sshll.u32 @p0 s6, $0xE  }
0xaf: {  	s6 =	sadd.s32 @p0 $0x11B8D, s6;
	s7 =	sshll.u32 @p0 s5, $0x11  }
0xb0: {  	s6 =	sor.u32 @p0 s7, s6  }
0xb1: {  	[sflag:s6] =	ssyncadd.remote.s32 @p0 $0x1;
	_ =	sdelay $0x1  }
0xb2: {  	s6 =	simm.s32 @p0 $0x1B8D  }
0xb3: {  	_ =	swait.eq @p0 [sflag:s6], $0x1  }
0xb4: {  	[sflag:s6] =	ssyncadd.s32 @p0 $0xFFFFFFFF  }
0xb5: {  	s7 =	sshll.u32 @!p0 s1, $0xE  }
0xb6: {  	s7 =	sor.u32 @!p0 $0x4000, s7;
	s6 =	simm.s32 @!p0 $0x1B8D  }
0xb7: {  	s5 =	sshll.u32 @!p0 s5, $0x11;
	s7 =	sadd.s32 @!p0 $0x11B8D, s7;
	_ =	swait.eq @!p0 [sflag:s6], $0x1  }
0xb8: {  	s5 =	sor.u32 @!p0 s5, s7;
	[sflag:s6] =	ssyncadd.s32 @!p0 $0xFFFFFFFF  }
0xb9: {  	s25 =	simm.s32 $0x1B8E;
	s24 =	sld [smem:$0x3FFE];
	[sflag:s5] =	ssyncadd.remote.s32 @!p0 $0x1  }
0xba: {  	s26 =	simm.s32 $execute0_lowered;
	[smem:$0x3FD2] =	sst s25  }
0xbb: {  	s6 =	sshll.u32 s26, $0x1;
	_ =	strace $0x80000049;
	[dreg:$0x1] =	wrdreg $0xFFFFFFFF  }
0xbc: {  	s28 =	simm.s32 $_size_execute0_lowered;
	s4 =	sadd.s32 s4, s6;
	[dreg:$0x0] =	wrdreg $0x0  }
0xbd: {  	s6 =	sshll.u32 s28, $0x1;
	[dreg:$0x2] =	wrdreg s4  }
0xbe: {  	[dreg:$0x3] =	wrdreg s6  }
0xbf: {  	[dreg:$0x4] =	wrdreg $0xC0  }
0xc0: {  	_ =	task [dreg:s22], $0x5FFFF  }
0xc1: {  	[dreg:$0x1] =	wrdreg $0xFFFFFFFF  }
0xc2: {  	[dreg:$0x0] =	wrdreg $0x60  }
0xc3: {  	[dreg:$0x2] =	wrdreg s24  }
0xc4: {  	[dreg:$0x3] =	wrdreg s17  }
0xc5: {  	[dreg:$0x4] =	wrdreg $0xA  }
0xc6: {  	_ =	task.clear_ibuf [dreg:s22], $0x5FFFF;
	_ =	strace $0x90000049  }
0xc7: {  	s29 =	simm.s32 $0xA;
	_ =	strace $0x8000004B  }
0xc8: {  	_ =	swait.ge [sflag:s29], $0x1  }
0xc9: {  	[sflag:s29] =	ssyncadd.s32 $0xFFFFFFFF  }
0xca: {  	_ =	strace $0x9000004B  }
0xcb: {  	_ =	sfence  }
0xcc: {  	s30 =	sld [smem:$0x0];
	_ =	sdelay $0x2  }
0xcd: {  	s31 =	sshll.u32 s1, $0xD;
	s1 =	sshrl.u32 s1, $0x2  }
0xce: {  	s4 =	sand.u32 $0x4000, s31;
	s1 =	sadd.s32 s1, s30  }
0xcf: {  	s0 =	sor.u32 s4, s0;
	s1 =	sshll.u32 s1, $0x11  }
0xd0: {  	s0 =	sor.u32 s1, s0  }
0xd1: {  	s0 =	sadd.s32 $0x8F2B, s0  }
0xd2: {  	[sflag:s0] =	ssyncadd.remote.s32 $0x1  }
0xd3: {  	_ =	sfence.sel $0xFFFF  }
0xd4: {  	[dreg:$0x0] =	wrdreg $0xFFFFFFFF;
	(pc) =	sbr.abs _section_cstart, $3  }
0xd5: {  	[dreg:$0x1] =	wrdreg $0xFFFFFFFF  }
0xd6: {  	_ =	task.clear_ibuf [dreg:s22], $0x2FFFF;
	_ =	strace $0x9FFFFFFF  }
0xd7: {  	(tm) =	ssettm $0x7FFFFFFF  }
tec
execute0_lowered:
.L_overlay_start_1:
0x0: {  	(tag) =	ssettag $0x1  }
0x1: {  	s1 =	srdreg.scid  }
0x2: {  	s0 =	stileid.u32;
	s3 =	rddreg [dreg:$0x0]  }
0x3: {  	s9 =	rddreg [dreg:$0x1];
	s2 =	simm.s32 $0x0;
	s12 =	simm.s32 $0x2800  }
0x4: {  	s13 =	simm.s32 $0x80;
	s14 =	simm.s32 $0x400;
	s15 =	simm.s32 $0x0  }
0x5: {  	s4 =	sand.u32 $0x1, s1;
	s5 =	smul.u32 $0x2800, s0;
	s1 =	rddreg [dreg:$0x2]  }
0x6: {  	s28 =	sshrl.u32 s0, $0x3;
	[smem:$0x7FF] =	sst s2;
	s6 =	smul.u32 $0x1400, s4  }
0x7: {  	s29 =	sshll.u32 s0, $0x7;
	s7 =	smul.u32 $0x28000, s4;
	s4 =	ssub.s32 $0x2, s4  }
0x8: {  	s30 =	sshrl.u32 s4, $0x1;
	s5 =	sadd.s32 s6, s5;
	s6 =	smul.u32 $0x14000, s28  }
0x9: {  	_ =	strace $0x8000004A;
	s10 =	ssub.s32 s4, s30;
	s5 =	sshrl.u32 s5, $0x3  }
0xa: {  	s8 =	sadd.s32 s5, s3;
	s5 =	sand.u32 $0x380, s29;
	s6 =	sadd.s32 s7, s6  }
0xb: {  	s10 =	smax.u32 s10, $0x1;
	s3 =	sadd.s32 $0x1F8A00, s3;
	s6 =	sor.u32 s5, s6  }
0xc: {  	s4 =	sadd.s32 $0xCC00, s8;
	s5 =	sshrl.u32 s6, $0x3;
	s31 =	sadd.s32 $0x50000, s6  }
0xd: {  	s11 =	sadd.s32 $0xA0000, s6;
	s6 =	sadd.s32 $0x11C00, s8;
	s8 =	sadd.s32 $0x16C00, s8  }
0xe: {  	s5 =	sadd.s32 s9, s5;
	s7 =	sshrl.u32 s31, $0x3;
	s11 =	sshrl.u32 s11, $0x3  }
0xf: {  	v0 =	vimm.f32 $1.000000000e+00;
	s7 =	sadd.s32 s9, s7;
	s9 =	sadd.s32 s9, s11;
	s11 =	simm.s32 $0x1  }
.LBB2_1:
0x10: {  	[tilespmem:s2], [sflag:$0x1] =	stream.linear.gather [hbm4b:s3+s2], $0x2800, $0x38;
	[tilespmem:$0x3C00] =	vst v63  }
0x11: {  	_ =	swait.ge [sflag:s11], $0x2800  }
0x12: {  	[sflag:s11] =	ssyncset.done $0x0  }
0x13: {  	[sflag:s11] =	ssyncadd.s32 $0xFFFFD800  }
0x14: {  	[tilespmem:s12], [sflag:$0x1] =	stream.linear.gather [hbm4b:s4+s2], $0x1400, $0x38;
	[tilespmem:$0x3C00] =	vst v63  }
0x15: {  	s16 =	sand.u32 $0x7E00, s2;
	_ =	swait.ge [sflag:s11], $0x1400  }
0x16: {  	s17 =	sand.u32 $0x70, s2;
	s16 =	sshrl.u32 s16, $0x2;
	[sflag:s11] =	ssyncset.done $0x0  }
0x17: {  	s16 =	sor.u32 s17, s16;
	[sflag:s11] =	ssyncadd.s32 $0xFFFFEC00  }
0x18: {  	v1 =	vld [tilespmem:s16+$0x2800];
	_ =	sdelay $0x4  }
0x19: {  	s18 =	simm.s32 $0x40  }
0x1a: {  	s18 =	sand.u32 $0x7E00, s18;
	s17 =	simm.s32 $0x80;
	s16 =	simm.s32 $0x10  }
.LBB2_2:
0x1b: {  	p0 =	sne.s32 s17, $0x4FC0;
	s19 =	sand.u32 $0x70, s16;
	s18 =	sshrl.u32 s18, $0x2  }
0x1c: {  	s18 =	sor.u32 s19, s18;
	[tilespmem:v1+s2+$0x0] =	vst.idx.add.f32.msk $0xffff, v0  }
0x1d: {  	v1 =	vld [tilespmem:s18+$0x2800];
	_ =	sdelay $0x1  }
.Ltmp0:
0x1e: {  	(pc) =	sbr.rel @p0 .LBB2_2-.Ltmp0, $2  }
0x1f: {  	_ =	sdelay $0x2  }
0x20: {  	s16 =	sadd.s32 $0x10, s16;
	s18 =	sand.u32 $0x7E00, s17;
	s17 =	sadd.s32 $0x40, s17  }
0x21: {  	_ =	sdelay $0x2  }
0x22: {  	s16 =	sand.u32 $0x70, s16;
	s17 =	sshrl.u32 s18, $0x2  }
0x23: {  	[tilespmem:v1+s2+$0x0] =	vst.idx.add.f32.msk $0xffff, v0;
	s16 =	sor.u32 s16, s17  }
0x24: {  	v1 =	vld [tilespmem:s16+$0x2800];
	_ =	sdelay $0x7  }
0x25: {  	s29 =	simm.s32 $0x0;
	[tilespmem:v1+s2+$0x0] =	vst.idx.add.f32.msk $0xffff, v0  }
0x26: {  	[hbm4b:s5+s13] =	stream.strided.scatter [tilespmem:s29], [sflag:$0x1], $0x2800, s14, s13, $0x38;
	[tilespmem:$0x3C00] =	vst v63  }
0x27: {  	_ =	swait.ge [sflag:s11], $0x2800  }
0x28: {  	[sflag:s11] =	ssyncset.done $0x0  }
0x29: {  	[sflag:s11] =	ssyncadd.s32 $0xFFFFD800  }
0x2a: {  	[tilespmem:s29], [sflag:$0x1] =	stream.linear.gather [hbm4b:s3+s29], $0x2800, $0x38;
	[tilespmem:$0x3C00] =	vst v63  }
0x2b: {  	_ =	swait.ge [sflag:s11], $0x2800  }
0x2c: {  	[sflag:s11] =	ssyncset.done $0x0  }
0x2d: {  	[sflag:s11] =	ssyncadd.s32 $0xFFFFD800  }
0x2e: {  	[tilespmem:s12], [sflag:$0x1] =	stream.linear.gather [hbm4b:s6+s29], $0x1400, $0x38;
	[tilespmem:$0x3C00] =	vst v63  }
0x2f: {  	s30 =	sand.u32 $0x7E00, s29;
	_ =	swait.ge [sflag:s11], $0x1400  }
0x30: {  	s16 =	sand.u32 $0x70, s29;
	s17 =	sshrl.u32 s30, $0x2;
	[sflag:s11] =	ssyncset.done $0x0  }
0x31: {  	s16 =	sor.u32 s16, s17;
	[sflag:s11] =	ssyncadd.s32 $0xFFFFEC00  }
0x32: {  	v1 =	vld [tilespmem:s16+$0x2800];
	_ =	sdelay $0x4  }
0x33: {  	s31 =	simm.s32 $0x40  }
0x34: {  	s18 =	sand.u32 $0x7E00, s31;
	s17 =	simm.s32 $0x80;
	s16 =	simm.s32 $0x10  }
.LBB2_4:
0x35: {  	p0 =	sne.s32 s17, $0x4FC0;
	s19 =	sand.u32 $0x70, s16;
	s18 =	sshrl.u32 s18, $0x2  }
0x36: {  	s18 =	sor.u32 s19, s18;
	[tilespmem:v1+s2+$0x0] =	vst.idx.add.f32.msk $0xffff, v0  }
0x37: {  	v1 =	vld [tilespmem:s18+$0x2800];
	_ =	sdelay $0x1  }
.Ltmp1:
0x38: {  	(pc) =	sbr.rel @p0 .LBB2_4-.Ltmp1, $2  }
0x39: {  	_ =	sdelay $0x2  }
0x3a: {  	s16 =	sadd.s32 $0x10, s16;
	s18 =	sand.u32 $0x7E00, s17;
	s17 =	sadd.s32 $0x40, s17  }
0x3b: {  	_ =	sdelay $0x2  }
0x3c: {  	s16 =	sand.u32 $0x70, s16;
	s17 =	sshrl.u32 s18, $0x2  }
0x3d: {  	[tilespmem:v1+s2+$0x0] =	vst.idx.add.f32.msk $0xffff, v0;
	s16 =	sor.u32 s16, s17  }
0x3e: {  	v1 =	vld [tilespmem:s16+$0x2800];
	_ =	sdelay $0x7  }
0x3f: {  	s29 =	simm.s32 $0x0;
	[tilespmem:v1+s2+$0x0] =	vst.idx.add.f32.msk $0xffff, v0  }
0x40: {  	[hbm4b:s7+s13] =	stream.strided.scatter [tilespmem:s29], [sflag:$0x1], $0x2800, s14, s13, $0x38;
	[tilespmem:$0x3C00] =	vst v63  }
0x41: {  	_ =	swait.ge [sflag:s11], $0x2800  }
0x42: {  	[sflag:s11] =	ssyncset.done $0x0  }
0x43: {  	[sflag:s11] =	ssyncadd.s32 $0xFFFFD800  }
0x44: {  	[tilespmem:s29], [sflag:$0x1] =	stream.linear.gather [hbm4b:s3+s29], $0x2800, $0x38;
	[tilespmem:$0x3C00] =	vst v63  }
0x45: {  	_ =	swait.ge [sflag:s11], $0x2800  }
0x46: {  	[sflag:s11] =	ssyncset.done $0x0  }
0x47: {  	[sflag:s11] =	ssyncadd.s32 $0xFFFFD800  }
0x48: {  	[tilespmem:s12], [sflag:$0x1] =	stream.linear.gather [hbm4b:s8+s29], $0x1400, $0x38;
	[tilespmem:$0x3C00] =	vst v63  }
0x49: {  	s30 =	sand.u32 $0x7E00, s29;
	_ =	swait.ge [sflag:s11], $0x1400  }
0x4a: {  	s16 =	sand.u32 $0x70, s29;
	s17 =	sshrl.u32 s30, $0x2;
	[sflag:s11] =	ssyncset.done $0x0  }
0x4b: {  	s16 =	sor.u32 s16, s17;
	[sflag:s11] =	ssyncadd.s32 $0xFFFFEC00  }
0x4c: {  	v1 =	vld [tilespmem:s16+$0x2800];
	_ =	sdelay $0x4  }
0x4d: {  	s31 =	simm.s32 $0x40  }
0x4e: {  	s18 =	sand.u32 $0x7E00, s31;
	s17 =	simm.s32 $0x80;
	s16 =	simm.s32 $0x10  }
.LBB2_6:
0x4f: {  	p0 =	sne.s32 s17, $0x4FC0;
	s19 =	sand.u32 $0x70, s16;
	s18 =	sshrl.u32 s18, $0x2  }
0x50: {  	s18 =	sor.u32 s19, s18;
	[tilespmem:v1+s2+$0x0] =	vst.idx.add.f32.msk $0xffff, v0  }
0x51: {  	v1 =	vld [tilespmem:s18+$0x2800];
	_ =	sdelay $0x1  }
.Ltmp2:
0x52: {  	(pc) =	sbr.rel @p0 .LBB2_6-.Ltmp2, $2  }
0x53: {  	_ =	sdelay $0x2  }
0x54: {  	s16 =	sadd.s32 $0x10, s16;
	s18 =	sand.u32 $0x7E00, s17;
	s17 =	sadd.s32 $0x40, s17  }
0x55: {  	_ =	sdelay $0x2  }
0x56: {  	s16 =	sand.u32 $0x70, s16;
	s17 =	sshrl.u32 s18, $0x2  }
0x57: {  	[tilespmem:v1+s2+$0x0] =	vst.idx.add.f32.msk $0xffff, v0;
	s16 =	sor.u32 s16, s17  }
0x58: {  	v1 =	vld [tilespmem:s16+$0x2800];
	_ =	sdelay $0x5  }
0x59: {  	s15 =	sadd.s32 $0x1, s15  }
0x5a: {  	p0 =	sne.s32 s15, s10  }
.Ltmp3:
0x5b: {  	[tilespmem:v1+s2+$0x0] =	vst.idx.add.f32.msk $0xffff, v0;
	(pc) =	sbr.rel @p0 .LBB2_1-.Ltmp3, $4  }
0x5c: {  	[hbm4b:s9+s13] =	stream.strided.scatter [tilespmem:s2], [sflag:$0x1], $0x2800, s14, s13, $0x38;
	[tilespmem:$0x3C00] =	vst v63  }
0x5d: {  	_ =	swait.ge [sflag:s11], $0x2800  }
0x5e: {  	[sflag:s11] =	ssyncset.done $0x0  }
0x5f: {  	[sflag:s11] =	ssyncadd.s32 $0xFFFFD800  }
0x60: {  	_ =	sfence.sel $0x180000  }
0x61: {  	[bflag:$0x0] =	sbarrier.arrive $0xFFFF  }
0x62: {  	p0 =	sne.s32 s0, $0x0;
	_ =	strace $0x9000004A  }
0x63: {  	s0 =	sadd.s32 @!p0 $0x100000, s1;
	[bflag:$0x2] =	sbarrier.arrive $0xFFFF  }
0x64: {  	[sflag:s0] =	ssyncadd.tile.s32 @!p0 $0x1;
	_ =	shalt  }
.Lfunc_end2:
_tile_overlayer_lowered:
.L_overlay_start_2:
0x65: {  	(tag) =	ssettag $0x2  }
0x66: {  	s0 =	rddreg [dreg:$0x0];
	s2 =	stileid.u32  }
0x67: {  	s1 =	rddreg [dreg:$0x1];
	p0 =	sne.s32 s2, $0x0  }
0x68: {  	s3 =	rddreg [dreg:$0x2];
	[bflag:$0x3] =	sbarrier.arrive $0xFFFF;
	s2 =	simm.s32 @!p0 $0x1C01  }
0x69: {  	[timem:s3], [sflag:s2] =	dma.local @!p0 [hbm:s0], s1  }
0x6a: {  	s0 =	simm.s32 @!p0 $0x1  }
0x6b: {  	_ =	swait.ge @!p0 [sflag:s0], s1  }
0x6c: {  	s1 =	ssub.s32 @!p0 $0x0, s1;
	[sflag:s0] =	ssyncset.done @!p0 $0x0  }
0x6d: {  	[sflag:s0] =	ssyncadd.s32 @!p0 s1  }
0x6e: {  	[bflag:$0x3] =	sbarrier.arrive $0xFFFF  }
0x6f: {  	_ =	shalt  }

</sc_bundles>
